<compile_context>
chip_gen: v7x
topology: tpu7x:2x2x1
jax: 0.10.2.dev20260603
libtpu: 0.0.44.dev20260713+nightly
codegen_flags: <defaults>
</compile_context>

<pallas_src>
import functools

import jax
import jax.numpy as jnp
from jax import lax
from jax.experimental import pallas as pl
from jax.experimental.pallas import tpu as pltpu
from jax.experimental.pallas import tpu_sc as plsc

NUM_NODES = 100000
D = 128
B = 500000
NC = 2
NS = 16
NW = NC * NS
CHUNK = 128
NROWS = B // CHUNK
TAIL = B - NROWS * CHUNK
TAIL_BASE = NROWS * CHUNK
K = 122
NEXTRA = NROWS - NW * K
NBUF = 6
DELAY = 3

_mesh = plsc.VectorSubcoreMesh(core_axis_name="c", subcore_axis_name="s")


@functools.partial(
    pl.kernel,
    mesh=_mesh,
    out_type=(
        jax.ShapeDtypeStruct((B, D), jnp.float32),
        jax.ShapeDtypeStruct((B,), jnp.int32),
    ),
    scratch_types=[
        pltpu.VMEM_SHARED((NUM_NODES,), jnp.int32),
        pltpu.VMEM((K * CHUNK,), jnp.int32),
        pltpu.VMEM((NBUF, CHUNK, D), jnp.float32),
        pltpu.VMEM((NBUF, CHUNK), jnp.int32),
        pltpu.VMEM((TAIL,), jnp.int32),
        pltpu.VMEM((TAIL, D), jnp.float32),
        pltpu.VMEM((TAIL,), jnp.int32),
        pltpu.SemaphoreType.DMA((NBUF,)),
        pltpu.SemaphoreType.DMA((NBUF,)),
        pltpu.SemaphoreType.DMA((NBUF,)),
        pltpu.SemaphoreType.DMA((NBUF,)),
        pltpu.SemaphoreType.DMA,
        pltpu.SemaphoreType.DMA,
    ],
)
def _gather_kernel(mem_hbm, lu_hbm, nid_hbm, out_mem, out_lu,
                   lu_shr, idx_all, rows_v, lu_v, idx_t, rows_t, lu_t,
                   gsem, lsem, osem, qsem, sem_a, sem_b):
    wid = lax.axis_index("s") * NC + lax.axis_index("c")
    wrow = wid * K

    @pl.when(lax.axis_index("s") == 0)
    def _stage_lu():
        pltpu.async_copy(lu_hbm, lu_shr, sem_a)

    pltpu.sync_copy(nid_hbm.at[pl.ds(wrow * CHUNK, K * CHUNK)], idx_all)

    def fire_rows(k, b):
        ix = idx_all.at[pl.ds(k * CHUNK, CHUNK)]
        pltpu.async_copy(mem_hbm.at[ix], rows_v.at[b], gsem.at[b])

    def fire_lu(k, b):
        ix = idx_all.at[pl.ds(k * CHUNK, CHUNK)]
        pltpu.async_copy(lu_shr.at[ix], lu_v.at[b], lsem.at[b])

    def fire(k, b):
        fire_rows(k, b)
        fire_lu(k, b)

    def drain_and_write(k, b):
        base = (wrow + k) * CHUNK
        ix = idx_all.at[pl.ds(k * CHUNK, CHUNK)]
        pltpu.make_async_copy(mem_hbm.at[ix], rows_v.at[b],
                              gsem.at[b]).wait()
        pltpu.make_async_copy(lu_shr.at[ix], lu_v.at[b],
                              lsem.at[b]).wait()
        pltpu.async_copy(rows_v.at[b], out_mem.at[pl.ds(base, CHUNK)],
                         osem.at[b])
        pltpu.async_copy(lu_v.at[b], out_lu.at[pl.ds(base, CHUNK)],
                         qsem.at[b])

    def wait_write(b):
        pltpu.make_async_copy(rows_v.at[b], out_mem.at[pl.ds(0, CHUNK)],
                              osem.at[b]).wait()
        pltpu.make_async_copy(lu_v.at[b], out_lu.at[pl.ds(0, CHUNK)],
                              qsem.at[b]).wait()

    fire_rows(0, 0)
    fire_rows(1, 1)
    fire_rows(2, 2)
    fire_rows(3, 3)

    @pl.when(lax.axis_index("s") == 0)
    def _wait_stage():
        pltpu.make_async_copy(lu_hbm, lu_shr, sem_a).wait()

    plsc.subcore_barrier()
    fire_lu(0, 0)
    fire_lu(1, 1)
    fire_lu(2, 2)
    fire_lu(3, 3)
    drain_and_write(0, 0)
    fire(4, 4)
    drain_and_write(1, 1)
    fire(5, 5)
    drain_and_write(2, 2)

    def group(g, carry):
        for b in range(NBUF):
            k = g * NBUF + b
            wait_write(b)
            fire(k, b)
            drain_and_write(k - DELAY, (b + DELAY) % NBUF)
        return carry

    lax.fori_loop(1, 120 // NBUF, group, 0)

    wait_write(0)
    fire(K - 2, 0)
    drain_and_write(117, 3)
    wait_write(1)
    fire(K - 1, 1)
    drain_and_write(118, 4)
    drain_and_write(119, 5)
    drain_and_write(120, 0)
    drain_and_write(121, 1)
    for b in range(NBUF):
        wait_write(b)

    @pl.when(wid < NEXTRA)
    def _extra():
        row = NW * K + wid
        pltpu.sync_copy(nid_hbm.at[pl.ds(row * CHUNK, CHUNK)],
                        idx_all.at[pl.ds(0, CHUNK)])
        fire(0, 0)
        ix = idx_all.at[pl.ds(0, CHUNK)]
        pltpu.make_async_copy(mem_hbm.at[ix], rows_v.at[0],
                              gsem.at[0]).wait()
        pltpu.make_async_copy(lu_shr.at[ix], lu_v.at[0],
                              lsem.at[0]).wait()
        base = row * CHUNK
        pltpu.sync_copy(rows_v.at[0], out_mem.at[pl.ds(base, CHUNK)])
        pltpu.sync_copy(lu_v.at[0], out_lu.at[pl.ds(base, CHUNK)])

    @pl.when(wid == NEXTRA)
    def _tail():
        pltpu.sync_copy(nid_hbm.at[pl.ds(TAIL_BASE, TAIL)], idx_t)
        cp_rows = pltpu.async_copy(mem_hbm.at[idx_t], rows_t, sem_a)
        cp_lu = pltpu.async_copy(lu_shr.at[idx_t], lu_t, sem_b)
        cp_rows.wait()
        cp_lu.wait()
        pltpu.sync_copy(rows_t, out_mem.at[pl.ds(TAIL_BASE, TAIL)])
        pltpu.sync_copy(lu_t, out_lu.at[pl.ds(TAIL_BASE, TAIL)])


def kernel(memory, last_update, n_id):
    lu = last_update.astype(jnp.int32)
    nid = n_id.astype(jnp.int32)
    mem_out, lu_out = _gather_kernel(memory, lu, nid)
    return mem_out, lu_out.astype(last_update.dtype)

# --- scband reference (transcript-rebuilt; emitter-appended) ---
"""Pipeline reference for scband-simple-memory-8942121910869 (READ-ONLY COPY).

The authoritative reference and input builder live on the scoring server;
editing this copy changes nothing except your own understanding.
"""

import jax, jax.numpy as jnp
import numpy as np

NUM_NODES = 100000
MEMORY_DIM = 128
N_ID = 500000
INIT_TIME = 0

def setup_inputs(seed: int = 0) -> dict:
    key = jax.random.key(seed)
    k1, k2, k3 = jax.random.split(key, 3)
    # Buffers of the module. The torch module initializes memory to zeros and
    # last_update to init_time; we use a randomly-populated memory (as it would be
    # after update_state calls) to make the gather non-trivial, and last_update
    # with realistic timestamps.
    memory = jax.random.normal(k1, (NUM_NODES, MEMORY_DIM), dtype=jnp.float32)
    last_update = jax.random.randint(k2, (NUM_NODES,), INIT_TIME, INIT_TIME + 100000, dtype=jnp.int64)
    n_id = jax.random.randint(k3, (N_ID,), 0, NUM_NODES, dtype=jnp.int64)
    return {"memory": memory, "last_update": last_update, "n_id": n_id}

def reference(memory, last_update, n_id):
    # forward(n_id) -> (memory[n_id], last_update[n_id])
    mem_out = jnp.take(memory, n_id, axis=0)
    lu_out = jnp.take(last_update, n_id, axis=0)
    return (mem_out, lu_out)

if __name__ == "__main__":
    import jax
    _d = setup_inputs()
    print(jax.jit(kernel)(*tuple(_d.values())))

</pallas_src>

<mosaic_0001>
#map = affine_map<(d0, d1) -> (0, 0)>
#map1 = affine_map<(d0, d1) -> (0)>
module attributes {stable_mosaic.version = 14 : i64} {
  func.func @_gather_kernel(%arg0: i32, %arg1: i32, %arg2: memref<100000x128xf32, #tpu.memory_space<hbm>>, %arg3: memref<100000xi32, #tpu.memory_space<hbm>>, %arg4: memref<500000xi32, #tpu.memory_space<hbm>>, %arg5: memref<500000x128xf32, #tpu.memory_space<hbm>>, %arg6: memref<500000xi32, #tpu.memory_space<hbm>>, %arg7: memref<100000xi32, #tpu.memory_space<vmem_shared>>, %arg8: memref<15616xi32, #tpu.memory_space<vmem>>, %arg9: memref<6x128x128xf32, #tpu.memory_space<vmem>>, %arg10: memref<6x128xi32, #tpu.memory_space<vmem>>, %arg11: memref<32xi32, #tpu.memory_space<vmem>>, %arg12: memref<32x128xf32, #tpu.memory_space<vmem>>, %arg13: memref<32xi32, #tpu.memory_space<vmem>>, %arg14: memref<6x!tpu.dma_semaphore, #tpu.memory_space<semaphore_mem>>, %arg15: memref<6x!tpu.dma_semaphore, #tpu.memory_space<semaphore_mem>>, %arg16: memref<6x!tpu.dma_semaphore, #tpu.memory_space<semaphore_mem>>, %arg17: memref<6x!tpu.dma_semaphore, #tpu.memory_space<semaphore_mem>>, %arg18: memref<!tpu.dma_semaphore, #tpu.memory_space<semaphore_mem>>, %arg19: memref<!tpu.dma_semaphore, #tpu.memory_space<semaphore_mem>>) attributes {dimension_semantics = [#tpu.dimension_semantics<core_parallel>, #tpu.dimension_semantics<subcore_parallel>], iteration_bounds = array<i64: 2, 16>, scalar_prefetch = 0 : i64, scratch_operands = 13 : i64, tpu.core_type = #tpu.core_type<sc_vector_subcore>, window_params = [{transform_indices = #map}, {transform_indices = #map1}, {transform_indices = #map1}, {transform_indices = #map}, {transform_indices = #map1}]} {
    %mul3A = arith.constant 2 : i32
    %mul3A_0 = arith.muli %arg1, %mul3A : i32
    %add3A = arith.addi %mul3A_0, %arg0 : i32
    %mul3A_1 = arith.constant 122 : i32
    %mul3A_2 = arith.muli %add3A, %mul3A_1 : i32
    %eq3A = arith.constant 0 : i32
    %eq3A_3 = arith.cmpi eq, %arg1, %eq3A : i32
    %convert_element_type3A = arith.extui %eq3A_3 : i1 to i32
    %cond3A = arith.constant 0 : i32
    %cond3A_4 = arith.cmpi ne, %convert_element_type3A, %cond3A : i32
    scf.if %cond3A_4 {
      tpu.enqueue_dma source(%arg3 : memref<100000xi32, #tpu.memory_space<hbm>>) target(%arg7 : memref<100000xi32, #tpu.memory_space<vmem_shared>>) target_semaphore(%arg18 : memref<!tpu.dma_semaphore, #tpu.memory_space<semaphore_mem>>)
    } else {
    }
    %mul3A_5 = arith.constant 128 : i32
    %mul3A_6 = arith.muli %mul3A_2, %mul3A_5 : i32
    "tpu.region"() ({
      %run_scoped3A = tpu.sem_alloc : memref<!tpu.dma_semaphore, #tpu.memory_space<semaphore_mem>>
      %dma_start3A_920 = tpu.memref_slice %arg4[%mul3A_6] : memref<500000xi32, #tpu.memory_space<hbm>> -> memref<15616xi32, #tpu.memory_space<hbm>>
      %dma_start3A_921 = tpu.memref_slice %arg4[%mul3A_6] : memref<500000xi32, #tpu.memory_space<hbm>> -> memref<15616xi32, #tpu.memory_space<hbm>>
      tpu.enqueue_dma source(%dma_start3A_921 : memref<15616xi32, #tpu.memory_space<hbm>>) target(%arg8 : memref<15616xi32, #tpu.memory_space<vmem>>) target_semaphore(%run_scoped3A : memref<!tpu.dma_semaphore, #tpu.memory_space<semaphore_mem>>)
      %dma_wait3A_922 = tpu.memref_slice %arg4[%mul3A_6] : memref<500000xi32, #tpu.memory_space<hbm>> -> memref<15616xi32, #tpu.memory_space<hbm>>
      %dma_wait3A_923 = tpu.memref_slice %arg4[%mul3A_6] : memref<500000xi32, #tpu.memory_space<hbm>> -> memref<15616xi32, #tpu.memory_space<hbm>>
      tpu.wait_dma2 semaphore(%run_scoped3A : memref<!tpu.dma_semaphore, #tpu.memory_space<semaphore_mem>>) src(%dma_wait3A_923 : memref<15616xi32, #tpu.memory_space<hbm>>) dst(%arg8 : memref<15616xi32, #tpu.memory_space<vmem>>)
      tpu.yield
    }) : () -> ()
    %dma_start3A = arith.constant 0 : i32
    %dma_start3A_7 = arith.constant 0 : i32
    %dma_start3A_8 = arith.constant 0 : i32
    %dma_start3A_9 = arith.constant 0 : i32
    %dma_start3A_10 = tpu.memref_slice %arg9[%dma_start3A, %dma_start3A_8, %dma_start3A_9] : memref<6x128x128xf32, #tpu.memory_space<vmem>> -> memref<1x128x128xf32, #tpu.memory_space<vmem>>
    %dma_start3A_11 = tpu.memref_squeeze %dma_start3A_10 : memref<1x128x128xf32, #tpu.memory_space<vmem>> -> memref<128x128xf32, #tpu.memory_space<vmem>>
    %dma_start3A_12 = arith.constant 0 : i32
    %dma_start3A_13 = tpu.memref_slice %arg8[%dma_start3A_12] : memref<15616xi32, #tpu.memory_space<vmem>> -> memref<128xi32, #tpu.memory_space<vmem>>
    %dma_start3A_14 = arith.constant 0 : i32
    %dma_start3A_15 = arith.constant 0 : i32
    %dma_start3A_16 = tpu.memref_slice %arg2[%dma_start3A_14, %dma_start3A_15] : memref<100000x128xf32, #tpu.memory_space<hbm>> -> memref<100000x128xf32, #tpu.memory_space<hbm>>
    %dma_start3A_17 = tpu.memref_slice %arg14[%dma_start3A_7] : memref<6x!tpu.dma_semaphore, #tpu.memory_space<semaphore_mem>> -> memref<1x!tpu.dma_semaphore, #tpu.memory_space<semaphore_mem>>
    %dma_start3A_18 = tpu.memref_squeeze %dma_start3A_17 : memref<1x!tpu.dma_semaphore, #tpu.memory_space<semaphore_mem>> -> memref<!tpu.dma_semaphore, #tpu.memory_space<semaphore_mem>>
    tpu.enqueue_indirect_dma source(%dma_start3A_16 : memref<100000x128xf32, #tpu.memory_space<hbm>>) target(%dma_start3A_11 : memref<128x128xf32, #tpu.memory_space<vmem>>) offsets(%dma_start3A_13 : memref<128xi32, #tpu.memory_space<vmem>>) semaphore(%dma_start3A_18 : memref<!tpu.dma_semaphore, #tpu.memory_space<semaphore_mem>>)
    %dma_start3A_19 = arith.constant 1 : i32
    %dma_start3A_20 = arith.constant 1 : i32
    %dma_start3A_21 = arith.constant 0 : i32
    %dma_start3A_22 = arith.constant 0 : i32
    %dma_start3A_23 = tpu.memref_slice %arg9[%dma_start3A_19, %dma_start3A_21, %dma_start3A_22] : memref<6x128x128xf32, #tpu.memory_space<vmem>> -> memref<1x128x128xf32, #tpu.memory_space<vmem>>
    %dma_start3A_24 = tpu.memref_squeeze %dma_start3A_23 : memref<1x128x128xf32, #tpu.memory_space<vmem>> -> memref<128x128xf32, #tpu.memory_space<vmem>>
    %dma_start3A_25 = arith.constant 128 : i32
    %dma_start3A_26 = tpu.memref_slice %arg8[%dma_start3A_25] : memref<15616xi32, #tpu.memory_space<vmem>> -> memref<128xi32, #tpu.memory_space<vmem>>
    %dma_start3A_27 = arith.constant 0 : i32
    %dma_start3A_28 = arith.constant 0 : i32
    %dma_start3A_29 = tpu.memref_slice %arg2[%dma_start3A_27, %dma_start3A_28] : memref<100000x128xf32, #tpu.memory_space<hbm>> -> memref<100000x128xf32, #tpu.memory_space<hbm>>
    %dma_start3A_30 = tpu.memref_slice %arg14[%dma_start3A_20] : memref<6x!tpu.dma_semaphore, #tpu.memory_space<semaphore_mem>> -> memref<1x!tpu.dma_semaphore, #tpu.memory_space<semaphore_mem>>
    %dma_start3A_31 = tpu.memref_squeeze %dma_start3A_30 : memref<1x!tpu.dma_semaphore, #tpu.memory_space<semaphore_mem>> -> memref<!tpu.dma_semaphore, #tpu.memory_space<semaphore_mem>>
    tpu.enqueue_indirect_dma source(%dma_start3A_29 : memref<100000x128xf32, #tpu.memory_space<hbm>>) target(%dma_start3A_24 : memref<128x128xf32, #tpu.memory_space<vmem>>) offsets(%dma_start3A_26 : memref<128xi32, #tpu.memory_space<vmem>>) semaphore(%dma_start3A_31 : memref<!tpu.dma_semaphore, #tpu.memory_space<semaphore_mem>>)
    %dma_start3A_32 = arith.constant 2 : i32
    %dma_start3A_33 = arith.constant 2 : i32
    %dma_start3A_34 = arith.constant 0 : i32
    %dma_start3A_35 = arith.constant 0 : i32
    %dma_start3A_36 = tpu.memref_slice %arg9[%dma_start3A_32, %dma_start3A_34, %dma_start3A_35] : memref<6x128x128xf32, #tpu.memory_space<vmem>> -> memref<1x128x128xf32, #tpu.memory_space<vmem>>
    %dma_start3A_37 = tpu.memref_squeeze %dma_start3A_36 : memref<1x128x128xf32, #tpu.memory_space<vmem>> -> memref<128x128xf32, #tpu.memory_space<vmem>>
    %dma_start3A_38 = arith.constant 256 : i32
    %dma_start3A_39 = tpu.memref_slice %arg8[%dma_start3A_38] : memref<15616xi32, #tpu.memory_space<vmem>> -> memref<128xi32, #tpu.memory_space<vmem>>
    %dma_start3A_40 = arith.constant 0 : i32
    %dma_start3A_41 = arith.constant 0 : i32
    %dma_start3A_42 = tpu.memref_slice %arg2[%dma_start3A_40, %dma_start3A_41] : memref<100000x128xf32, #tpu.memory_space<hbm>> -> memref<100000x128xf32, #tpu.memory_space<hbm>>
    %dma_start3A_43 = tpu.memref_slice %arg14[%dma_start3A_33] : memref<6x!tpu.dma_semaphore, #tpu.memory_space<semaphore_mem>> -> memref<1x!tpu.dma_semaphore, #tpu.memory_space<semaphore_mem>>
    %dma_start3A_44 = tpu.memref_squeeze %dma_start3A_43 : memref<1x!tpu.dma_semaphore, #tpu.memory_space<semaphore_mem>> -> memref<!tpu.dma_semaphore, #tpu.memory_space<semaphore_mem>>
    tpu.enqueue_indirect_dma source(%dma_start3A_42 : memref<100000x128xf32, #tpu.memory_space<hbm>>) target(%dma_start3A_37 : memref<128x128xf32, #tpu.memory_space<vmem>>) offsets(%dma_start3A_39 : memref<128xi32, #tpu.memory_space<vmem>>) semaphore(%dma_start3A_44 : memref<!tpu.dma_semaphore, #tpu.memory_space<semaphore_mem>>)
    %dma_start3A_45 = arith.constant 3 : i32
    %dma_start3A_46 = arith.constant 3 : i32
    %dma_start3A_47 = arith.constant 0 : i32
    %dma_start3A_48 = arith.constant 0 : i32
    %dma_start3A_49 = tpu.memref_slice %arg9[%dma_start3A_45, %dma_start3A_47, %dma_start3A_48] : memref<6x128x128xf32, #tpu.memory_space<vmem>> -> memref<1x128x128xf32, #tpu.memory_space<vmem>>
    %dma_start3A_50 = tpu.memref_squeeze %dma_start3A_49 : memref<1x128x128xf32, #tpu.memory_space<vmem>> -> memref<128x128xf32, #tpu.memory_space<vmem>>
    %dma_start3A_51 = arith.constant 384 : i32
    %dma_start3A_52 = tpu.memref_slice %arg8[%dma_start3A_51] : memref<15616xi32, #tpu.memory_space<vmem>> -> memref<128xi32, #tpu.memory_space<vmem>>
    %dma_start3A_53 = arith.constant 0 : i32
    %dma_start3A_54 = arith.constant 0 : i32
    %dma_start3A_55 = tpu.memref_slice %arg2[%dma_start3A_53, %dma_start3A_54] : memref<100000x128xf32, #tpu.memory_space<hbm>> -> memref<100000x128xf32, #tpu.memory_space<hbm>>
    %dma_start3A_56 = tpu.memref_slice %arg14[%dma_start3A_46] : memref<6x!tpu.dma_semaphore, #tpu.memory_space<semaphore_mem>> -> memref<1x!tpu.dma_semaphore, #tpu.memory_space<semaphore_mem>>
    %dma_start3A_57 = tpu.memref_squeeze %dma_start3A_56 : memref<1x!tpu.dma_semaphore, #tpu.memory_space<semaphore_mem>> -> memref<!tpu.dma_semaphore, #tpu.memory_space<semaphore_mem>>
    tpu.enqueue_indirect_dma source(%dma_start3A_55 : memref<100000x128xf32, #tpu.memory_space<hbm>>) target(%dma_start3A_50 : memref<128x128xf32, #tpu.memory_space<vmem>>) offsets(%dma_start3A_52 : memref<128xi32, #tpu.memory_space<vmem>>) semaphore(%dma_start3A_57 : memref<!tpu.dma_semaphore, #tpu.memory_space<semaphore_mem>>)
    %eq3A_58 = arith.constant 0 : i32
    %eq3A_59 = arith.cmpi eq, %arg1, %eq3A_58 : i32
    %convert_element_type3A_60 = arith.extui %eq3A_59 : i1 to i32
    %cond3A_61 = arith.constant 0 : i32
    %cond3A_62 = arith.cmpi ne, %convert_element_type3A_60, %cond3A_61 : i32
    scf.if %cond3A_62 {
      tpu.wait_dma2 semaphore(%arg18 : memref<!tpu.dma_semaphore, #tpu.memory_space<semaphore_mem>>) src(%arg3 : memref<100000xi32, #tpu.memory_space<hbm>>) dst(%arg7 : memref<100000xi32, #tpu.memory_space<vmem_shared>>)
    } else {
    }
    %barrier3A = arith.constant 0 : index
    tpu.barrier barrier_id(%barrier3A)
    %dma_start3A_63 = arith.constant 0 : i32
    %dma_start3A_64 = arith.constant 0 : i32
    %dma_start3A_65 = arith.constant 0 : i32
    %dma_start3A_66 = tpu.memref_slice %arg10[%dma_start3A_63, %dma_start3A_65] : memref<6x128xi32, #tpu.memory_space<vmem>> -> memref<1x128xi32, #tpu.memory_space<vmem>>
    %dma_start3A_67 = tpu.memref_squeeze %dma_start3A_66 : memref<1x128xi32, #tpu.memory_space<vmem>> -> memref<128xi32, #tpu.memory_space<vmem>>
    %dma_start3A_68 = arith.constant 0 : i32
    %dma_start3A_69 = tpu.memref_slice %arg8[%dma_start3A_68] : memref<15616xi32, #tpu.memory_space<vmem>> -> memref<128xi32, #tpu.memory_space<vmem>>
    %dma_start3A_70 = arith.constant 0 : i32
    %dma_start3A_71 = tpu.memref_slice %arg7[%dma_start3A_70] : memref<100000xi32, #tpu.memory_space<vmem_shared>> -> memref<100000xi32, #tpu.memory_space<vmem_shared>>
    %dma_start3A_72 = tpu.memref_slice %arg15[%dma_start3A_64] : memref<6x!tpu.dma_semaphore, #tpu.memory_space<semaphore_mem>> -> memref<1x!tpu.dma_semaphore, #tpu.memory_space<semaphore_mem>>
    %dma_start3A_73 = tpu.memref_squeeze %dma_start3A_72 : memref<1x!tpu.dma_semaphore, #tpu.memory_space<semaphore_mem>> -> memref<!tpu.dma_semaphore, #tpu.memory_space<semaphore_mem>>
    tpu.enqueue_indirect_dma source(%dma_start3A_71 : memref<100000xi32, #tpu.memory_space<vmem_shared>>) target(%dma_start3A_67 : memref<128xi32, #tpu.memory_space<vmem>>) offsets(%dma_start3A_69 : memref<128xi32, #tpu.memory_space<vmem>>) semaphore(%dma_start3A_73 : memref<!tpu.dma_semaphore, #tpu.memory_space<semaphore_mem>>)
    %dma_start3A_74 = arith.constant 1 : i32
    %dma_start3A_75 = arith.constant 1 : i32
    %dma_start3A_76 = arith.constant 0 : i32
    %dma_start3A_77 = tpu.memref_slice %arg10[%dma_start3A_74, %dma_start3A_76] : memref<6x128xi32, #tpu.memory_space<vmem>> -> memref<1x128xi32, #tpu.memory_space<vmem>>
    %dma_start3A_78 = tpu.memref_squeeze %dma_start3A_77 : memref<1x128xi32, #tpu.memory_space<vmem>> -> memref<128xi32, #tpu.memory_space<vmem>>
    %dma_start3A_79 = arith.constant 128 : i32
    %dma_start3A_80 = tpu.memref_slice %arg8[%dma_start3A_79] : memref<15616xi32, #tpu.memory_space<vmem>> -> memref<128xi32, #tpu.memory_space<vmem>>
    %dma_start3A_81 = arith.constant 0 : i32
    %dma_start3A_82 = tpu.memref_slice %arg7[%dma_start3A_81] : memref<100000xi32, #tpu.memory_space<vmem_shared>> -> memref<100000xi32, #tpu.memory_space<vmem_shared>>
    %dma_start3A_83 = tpu.memref_slice %arg15[%dma_start3A_75] : memref<6x!tpu.dma_semaphore, #tpu.memory_space<semaphore_mem>> -> memref<1x!tpu.dma_semaphore, #tpu.memory_space<semaphore_mem>>
    %dma_start3A_84 = tpu.memref_squeeze %dma_start3A_83 : memref<1x!tpu.dma_semaphore, #tpu.memory_space<semaphore_mem>> -> memref<!tpu.dma_semaphore, #tpu.memory_space<semaphore_mem>>
    tpu.enqueue_indirect_dma source(%dma_start3A_82 : memref<100000xi32, #tpu.memory_space<vmem_shared>>) target(%dma_start3A_78 : memref<128xi32, #tpu.memory_space<vmem>>) offsets(%dma_start3A_80 : memref<128xi32, #tpu.memory_space<vmem>>) semaphore(%dma_start3A_84 : memref<!tpu.dma_semaphore, #tpu.memory_space<semaphore_mem>>)
    %dma_start3A_85 = arith.constant 2 : i32
    %dma_start3A_86 = arith.constant 2 : i32
    %dma_start3A_87 = arith.constant 0 : i32
    %dma_start3A_88 = tpu.memref_slice %arg10[%dma_start3A_85, %dma_start3A_87] : memref<6x128xi32, #tpu.memory_space<vmem>> -> memref<1x128xi32, #tpu.memory_space<vmem>>
    %dma_start3A_89 = tpu.memref_squeeze %dma_start3A_88 : memref<1x128xi32, #tpu.memory_space<vmem>> -> memref<128xi32, #tpu.memory_space<vmem>>
    %dma_start3A_90 = arith.constant 256 : i32
    %dma_start3A_91 = tpu.memref_slice %arg8[%dma_start3A_90] : memref<15616xi32, #tpu.memory_space<vmem>> -> memref<128xi32, #tpu.memory_space<vmem>>
    %dma_start3A_92 = arith.constant 0 : i32
    %dma_start3A_93 = tpu.memref_slice %arg7[%dma_start3A_92] : memref<100000xi32, #tpu.memory_space<vmem_shared>> -> memref<100000xi32, #tpu.memory_space<vmem_shared>>
    %dma_start3A_94 = tpu.memref_slice %arg15[%dma_start3A_86] : memref<6x!tpu.dma_semaphore, #tpu.memory_space<semaphore_mem>> -> memref<1x!tpu.dma_semaphore, #tpu.memory_space<semaphore_mem>>
    %dma_start3A_95 = tpu.memref_squeeze %dma_start3A_94 : memref<1x!tpu.dma_semaphore, #tpu.memory_space<semaphore_mem>> -> memref<!tpu.dma_semaphore, #tpu.memory_space<semaphore_mem>>
    tpu.enqueue_indirect_dma source(%dma_start3A_93 : memref<100000xi32, #tpu.memory_space<vmem_shared>>) target(%dma_start3A_89 : memref<128xi32, #tpu.memory_space<vmem>>) offsets(%dma_start3A_91 : memref<128xi32, #tpu.memory_space<vmem>>) semaphore(%dma_start3A_95 : memref<!tpu.dma_semaphore, #tpu.memory_space<semaphore_mem>>)
    %dma_start3A_96 = arith.constant 3 : i32
    %dma_start3A_97 = arith.constant 3 : i32
    %dma_start3A_98 = arith.constant 0 : i32
    %dma_start3A_99 = tpu.memref_slice %arg10[%dma_start3A_96, %dma_start3A_98] : memref<6x128xi32, #tpu.memory_space<vmem>> -> memref<1x128xi32, #tpu.memory_space<vmem>>
    %dma_start3A_100 = tpu.memref_squeeze %dma_start3A_99 : memref<1x128xi32, #tpu.memory_space<vmem>> -> memref<128xi32, #tpu.memory_space<vmem>>
    %dma_start3A_101 = arith.constant 384 : i32
    %dma_start3A_102 = tpu.memref_slice %arg8[%dma_start3A_101] : memref<15616xi32, #tpu.memory_space<vmem>> -> memref<128xi32, #tpu.memory_space<vmem>>
    %dma_start3A_103 = arith.constant 0 : i32
    %dma_start3A_104 = tpu.memref_slice %arg7[%dma_start3A_103] : memref<100000xi32, #tpu.memory_space<vmem_shared>> -> memref<100000xi32, #tpu.memory_space<vmem_shared>>
    %dma_start3A_105 = tpu.memref_slice %arg15[%dma_start3A_97] : memref<6x!tpu.dma_semaphore, #tpu.memory_space<semaphore_mem>> -> memref<1x!tpu.dma_semaphore, #tpu.memory_space<semaphore_mem>>
    %dma_start3A_106 = tpu.memref_squeeze %dma_start3A_105 : memref<1x!tpu.dma_semaphore, #tpu.memory_space<semaphore_mem>> -> memref<!tpu.dma_semaphore, #tpu.memory_space<semaphore_mem>>
    tpu.enqueue_indirect_dma source(%dma_start3A_104 : memref<100000xi32, #tpu.memory_space<vmem_shared>>) target(%dma_start3A_100 : memref<128xi32, #tpu.memory_space<vmem>>) offsets(%dma_start3A_102 : memref<128xi32, #tpu.memory_space<vmem>>) semaphore(%dma_start3A_106 : memref<!tpu.dma_semaphore, #tpu.memory_space<semaphore_mem>>)
    %add3A_107 = arith.constant 0 : i32
    %add3A_108 = arith.addi %mul3A_2, %add3A_107 : i32
    %mul3A_109 = arith.constant 128 : i32
    %mul3A_110 = arith.muli %add3A_108, %mul3A_109 : i32
    %dma_wait3A = arith.constant 0 : i32
    %dma_wait3A_111 = arith.constant 0 : i32
    %dma_wait3A_112 = arith.constant 0 : i32
    %dma_wait3A_113 = arith.constant 0 : i32
    %dma_wait3A_114 = tpu.memref_slice %arg9[%dma_wait3A, %dma_wait3A_112, %dma_wait3A_113] : memref<6x128x128xf32, #tpu.memory_space<vmem>> -> memref<1x128x128xf32, #tpu.memory_space<vmem>>
    %dma_wait3A_115 = tpu.memref_squeeze %dma_wait3A_114 : memref<1x128x128xf32, #tpu.memory_space<vmem>> -> memref<128x128xf32, #tpu.memory_space<vmem>>
    %dma_wait3A_116 = arith.constant 0 : i32
    %dma_wait3A_117 = tpu.memref_slice %arg8[%dma_wait3A_116] : memref<15616xi32, #tpu.memory_space<vmem>> -> memref<128xi32, #tpu.memory_space<vmem>>
    %dma_wait3A_118 = arith.constant 0 : i32
    %dma_wait3A_119 = arith.constant 0 : i32
    %dma_wait3A_120 = tpu.memref_slice %arg2[%dma_wait3A_118, %dma_wait3A_119] : memref<100000x128xf32, #tpu.memory_space<hbm>> -> memref<100000x128xf32, #tpu.memory_space<hbm>>
    %dma_wait3A_121 = tpu.memref_slice %arg14[%dma_wait3A_111] : memref<6x!tpu.dma_semaphore, #tpu.memory_space<semaphore_mem>> -> memref<1x!tpu.dma_semaphore, #tpu.memory_space<semaphore_mem>>
    %dma_wait3A_122 = tpu.memref_squeeze %dma_wait3A_121 : memref<1x!tpu.dma_semaphore, #tpu.memory_space<semaphore_mem>> -> memref<!tpu.dma_semaphore, #tpu.memory_space<semaphore_mem>>
    tpu.wait_indirect_dma semaphore(%dma_wait3A_122 : memref<!tpu.dma_semaphore, #tpu.memory_space<semaphore_mem>>) src(%dma_wait3A_120 : memref<100000x128xf32, #tpu.memory_space<hbm>>) dst(%dma_wait3A_115 : memref<128x128xf32, #tpu.memory_space<vmem>>)
    %dma_wait3A_123 = arith.constant 0 : i32
    %dma_wait3A_124 = arith.constant 0 : i32
    %dma_wait3A_125 = arith.constant 0 : i32
    %dma_wait3A_126 = tpu.memref_slice %arg10[%dma_wait3A_123, %dma_wait3A_125] : memref<6x128xi32, #tpu.memory_space<vmem>> -> memref<1x128xi32, #tpu.memory_space<vmem>>
    %dma_wait3A_127 = tpu.memref_squeeze %dma_wait3A_126 : memref<1x128xi32, #tpu.memory_space<vmem>> -> memref<128xi32, #tpu.memory_space<vmem>>
    %dma_wait3A_128 = arith.constant 0 : i32
    %dma_wait3A_129 = tpu.memref_slice %arg8[%dma_wait3A_128] : memref<15616xi32, #tpu.memory_space<vmem>> -> memref<128xi32, #tpu.memory_space<vmem>>
    %dma_wait3A_130 = arith.constant 0 : i32
    %dma_wait3A_131 = tpu.memref_slice %arg7[%dma_wait3A_130] : memref<100000xi32, #tpu.memory_space<vmem_shared>> -> memref<100000xi32, #tpu.memory_space<vmem_shared>>
    %dma_wait3A_132 = tpu.memref_slice %arg15[%dma_wait3A_124] : memref<6x!tpu.dma_semaphore, #tpu.memory_space<semaphore_mem>> -> memref<1x!tpu.dma_semaphore, #tpu.memory_space<semaphore_mem>>
    %dma_wait3A_133 = tpu.memref_squeeze %dma_wait3A_132 : memref<1x!tpu.dma_semaphore, #tpu.memory_space<semaphore_mem>> -> memref<!tpu.dma_semaphore, #tpu.memory_space<semaphore_mem>>
    tpu.wait_indirect_dma semaphore(%dma_wait3A_133 : memref<!tpu.dma_semaphore, #tpu.memory_space<semaphore_mem>>) src(%dma_wait3A_131 : memref<100000xi32, #tpu.memory_space<vmem_shared>>) dst(%dma_wait3A_127 : memref<128xi32, #tpu.memory_space<vmem>>)
    %dma_start3A_134 = arith.constant 0 : i32
    %dma_start3A_135 = arith.constant 0 : i32
    %dma_start3A_136 = arith.constant 0 : i32
    %dma_start3A_137 = arith.constant 0 : i32
    %dma_start3A_138 = tpu.memref_slice %arg9[%dma_start3A_134, %dma_start3A_136, %dma_start3A_137] : memref<6x128x128xf32, #tpu.memory_space<vmem>> -> memref<1x128x128xf32, #tpu.memory_space<vmem>>
    %dma_start3A_139 = tpu.memref_squeeze %dma_start3A_138 : memref<1x128x128xf32, #tpu.memory_space<vmem>> -> memref<128x128xf32, #tpu.memory_space<vmem>>
    %dma_start3A_140 = arith.constant 0 : i32
    %dma_start3A_141 = tpu.memref_slice %arg5[%mul3A_110, %dma_start3A_140] : memref<500000x128xf32, #tpu.memory_space<hbm>> -> memref<128x128xf32, #tpu.memory_space<hbm>>
    %dma_start3A_142 = tpu.memref_slice %arg16[%dma_start3A_135] : memref<6x!tpu.dma_semaphore, #tpu.memory_space<semaphore_mem>> -> memref<1x!tpu.dma_semaphore, #tpu.memory_space<semaphore_mem>>
    %dma_start3A_143 = tpu.memref_squeeze %dma_start3A_142 : memref<1x!tpu.dma_semaphore, #tpu.memory_space<semaphore_mem>> -> memref<!tpu.dma_semaphore, #tpu.memory_space<semaphore_mem>>
    %dma_start3A_144 = arith.constant 0 : i32
    %dma_start3A_145 = tpu.memref_slice %arg5[%mul3A_110, %dma_start3A_144] : memref<500000x128xf32, #tpu.memory_space<hbm>> -> memref<128x128xf32, #tpu.memory_space<hbm>>
    %dma_start3A_146 = arith.constant 0 : i32
    %dma_start3A_147 = arith.constant 0 : i32
    %dma_start3A_148 = tpu.memref_slice %arg9[%dma_start3A_134, %dma_start3A_146, %dma_start3A_147] : memref<6x128x128xf32, #tpu.memory_space<vmem>> -> memref<1x128x128xf32, #tpu.memory_space<vmem>>
    %dma_start3A_149 = tpu.memref_squeeze %dma_start3A_148 : memref<1x128x128xf32, #tpu.memory_space<vmem>> -> memref<128x128xf32, #tpu.memory_space<vmem>>
    tpu.enqueue_dma source(%dma_start3A_149 : memref<128x128xf32, #tpu.memory_space<vmem>>) target(%dma_start3A_145 : memref<128x128xf32, #tpu.memory_space<hbm>>) target_semaphore(%dma_start3A_143 : memref<!tpu.dma_semaphore, #tpu.memory_space<semaphore_mem>>)
    %dma_start3A_150 = arith.constant 0 : i32
    %dma_start3A_151 = arith.constant 0 : i32
    %dma_start3A_152 = arith.constant 0 : i32
    %dma_start3A_153 = tpu.memref_slice %arg10[%dma_start3A_150, %dma_start3A_152] : memref<6x128xi32, #tpu.memory_space<vmem>> -> memref<1x128xi32, #tpu.memory_space<vmem>>
    %dma_start3A_154 = tpu.memref_squeeze %dma_start3A_153 : memref<1x128xi32, #tpu.memory_space<vmem>> -> memref<128xi32, #tpu.memory_space<vmem>>
    %dma_start3A_155 = tpu.memref_slice %arg6[%mul3A_110] : memref<500000xi32, #tpu.memory_space<hbm>> -> memref<128xi32, #tpu.memory_space<hbm>>
    %dma_start3A_156 = tpu.memref_slice %arg17[%dma_start3A_151] : memref<6x!tpu.dma_semaphore, #tpu.memory_space<semaphore_mem>> -> memref<1x!tpu.dma_semaphore, #tpu.memory_space<semaphore_mem>>
    %dma_start3A_157 = tpu.memref_squeeze %dma_start3A_156 : memref<1x!tpu.dma_semaphore, #tpu.memory_space<semaphore_mem>> -> memref<!tpu.dma_semaphore, #tpu.memory_space<semaphore_mem>>
    %dma_start3A_158 = tpu.memref_slice %arg6[%mul3A_110] : memref<500000xi32, #tpu.memory_space<hbm>> -> memref<128xi32, #tpu.memory_space<hbm>>
    %dma_start3A_159 = arith.constant 0 : i32
    %dma_start3A_160 = tpu.memref_slice %arg10[%dma_start3A_150, %dma_start3A_159] : memref<6x128xi32, #tpu.memory_space<vmem>> -> memref<1x128xi32, #tpu.memory_space<vmem>>
    %dma_start3A_161 = tpu.memref_squeeze %dma_start3A_160 : memref<1x128xi32, #tpu.memory_space<vmem>> -> memref<128xi32, #tpu.memory_space<vmem>>
    tpu.enqueue_dma source(%dma_start3A_161 : memref<128xi32, #tpu.memory_space<vmem>>) target(%dma_start3A_158 : memref<128xi32, #tpu.memory_space<hbm>>) target_semaphore(%dma_start3A_157 : memref<!tpu.dma_semaphore, #tpu.memory_space<semaphore_mem>>)
    %dma_start3A_162 = arith.constant 4 : i32
    %dma_start3A_163 = arith.constant 4 : i32
    %dma_start3A_164 = arith.constant 0 : i32
    %dma_start3A_165 = arith.constant 0 : i32
    %dma_start3A_166 = tpu.memref_slice %arg9[%dma_start3A_162, %dma_start3A_164, %dma_start3A_165] : memref<6x128x128xf32, #tpu.memory_space<vmem>> -> memref<1x128x128xf32, #tpu.memory_space<vmem>>
    %dma_start3A_167 = tpu.memref_squeeze %dma_start3A_166 : memref<1x128x128xf32, #tpu.memory_space<vmem>> -> memref<128x128xf32, #tpu.memory_space<vmem>>
    %dma_start3A_168 = arith.constant 512 : i32
    %dma_start3A_169 = tpu.memref_slice %arg8[%dma_start3A_168] : memref<15616xi32, #tpu.memory_space<vmem>> -> memref<128xi32, #tpu.memory_space<vmem>>
    %dma_start3A_170 = arith.constant 0 : i32
    %dma_start3A_171 = arith.constant 0 : i32
    %dma_start3A_172 = tpu.memref_slice %arg2[%dma_start3A_170, %dma_start3A_171] : memref<100000x128xf32, #tpu.memory_space<hbm>> -> memref<100000x128xf32, #tpu.memory_space<hbm>>
    %dma_start3A_173 = tpu.memref_slice %arg14[%dma_start3A_163] : memref<6x!tpu.dma_semaphore, #tpu.memory_space<semaphore_mem>> -> memref<1x!tpu.dma_semaphore, #tpu.memory_space<semaphore_mem>>
    %dma_start3A_174 = tpu.memref_squeeze %dma_start3A_173 : memref<1x!tpu.dma_semaphore, #tpu.memory_space<semaphore_mem>> -> memref<!tpu.dma_semaphore, #tpu.memory_space<semaphore_mem>>
    tpu.enqueue_indirect_dma source(%dma_start3A_172 : memref<100000x128xf32, #tpu.memory_space<hbm>>) target(%dma_start3A_167 : memref<128x128xf32, #tpu.memory_space<vmem>>) offsets(%dma_start3A_169 : memref<128xi32, #tpu.memory_space<vmem>>) semaphore(%dma_start3A_174 : memref<!tpu.dma_semaphore, #tpu.memory_space<semaphore_mem>>)
    %dma_start3A_175 = arith.constant 4 : i32
    %dma_start3A_176 = arith.constant 4 : i32
    %dma_start3A_177 = arith.constant 0 : i32
    %dma_start3A_178 = tpu.memref_slice %arg10[%dma_start3A_175, %dma_start3A_177] : memref<6x128xi32, #tpu.memory_space<vmem>> -> memref<1x128xi32, #tpu.memory_space<vmem>>
    %dma_start3A_179 = tpu.memref_squeeze %dma_start3A_178 : memref<1x128xi32, #tpu.memory_space<vmem>> -> memref<128xi32, #tpu.memory_space<vmem>>
    %dma_start3A_180 = arith.constant 512 : i32
    %dma_start3A_181 = tpu.memref_slice %arg8[%dma_start3A_180] : memref<15616xi32, #tpu.memory_space<vmem>> -> memref<128xi32, #tpu.memory_space<vmem>>
    %dma_start3A_182 = arith.constant 0 : i32
    %dma_start3A_183 = tpu.memref_slice %arg7[%dma_start3A_182] : memref<100000xi32, #tpu.memory_space<vmem_shared>> -> memref<100000xi32, #tpu.memory_space<vmem_shared>>
    %dma_start3A_184 = tpu.memref_slice %arg15[%dma_start3A_176] : memref<6x!tpu.dma_semaphore, #tpu.memory_space<semaphore_mem>> -> memref<1x!tpu.dma_semaphore, #tpu.memory_space<semaphore_mem>>
    %dma_start3A_185 = tpu.memref_squeeze %dma_start3A_184 : memref<1x!tpu.dma_semaphore, #tpu.memory_space<semaphore_mem>> -> memref<!tpu.dma_semaphore, #tpu.memory_space<semaphore_mem>>
    tpu.enqueue_indirect_dma source(%dma_start3A_183 : memref<100000xi32, #tpu.memory_space<vmem_shared>>) target(%dma_start3A_179 : memref<128xi32, #tpu.memory_space<vmem>>) offsets(%dma_start3A_181 : memref<128xi32, #tpu.memory_space<vmem>>) semaphore(%dma_start3A_185 : memref<!tpu.dma_semaphore, #tpu.memory_space<semaphore_mem>>)
    %add3A_186 = arith.constant 1 : i32
    %add3A_187 = arith.addi %mul3A_2, %add3A_186 : i32
    %mul3A_188 = arith.constant 128 : i32
    %mul3A_189 = arith.muli %add3A_187, %mul3A_188 : i32
    %dma_wait3A_190 = arith.constant 1 : i32
    %dma_wait3A_191 = arith.constant 1 : i32
    %dma_wait3A_192 = arith.constant 0 : i32
    %dma_wait3A_193 = arith.constant 0 : i32
    %dma_wait3A_194 = tpu.memref_slice %arg9[%dma_wait3A_190, %dma_wait3A_192, %dma_wait3A_193] : memref<6x128x128xf32, #tpu.memory_space<vmem>> -> memref<1x128x128xf32, #tpu.memory_space<vmem>>
    %dma_wait3A_195 = tpu.memref_squeeze %dma_wait3A_194 : memref<1x128x128xf32, #tpu.memory_space<vmem>> -> memref<128x128xf32, #tpu.memory_space<vmem>>
    %dma_wait3A_196 = arith.constant 128 : i32
    %dma_wait3A_197 = tpu.memref_slice %arg8[%dma_wait3A_196] : memref<15616xi32, #tpu.memory_space<vmem>> -> memref<128xi32, #tpu.memory_space<vmem>>
    %dma_wait3A_198 = arith.constant 0 : i32
    %dma_wait3A_199 = arith.constant 0 : i32
    %dma_wait3A_200 = tpu.memref_slice %arg2[%dma_wait3A_198, %dma_wait3A_199] : memref<100000x128xf32, #tpu.memory_space<hbm>> -> memref<100000x128xf32, #tpu.memory_space<hbm>>
    %dma_wait3A_201 = tpu.memref_slice %arg14[%dma_wait3A_191] : memref<6x!tpu.dma_semaphore, #tpu.memory_space<semaphore_mem>> -> memref<1x!tpu.dma_semaphore, #tpu.memory_space<semaphore_mem>>
    %dma_wait3A_202 = tpu.memref_squeeze %dma_wait3A_201 : memref<1x!tpu.dma_semaphore, #tpu.memory_space<semaphore_mem>> -> memref<!tpu.dma_semaphore, #tpu.memory_space<semaphore_mem>>
    tpu.wait_indirect_dma semaphore(%dma_wait3A_202 : memref<!tpu.dma_semaphore, #tpu.memory_space<semaphore_mem>>) src(%dma_wait3A_200 : memref<100000x128xf32, #tpu.memory_space<hbm>>) dst(%dma_wait3A_195 : memref<128x128xf32, #tpu.memory_space<vmem>>)
    %dma_wait3A_203 = arith.constant 1 : i32
    %dma_wait3A_204 = arith.constant 1 : i32
    %dma_wait3A_205 = arith.constant 0 : i32
    %dma_wait3A_206 = tpu.memref_slice %arg10[%dma_wait3A_203, %dma_wait3A_205] : memref<6x128xi32, #tpu.memory_space<vmem>> -> memref<1x128xi32, #tpu.memory_space<vmem>>
    %dma_wait3A_207 = tpu.memref_squeeze %dma_wait3A_206 : memref<1x128xi32, #tpu.memory_space<vmem>> -> memref<128xi32, #tpu.memory_space<vmem>>
    %dma_wait3A_208 = arith.constant 128 : i32
    %dma_wait3A_209 = tpu.memref_slice %arg8[%dma_wait3A_208] : memref<15616xi32, #tpu.memory_space<vmem>> -> memref<128xi32, #tpu.memory_space<vmem>>
    %dma_wait3A_210 = arith.constant 0 : i32
    %dma_wait3A_211 = tpu.memref_slice %arg7[%dma_wait3A_210] : memref<100000xi32, #tpu.memory_space<vmem_shared>> -> memref<100000xi32, #tpu.memory_space<vmem_shared>>
    %dma_wait3A_212 = tpu.memref_slice %arg15[%dma_wait3A_204] : memref<6x!tpu.dma_semaphore, #tpu.memory_space<semaphore_mem>> -> memref<1x!tpu.dma_semaphore, #tpu.memory_space<semaphore_mem>>
    %dma_wait3A_213 = tpu.memref_squeeze %dma_wait3A_212 : memref<1x!tpu.dma_semaphore, #tpu.memory_space<semaphore_mem>> -> memref<!tpu.dma_semaphore, #tpu.memory_space<semaphore_mem>>
    tpu.wait_indirect_dma semaphore(%dma_wait3A_213 : memref<!tpu.dma_semaphore, #tpu.memory_space<semaphore_mem>>) src(%dma_wait3A_211 : memref<100000xi32, #tpu.memory_space<vmem_shared>>) dst(%dma_wait3A_207 : memref<128xi32, #tpu.memory_space<vmem>>)
    %dma_start3A_214 = arith.constant 1 : i32
    %dma_start3A_215 = arith.constant 1 : i32
    %dma_start3A_216 = arith.constant 0 : i32
    %dma_start3A_217 = arith.constant 0 : i32
    %dma_start3A_218 = tpu.memref_slice %arg9[%dma_start3A_214, %dma_start3A_216, %dma_start3A_217] : memref<6x128x128xf32, #tpu.memory_space<vmem>> -> memref<1x128x128xf32, #tpu.memory_space<vmem>>
    %dma_start3A_219 = tpu.memref_squeeze %dma_start3A_218 : memref<1x128x128xf32, #tpu.memory_space<vmem>> -> memref<128x128xf32, #tpu.memory_space<vmem>>
    %dma_start3A_220 = arith.constant 0 : i32
    %dma_start3A_221 = tpu.memref_slice %arg5[%mul3A_189, %dma_start3A_220] : memref<500000x128xf32, #tpu.memory_space<hbm>> -> memref<128x128xf32, #tpu.memory_space<hbm>>
    %dma_start3A_222 = tpu.memref_slice %arg16[%dma_start3A_215] : memref<6x!tpu.dma_semaphore, #tpu.memory_space<semaphore_mem>> -> memref<1x!tpu.dma_semaphore, #tpu.memory_space<semaphore_mem>>
    %dma_start3A_223 = tpu.memref_squeeze %dma_start3A_222 : memref<1x!tpu.dma_semaphore, #tpu.memory_space<semaphore_mem>> -> memref<!tpu.dma_semaphore, #tpu.memory_space<semaphore_mem>>
    %dma_start3A_224 = arith.constant 0 : i32
    %dma_start3A_225 = tpu.memref_slice %arg5[%mul3A_189, %dma_start3A_224] : memref<500000x128xf32, #tpu.memory_space<hbm>> -> memref<128x128xf32, #tpu.memory_space<hbm>>
    %dma_start3A_226 = arith.constant 0 : i32
    %dma_start3A_227 = arith.constant 0 : i32
    %dma_start3A_228 = tpu.memref_slice %arg9[%dma_start3A_214, %dma_start3A_226, %dma_start3A_227] : memref<6x128x128xf32, #tpu.memory_space<vmem>> -> memref<1x128x128xf32, #tpu.memory_space<vmem>>
    %dma_start3A_229 = tpu.memref_squeeze %dma_start3A_228 : memref<1x128x128xf32, #tpu.memory_space<vmem>> -> memref<128x128xf32, #tpu.memory_space<vmem>>
    tpu.enqueue_dma source(%dma_start3A_229 : memref<128x128xf32, #tpu.memory_space<vmem>>) target(%dma_start3A_225 : memref<128x128xf32, #tpu.memory_space<hbm>>) target_semaphore(%dma_start3A_223 : memref<!tpu.dma_semaphore, #tpu.memory_space<semaphore_mem>>)
    %dma_start3A_230 = arith.constant 1 : i32
    %dma_start3A_231 = arith.constant 1 : i32
    %dma_start3A_232 = arith.constant 0 : i32
    %dma_start3A_233 = tpu.memref_slice %arg10[%dma_start3A_230, %dma_start3A_232] : memref<6x128xi32, #tpu.memory_space<vmem>> -> memref<1x128xi32, #tpu.memory_space<vmem>>
    %dma_start3A_234 = tpu.memref_squeeze %dma_start3A_233 : memref<1x128xi32, #tpu.memory_space<vmem>> -> memref<128xi32, #tpu.memory_space<vmem>>
    %dma_start3A_235 = tpu.memref_slice %arg6[%mul3A_189] : memref<500000xi32, #tpu.memory_space<hbm>> -> memref<128xi32, #tpu.memory_space<hbm>>
    %dma_start3A_236 = tpu.memref_slice %arg17[%dma_start3A_231] : memref<6x!tpu.dma_semaphore, #tpu.memory_space<semaphore_mem>> -> memref<1x!tpu.dma_semaphore, #tpu.memory_space<semaphore_mem>>
    %dma_start3A_237 = tpu.memref_squeeze %dma_start3A_236 : memref<1x!tpu.dma_semaphore, #tpu.memory_space<semaphore_mem>> -> memref<!tpu.dma_semaphore, #tpu.memory_space<semaphore_mem>>
    %dma_start3A_238 = tpu.memref_slice %arg6[%mul3A_189] : memref<500000xi32, #tpu.memory_space<hbm>> -> memref<128xi32, #tpu.memory_space<hbm>>
    %dma_start3A_239 = arith.constant 0 : i32
    %dma_start3A_240 = tpu.memref_slice %arg10[%dma_start3A_230, %dma_start3A_239] : memref<6x128xi32, #tpu.memory_space<vmem>> -> memref<1x128xi32, #tpu.memory_space<vmem>>
    %dma_start3A_241 = tpu.memref_squeeze %dma_start3A_240 : memref<1x128xi32, #tpu.memory_space<vmem>> -> memref<128xi32, #tpu.memory_space<vmem>>
    tpu.enqueue_dma source(%dma_start3A_241 : memref<128xi32, #tpu.memory_space<vmem>>) target(%dma_start3A_238 : memref<128xi32, #tpu.memory_space<hbm>>) target_semaphore(%dma_start3A_237 : memref<!tpu.dma_semaphore, #tpu.memory_space<semaphore_mem>>)
    %dma_start3A_242 = arith.constant 5 : i32
    %dma_start3A_243 = arith.constant 5 : i32
    %dma_start3A_244 = arith.constant 0 : i32
    %dma_start3A_245 = arith.constant 0 : i32
    %dma_start3A_246 = tpu.memref_slice %arg9[%dma_start3A_242, %dma_start3A_244, %dma_start3A_245] : memref<6x128x128xf32, #tpu.memory_space<vmem>> -> memref<1x128x128xf32, #tpu.memory_space<vmem>>
    %dma_start3A_247 = tpu.memref_squeeze %dma_start3A_246 : memref<1x128x128xf32, #tpu.memory_space<vmem>> -> memref<128x128xf32, #tpu.memory_space<vmem>>
    %dma_start3A_248 = arith.constant 640 : i32
    %dma_start3A_249 = tpu.memref_slice %arg8[%dma_start3A_248] : memref<15616xi32, #tpu.memory_space<vmem>> -> memref<128xi32, #tpu.memory_space<vmem>>
    %dma_start3A_250 = arith.constant 0 : i32
    %dma_start3A_251 = arith.constant 0 : i32
    %dma_start3A_252 = tpu.memref_slice %arg2[%dma_start3A_250, %dma_start3A_251] : memref<100000x128xf32, #tpu.memory_space<hbm>> -> memref<100000x128xf32, #tpu.memory_space<hbm>>
    %dma_start3A_253 = tpu.memref_slice %arg14[%dma_start3A_243] : memref<6x!tpu.dma_semaphore, #tpu.memory_space<semaphore_mem>> -> memref<1x!tpu.dma_semaphore, #tpu.memory_space<semaphore_mem>>
    %dma_start3A_254 = tpu.memref_squeeze %dma_start3A_253 : memref<1x!tpu.dma_semaphore, #tpu.memory_space<semaphore_mem>> -> memref<!tpu.dma_semaphore, #tpu.memory_space<semaphore_mem>>
    tpu.enqueue_indirect_dma source(%dma_start3A_252 : memref<100000x128xf32, #tpu.memory_space<hbm>>) target(%dma_start3A_247 : memref<128x128xf32, #tpu.memory_space<vmem>>) offsets(%dma_start3A_249 : memref<128xi32, #tpu.memory_space<vmem>>) semaphore(%dma_start3A_254 : memref<!tpu.dma_semaphore, #tpu.memory_space<semaphore_mem>>)
    %dma_start3A_255 = arith.constant 5 : i32
    %dma_start3A_256 = arith.constant 5 : i32
    %dma_start3A_257 = arith.constant 0 : i32
    %dma_start3A_258 = tpu.memref_slice %arg10[%dma_start3A_255, %dma_start3A_257] : memref<6x128xi32, #tpu.memory_space<vmem>> -> memref<1x128xi32, #tpu.memory_space<vmem>>
    %dma_start3A_259 = tpu.memref_squeeze %dma_start3A_258 : memref<1x128xi32, #tpu.memory_space<vmem>> -> memref<128xi32, #tpu.memory_space<vmem>>
    %dma_start3A_260 = arith.constant 640 : i32
    %dma_start3A_261 = tpu.memref_slice %arg8[%dma_start3A_260] : memref<15616xi32, #tpu.memory_space<vmem>> -> memref<128xi32, #tpu.memory_space<vmem>>
    %dma_start3A_262 = arith.constant 0 : i32
    %dma_start3A_263 = tpu.memref_slice %arg7[%dma_start3A_262] : memref<100000xi32, #tpu.memory_space<vmem_shared>> -> memref<100000xi32, #tpu.memory_space<vmem_shared>>
    %dma_start3A_264 = tpu.memref_slice %arg15[%dma_start3A_256] : memref<6x!tpu.dma_semaphore, #tpu.memory_space<semaphore_mem>> -> memref<1x!tpu.dma_semaphore, #tpu.memory_space<semaphore_mem>>
    %dma_start3A_265 = tpu.memref_squeeze %dma_start3A_264 : memref<1x!tpu.dma_semaphore, #tpu.memory_space<semaphore_mem>> -> memref<!tpu.dma_semaphore, #tpu.memory_space<semaphore_mem>>
    tpu.enqueue_indirect_dma source(%dma_start3A_263 : memref<100000xi32, #tpu.memory_space<vmem_shared>>) target(%dma_start3A_259 : memref<128xi32, #tpu.memory_space<vmem>>) offsets(%dma_start3A_261 : memref<128xi32, #tpu.memory_space<vmem>>) semaphore(%dma_start3A_265 : memref<!tpu.dma_semaphore, #tpu.memory_space<semaphore_mem>>)
    %add3A_266 = arith.constant 2 : i32
    %add3A_267 = arith.addi %mul3A_2, %add3A_266 : i32
    %mul3A_268 = arith.constant 128 : i32
    %mul3A_269 = arith.muli %add3A_267, %mul3A_268 : i32
    %dma_wait3A_270 = arith.constant 2 : i32
    %dma_wait3A_271 = arith.constant 2 : i32
    %dma_wait3A_272 = arith.constant 0 : i32
    %dma_wait3A_273 = arith.constant 0 : i32
    %dma_wait3A_274 = tpu.memref_slice %arg9[%dma_wait3A_270, %dma_wait3A_272, %dma_wait3A_273] : memref<6x128x128xf32, #tpu.memory_space<vmem>> -> memref<1x128x128xf32, #tpu.memory_space<vmem>>
    %dma_wait3A_275 = tpu.memref_squeeze %dma_wait3A_274 : memref<1x128x128xf32, #tpu.memory_space<vmem>> -> memref<128x128xf32, #tpu.memory_space<vmem>>
    %dma_wait3A_276 = arith.constant 256 : i32
    %dma_wait3A_277 = tpu.memref_slice %arg8[%dma_wait3A_276] : memref<15616xi32, #tpu.memory_space<vmem>> -> memref<128xi32, #tpu.memory_space<vmem>>
    %dma_wait3A_278 = arith.constant 0 : i32
    %dma_wait3A_279 = arith.constant 0 : i32
    %dma_wait3A_280 = tpu.memref_slice %arg2[%dma_wait3A_278, %dma_wait3A_279] : memref<100000x128xf32, #tpu.memory_space<hbm>> -> memref<100000x128xf32, #tpu.memory_space<hbm>>
    %dma_wait3A_281 = tpu.memref_slice %arg14[%dma_wait3A_271] : memref<6x!tpu.dma_semaphore, #tpu.memory_space<semaphore_mem>> -> memref<1x!tpu.dma_semaphore, #tpu.memory_space<semaphore_mem>>
    %dma_wait3A_282 = tpu.memref_squeeze %dma_wait3A_281 : memref<1x!tpu.dma_semaphore, #tpu.memory_space<semaphore_mem>> -> memref<!tpu.dma_semaphore, #tpu.memory_space<semaphore_mem>>
    tpu.wait_indirect_dma semaphore(%dma_wait3A_282 : memref<!tpu.dma_semaphore, #tpu.memory_space<semaphore_mem>>) src(%dma_wait3A_280 : memref<100000x128xf32, #tpu.memory_space<hbm>>) dst(%dma_wait3A_275 : memref<128x128xf32, #tpu.memory_space<vmem>>)
    %dma_wait3A_283 = arith.constant 2 : i32
    %dma_wait3A_284 = arith.constant 2 : i32
    %dma_wait3A_285 = arith.constant 0 : i32
    %dma_wait3A_286 = tpu.memref_slice %arg10[%dma_wait3A_283, %dma_wait3A_285] : memref<6x128xi32, #tpu.memory_space<vmem>> -> memref<1x128xi32, #tpu.memory_space<vmem>>
    %dma_wait3A_287 = tpu.memref_squeeze %dma_wait3A_286 : memref<1x128xi32, #tpu.memory_space<vmem>> -> memref<128xi32, #tpu.memory_space<vmem>>
    %dma_wait3A_288 = arith.constant 256 : i32
    %dma_wait3A_289 = tpu.memref_slice %arg8[%dma_wait3A_288] : memref<15616xi32, #tpu.memory_space<vmem>> -> memref<128xi32, #tpu.memory_space<vmem>>
    %dma_wait3A_290 = arith.constant 0 : i32
    %dma_wait3A_291 = tpu.memref_slice %arg7[%dma_wait3A_290] : memref<100000xi32, #tpu.memory_space<vmem_shared>> -> memref<100000xi32, #tpu.memory_space<vmem_shared>>
    %dma_wait3A_292 = tpu.memref_slice %arg15[%dma_wait3A_284] : memref<6x!tpu.dma_semaphore, #tpu.memory_space<semaphore_mem>> -> memref<1x!tpu.dma_semaphore, #tpu.memory_space<semaphore_mem>>
    %dma_wait3A_293 = tpu.memref_squeeze %dma_wait3A_292 : memref<1x!tpu.dma_semaphore, #tpu.memory_space<semaphore_mem>> -> memref<!tpu.dma_semaphore, #tpu.memory_space<semaphore_mem>>
    tpu.wait_indirect_dma semaphore(%dma_wait3A_293 : memref<!tpu.dma_semaphore, #tpu.memory_space<semaphore_mem>>) src(%dma_wait3A_291 : memref<100000xi32, #tpu.memory_space<vmem_shared>>) dst(%dma_wait3A_287 : memref<128xi32, #tpu.memory_space<vmem>>)
    %dma_start3A_294 = arith.constant 2 : i32
    %dma_start3A_295 = arith.constant 2 : i32
    %dma_start3A_296 = arith.constant 0 : i32
    %dma_start3A_297 = arith.constant 0 : i32
    %dma_start3A_298 = tpu.memref_slice %arg9[%dma_start3A_294, %dma_start3A_296, %dma_start3A_297] : memref<6x128x128xf32, #tpu.memory_space<vmem>> -> memref<1x128x128xf32, #tpu.memory_space<vmem>>
    %dma_start3A_299 = tpu.memref_squeeze %dma_start3A_298 : memref<1x128x128xf32, #tpu.memory_space<vmem>> -> memref<128x128xf32, #tpu.memory_space<vmem>>
    %dma_start3A_300 = arith.constant 0 : i32
    %dma_start3A_301 = tpu.memref_slice %arg5[%mul3A_269, %dma_start3A_300] : memref<500000x128xf32, #tpu.memory_space<hbm>> -> memref<128x128xf32, #tpu.memory_space<hbm>>
    %dma_start3A_302 = tpu.memref_slice %arg16[%dma_start3A_295] : memref<6x!tpu.dma_semaphore, #tpu.memory_space<semaphore_mem>> -> memref<1x!tpu.dma_semaphore, #tpu.memory_space<semaphore_mem>>
    %dma_start3A_303 = tpu.memref_squeeze %dma_start3A_302 : memref<1x!tpu.dma_semaphore, #tpu.memory_space<semaphore_mem>> -> memref<!tpu.dma_semaphore, #tpu.memory_space<semaphore_mem>>
    %dma_start3A_304 = arith.constant 0 : i32
    %dma_start3A_305 = tpu.memref_slice %arg5[%mul3A_269, %dma_start3A_304] : memref<500000x128xf32, #tpu.memory_space<hbm>> -> memref<128x128xf32, #tpu.memory_space<hbm>>
    %dma_start3A_306 = arith.constant 0 : i32
    %dma_start3A_307 = arith.constant 0 : i32
    %dma_start3A_308 = tpu.memref_slice %arg9[%dma_start3A_294, %dma_start3A_306, %dma_start3A_307] : memref<6x128x128xf32, #tpu.memory_space<vmem>> -> memref<1x128x128xf32, #tpu.memory_space<vmem>>
    %dma_start3A_309 = tpu.memref_squeeze %dma_start3A_308 : memref<1x128x128xf32, #tpu.memory_space<vmem>> -> memref<128x128xf32, #tpu.memory_space<vmem>>
    tpu.enqueue_dma source(%dma_start3A_309 : memref<128x128xf32, #tpu.memory_space<vmem>>) target(%dma_start3A_305 : memref<128x128xf32, #tpu.memory_space<hbm>>) target_semaphore(%dma_start3A_303 : memref<!tpu.dma_semaphore, #tpu.memory_space<semaphore_mem>>)
    %dma_start3A_310 = arith.constant 2 : i32
    %dma_start3A_311 = arith.constant 2 : i32
    %dma_start3A_312 = arith.constant 0 : i32
    %dma_start3A_313 = tpu.memref_slice %arg10[%dma_start3A_310, %dma_start3A_312] : memref<6x128xi32, #tpu.memory_space<vmem>> -> memref<1x128xi32, #tpu.memory_space<vmem>>
    %dma_start3A_314 = tpu.memref_squeeze %dma_start3A_313 : memref<1x128xi32, #tpu.memory_space<vmem>> -> memref<128xi32, #tpu.memory_space<vmem>>
    %dma_start3A_315 = tpu.memref_slice %arg6[%mul3A_269] : memref<500000xi32, #tpu.memory_space<hbm>> -> memref<128xi32, #tpu.memory_space<hbm>>
    %dma_start3A_316 = tpu.memref_slice %arg17[%dma_start3A_311] : memref<6x!tpu.dma_semaphore, #tpu.memory_space<semaphore_mem>> -> memref<1x!tpu.dma_semaphore, #tpu.memory_space<semaphore_mem>>
    %dma_start3A_317 = tpu.memref_squeeze %dma_start3A_316 : memref<1x!tpu.dma_semaphore, #tpu.memory_space<semaphore_mem>> -> memref<!tpu.dma_semaphore, #tpu.memory_space<semaphore_mem>>
    %dma_start3A_318 = tpu.memref_slice %arg6[%mul3A_269] : memref<500000xi32, #tpu.memory_space<hbm>> -> memref<128xi32, #tpu.memory_space<hbm>>
    %dma_start3A_319 = arith.constant 0 : i32
    %dma_start3A_320 = tpu.memref_slice %arg10[%dma_start3A_310, %dma_start3A_319] : memref<6x128xi32, #tpu.memory_space<vmem>> -> memref<1x128xi32, #tpu.memory_space<vmem>>
    %dma_start3A_321 = tpu.memref_squeeze %dma_start3A_320 : memref<1x128xi32, #tpu.memory_space<vmem>> -> memref<128xi32, #tpu.memory_space<vmem>>
    tpu.enqueue_dma source(%dma_start3A_321 : memref<128xi32, #tpu.memory_space<vmem>>) target(%dma_start3A_318 : memref<128xi32, #tpu.memory_space<hbm>>) target_semaphore(%dma_start3A_317 : memref<!tpu.dma_semaphore, #tpu.memory_space<semaphore_mem>>)
    %scan3A = arith.constant 0 : i32
    %scan3A_322 = arith.constant 1 : i32
    %scan3A_323 = arith.constant 19 : i32
    %scan3A_324 = arith.addi %scan3A_322, %scan3A_323 : i32
    %scan3A_325 = arith.constant 1 : i32
    scf.for %scan3A_920 = %scan3A_322 to %scan3A_324 step %scan3A_325  : i32 {
      %mul3A_921 = arith.constant 6 : i32
      %mul3A_922 = arith.muli %scan3A_920, %mul3A_921 : i32
      %add3A_923 = arith.constant 0 : i32
      %add3A_924 = arith.addi %mul3A_922, %add3A_923 : i32
      %dma_wait3A_925 = arith.constant 0 : i32
      %dma_wait3A_926 = arith.constant 0 : i32
      %dma_wait3A_927 = arith.constant 0 : i32
      %dma_wait3A_928 = arith.constant 0 : i32
      %dma_wait3A_929 = tpu.memref_slice %arg9[%dma_wait3A_925, %dma_wait3A_927, %dma_wait3A_928] : memref<6x128x128xf32, #tpu.memory_space<vmem>> -> memref<1x128x128xf32, #tpu.memory_space<vmem>>
      %dma_wait3A_930 = tpu.memref_squeeze %dma_wait3A_929 : memref<1x128x128xf32, #tpu.memory_space<vmem>> -> memref<128x128xf32, #tpu.memory_space<vmem>>
      %dma_wait3A_931 = arith.constant 0 : i32
      %dma_wait3A_932 = arith.constant 0 : i32
      %dma_wait3A_933 = tpu.memref_slice %arg5[%dma_wait3A_931, %dma_wait3A_932] : memref<500000x128xf32, #tpu.memory_space<hbm>> -> memref<128x128xf32, #tpu.memory_space<hbm>>
      %dma_wait3A_934 = tpu.memref_slice %arg16[%dma_wait3A_926] : memref<6x!tpu.dma_semaphore, #tpu.memory_space<semaphore_mem>> -> memref<1x!tpu.dma_semaphore, #tpu.memory_space<semaphore_mem>>
      %dma_wait3A_935 = tpu.memref_squeeze %dma_wait3A_934 : memref<1x!tpu.dma_semaphore, #tpu.memory_space<semaphore_mem>> -> memref<!tpu.dma_semaphore, #tpu.memory_space<semaphore_mem>>
      %dma_wait3A_936 = arith.constant 0 : i32
      %dma_wait3A_937 = arith.constant 0 : i32
      %dma_wait3A_938 = tpu.memref_slice %arg5[%dma_wait3A_936, %dma_wait3A_937] : memref<500000x128xf32, #tpu.memory_space<hbm>> -> memref<128x128xf32, #tpu.memory_space<hbm>>
      %dma_wait3A_939 = arith.constant 0 : i32
      %dma_wait3A_940 = arith.constant 0 : i32
      %dma_wait3A_941 = tpu.memref_slice %arg9[%dma_wait3A_925, %dma_wait3A_939, %dma_wait3A_940] : memref<6x128x128xf32, #tpu.memory_space<vmem>> -> memref<1x128x128xf32, #tpu.memory_space<vmem>>
      %dma_wait3A_942 = tpu.memref_squeeze %dma_wait3A_941 : memref<1x128x128xf32, #tpu.memory_space<vmem>> -> memref<128x128xf32, #tpu.memory_space<vmem>>
      tpu.wait_dma2 semaphore(%dma_wait3A_935 : memref<!tpu.dma_semaphore, #tpu.memory_space<semaphore_mem>>) src(%dma_wait3A_942 : memref<128x128xf32, #tpu.memory_space<vmem>>) dst(%dma_wait3A_938 : memref<128x128xf32, #tpu.memory_space<hbm>>)
      %dma_wait3A_943 = arith.constant 0 : i32
      %dma_wait3A_944 = arith.constant 0 : i32
      %dma_wait3A_945 = arith.constant 0 : i32
      %dma_wait3A_946 = tpu.memref_slice %arg10[%dma_wait3A_943, %dma_wait3A_945] : memref<6x128xi32, #tpu.memory_space<vmem>> -> memref<1x128xi32, #tpu.memory_space<vmem>>
      %dma_wait3A_947 = tpu.memref_squeeze %dma_wait3A_946 : memref<1x128xi32, #tpu.memory_space<vmem>> -> memref<128xi32, #tpu.memory_space<vmem>>
      %dma_wait3A_948 = arith.constant 0 : i32
      %dma_wait3A_949 = tpu.memref_slice %arg6[%dma_wait3A_948] : memref<500000xi32, #tpu.memory_space<hbm>> -> memref<128xi32, #tpu.memory_space<hbm>>
      %dma_wait3A_950 = tpu.memref_slice %arg17[%dma_wait3A_944] : memref<6x!tpu.dma_semaphore, #tpu.memory_space<semaphore_mem>> -> memref<1x!tpu.dma_semaphore, #tpu.memory_space<semaphore_mem>>
      %dma_wait3A_951 = tpu.memref_squeeze %dma_wait3A_950 : memref<1x!tpu.dma_semaphore, #tpu.memory_space<semaphore_mem>> -> memref<!tpu.dma_semaphore, #tpu.memory_space<semaphore_mem>>
      %dma_wait3A_952 = arith.constant 0 : i32
      %dma_wait3A_953 = tpu.memref_slice %arg6[%dma_wait3A_952] : memref<500000xi32, #tpu.memory_space<hbm>> -> memref<128xi32, #tpu.memory_space<hbm>>
      %dma_wait3A_954 = arith.constant 0 : i32
      %dma_wait3A_955 = tpu.memref_slice %arg10[%dma_wait3A_943, %dma_wait3A_954] : memref<6x128xi32, #tpu.memory_space<vmem>> -> memref<1x128xi32, #tpu.memory_space<vmem>>
      %dma_wait3A_956 = tpu.memref_squeeze %dma_wait3A_955 : memref<1x128xi32, #tpu.memory_space<vmem>> -> memref<128xi32, #tpu.memory_space<vmem>>
      tpu.wait_dma2 semaphore(%dma_wait3A_951 : memref<!tpu.dma_semaphore, #tpu.memory_space<semaphore_mem>>) src(%dma_wait3A_956 : memref<128xi32, #tpu.memory_space<vmem>>) dst(%dma_wait3A_953 : memref<128xi32, #tpu.memory_space<hbm>>)
      %mul3A_957 = arith.constant 128 : i32
      %mul3A_958 = arith.muli %add3A_924, %mul3A_957 : i32
      %dma_start3A_959 = arith.constant 0 : i32
      %dma_start3A_960 = arith.constant 0 : i32
      %dma_start3A_961 = arith.constant 0 : i32
      %dma_start3A_962 = arith.constant 0 : i32
      %dma_start3A_963 = tpu.memref_slice %arg9[%dma_start3A_959, %dma_start3A_961, %dma_start3A_962] : memref<6x128x128xf32, #tpu.memory_space<vmem>> -> memref<1x128x128xf32, #tpu.memory_space<vmem>>
      %dma_start3A_964 = tpu.memref_squeeze %dma_start3A_963 : memref<1x128x128xf32, #tpu.memory_space<vmem>> -> memref<128x128xf32, #tpu.memory_space<vmem>>
      %dma_start3A_965 = tpu.memref_slice %arg8[%mul3A_958] : memref<15616xi32, #tpu.memory_space<vmem>> -> memref<128xi32, #tpu.memory_space<vmem>>
      %dma_start3A_966 = arith.constant 0 : i32
      %dma_start3A_967 = arith.constant 0 : i32
      %dma_start3A_968 = tpu.memref_slice %arg2[%dma_start3A_966, %dma_start3A_967] : memref<100000x128xf32, #tpu.memory_space<hbm>> -> memref<100000x128xf32, #tpu.memory_space<hbm>>
      %dma_start3A_969 = tpu.memref_slice %arg14[%dma_start3A_960] : memref<6x!tpu.dma_semaphore, #tpu.memory_space<semaphore_mem>> -> memref<1x!tpu.dma_semaphore, #tpu.memory_space<semaphore_mem>>
      %dma_start3A_970 = tpu.memref_squeeze %dma_start3A_969 : memref<1x!tpu.dma_semaphore, #tpu.memory_space<semaphore_mem>> -> memref<!tpu.dma_semaphore, #tpu.memory_space<semaphore_mem>>
      tpu.enqueue_indirect_dma source(%dma_start3A_968 : memref<100000x128xf32, #tpu.memory_space<hbm>>) target(%dma_start3A_964 : memref<128x128xf32, #tpu.memory_space<vmem>>) offsets(%dma_start3A_965 : memref<128xi32, #tpu.memory_space<vmem>>) semaphore(%dma_start3A_970 : memref<!tpu.dma_semaphore, #tpu.memory_space<semaphore_mem>>)
      %mul3A_971 = arith.constant 128 : i32
      %mul3A_972 = arith.muli %add3A_924, %mul3A_971 : i32
      %dma_start3A_973 = arith.constant 0 : i32
      %dma_start3A_974 = arith.constant 0 : i32
      %dma_start3A_975 = arith.constant 0 : i32
      %dma_start3A_976 = tpu.memref_slice %arg10[%dma_start3A_973, %dma_start3A_975] : memref<6x128xi32, #tpu.memory_space<vmem>> -> memref<1x128xi32, #tpu.memory_space<vmem>>
      %dma_start3A_977 = tpu.memref_squeeze %dma_start3A_976 : memref<1x128xi32, #tpu.memory_space<vmem>> -> memref<128xi32, #tpu.memory_space<vmem>>
      %dma_start3A_978 = tpu.memref_slice %arg8[%mul3A_972] : memref<15616xi32, #tpu.memory_space<vmem>> -> memref<128xi32, #tpu.memory_space<vmem>>
      %dma_start3A_979 = arith.constant 0 : i32
      %dma_start3A_980 = tpu.memref_slice %arg7[%dma_start3A_979] : memref<100000xi32, #tpu.memory_space<vmem_shared>> -> memref<100000xi32, #tpu.memory_space<vmem_shared>>
      %dma_start3A_981 = tpu.memref_slice %arg15[%dma_start3A_974] : memref<6x!tpu.dma_semaphore, #tpu.memory_space<semaphore_mem>> -> memref<1x!tpu.dma_semaphore, #tpu.memory_space<semaphore_mem>>
      %dma_start3A_982 = tpu.memref_squeeze %dma_start3A_981 : memref<1x!tpu.dma_semaphore, #tpu.memory_space<semaphore_mem>> -> memref<!tpu.dma_semaphore, #tpu.memory_space<semaphore_mem>>
      tpu.enqueue_indirect_dma source(%dma_start3A_980 : memref<100000xi32, #tpu.memory_space<vmem_shared>>) target(%dma_start3A_977 : memref<128xi32, #tpu.memory_space<vmem>>) offsets(%dma_start3A_978 : memref<128xi32, #tpu.memory_space<vmem>>) semaphore(%dma_start3A_982 : memref<!tpu.dma_semaphore, #tpu.memory_space<semaphore_mem>>)
      %sub3A = arith.constant 3 : i32
      %sub3A_983 = arith.subi %add3A_924, %sub3A : i32
      %add3A_984 = arith.addi %mul3A_2, %sub3A_983 : i32
      %mul3A_985 = arith.constant 128 : i32
      %mul3A_986 = arith.muli %add3A_984, %mul3A_985 : i32
      %mul3A_987 = arith.constant 128 : i32
      %mul3A_988 = arith.muli %sub3A_983, %mul3A_987 : i32
      %dma_wait3A_989 = arith.constant 3 : i32
      %dma_wait3A_990 = arith.constant 3 : i32
      %dma_wait3A_991 = arith.constant 0 : i32
      %dma_wait3A_992 = arith.constant 0 : i32
      %dma_wait3A_993 = tpu.memref_slice %arg9[%dma_wait3A_989, %dma_wait3A_991, %dma_wait3A_992] : memref<6x128x128xf32, #tpu.memory_space<vmem>> -> memref<1x128x128xf32, #tpu.memory_space<vmem>>
      %dma_wait3A_994 = tpu.memref_squeeze %dma_wait3A_993 : memref<1x128x128xf32, #tpu.memory_space<vmem>> -> memref<128x128xf32, #tpu.memory_space<vmem>>
      %dma_wait3A_995 = tpu.memref_slice %arg8[%mul3A_988] : memref<15616xi32, #tpu.memory_space<vmem>> -> memref<128xi32, #tpu.memory_space<vmem>>
      %dma_wait3A_996 = arith.constant 0 : i32
      %dma_wait3A_997 = arith.constant 0 : i32
      %dma_wait3A_998 = tpu.memref_slice %arg2[%dma_wait3A_996, %dma_wait3A_997] : memref<100000x128xf32, #tpu.memory_space<hbm>> -> memref<100000x128xf32, #tpu.memory_space<hbm>>
      %dma_wait3A_999 = tpu.memref_slice %arg14[%dma_wait3A_990] : memref<6x!tpu.dma_semaphore, #tpu.memory_space<semaphore_mem>> -> memref<1x!tpu.dma_semaphore, #tpu.memory_space<semaphore_mem>>
      %dma_wait3A_1000 = tpu.memref_squeeze %dma_wait3A_999 : memref<1x!tpu.dma_semaphore, #tpu.memory_space<semaphore_mem>> -> memref<!tpu.dma_semaphore, #tpu.memory_space<semaphore_mem>>
      tpu.wait_indirect_dma semaphore(%dma_wait3A_1000 : memref<!tpu.dma_semaphore, #tpu.memory_space<semaphore_mem>>) src(%dma_wait3A_998 : memref<100000x128xf32, #tpu.memory_space<hbm>>) dst(%dma_wait3A_994 : memref<128x128xf32, #tpu.memory_space<vmem>>)
      %dma_wait3A_1001 = arith.constant 3 : i32
      %dma_wait3A_1002 = arith.constant 3 : i32
      %dma_wait3A_1003 = arith.constant 0 : i32
      %dma_wait3A_1004 = tpu.memref_slice %arg10[%dma_wait3A_1001, %dma_wait3A_1003] : memref<6x128xi32, #tpu.memory_space<vmem>> -> memref<1x128xi32, #tpu.memory_space<vmem>>
      %dma_wait3A_1005 = tpu.memref_squeeze %dma_wait3A_1004 : memref<1x128xi32, #tpu.memory_space<vmem>> -> memref<128xi32, #tpu.memory_space<vmem>>
      %dma_wait3A_1006 = tpu.memref_slice %arg8[%mul3A_988] : memref<15616xi32, #tpu.memory_space<vmem>> -> memref<128xi32, #tpu.memory_space<vmem>>
      %dma_wait3A_1007 = arith.constant 0 : i32
      %dma_wait3A_1008 = tpu.memref_slice %arg7[%dma_wait3A_1007] : memref<100000xi32, #tpu.memory_space<vmem_shared>> -> memref<100000xi32, #tpu.memory_space<vmem_shared>>
      %dma_wait3A_1009 = tpu.memref_slice %arg15[%dma_wait3A_1002] : memref<6x!tpu.dma_semaphore, #tpu.memory_space<semaphore_mem>> -> memref<1x!tpu.dma_semaphore, #tpu.memory_space<semaphore_mem>>
      %dma_wait3A_1010 = tpu.memref_squeeze %dma_wait3A_1009 : memref<1x!tpu.dma_semaphore, #tpu.memory_space<semaphore_mem>> -> memref<!tpu.dma_semaphore, #tpu.memory_space<semaphore_mem>>
      tpu.wait_indirect_dma semaphore(%dma_wait3A_1010 : memref<!tpu.dma_semaphore, #tpu.memory_space<semaphore_mem>>) src(%dma_wait3A_1008 : memref<100000xi32, #tpu.memory_space<vmem_shared>>) dst(%dma_wait3A_1005 : memref<128xi32, #tpu.memory_space<vmem>>)
      %dma_start3A_1011 = arith.constant 3 : i32
      %dma_start3A_1012 = arith.constant 3 : i32
      %dma_start3A_1013 = arith.constant 0 : i32
      %dma_start3A_1014 = arith.constant 0 : i32
      %dma_start3A_1015 = tpu.memref_slice %arg9[%dma_start3A_1011, %dma_start3A_1013, %dma_start3A_1014] : memref<6x128x128xf32, #tpu.memory_space<vmem>> -> memref<1x128x128xf32, #tpu.memory_space<vmem>>
      %dma_start3A_1016 = tpu.memref_squeeze %dma_start3A_1015 : memref<1x128x128xf32, #tpu.memory_space<vmem>> -> memref<128x128xf32, #tpu.memory_space<vmem>>
      %dma_start3A_1017 = arith.constant 0 : i32
      %dma_start3A_1018 = tpu.memref_slice %arg5[%mul3A_986, %dma_start3A_1017] : memref<500000x128xf32, #tpu.memory_space<hbm>> -> memref<128x128xf32, #tpu.memory_space<hbm>>
      %dma_start3A_1019 = tpu.memref_slice %arg16[%dma_start3A_1012] : memref<6x!tpu.dma_semaphore, #tpu.memory_space<semaphore_mem>> -> memref<1x!tpu.dma_semaphore, #tpu.memory_space<semaphore_mem>>
      %dma_start3A_1020 = tpu.memref_squeeze %dma_start3A_1019 : memref<1x!tpu.dma_semaphore, #tpu.memory_space<semaphore_mem>> -> memref<!tpu.dma_semaphore, #tpu.memory_space<semaphore_mem>>
      %dma_start3A_1021 = arith.constant 0 : i32
      %dma_start3A_1022 = tpu.memref_slice %arg5[%mul3A_986, %dma_start3A_1021] : memref<500000x128xf32, #tpu.memory_space<hbm>> -> memref<128x128xf32, #tpu.memory_space<hbm>>
      %dma_start3A_1023 = arith.constant 0 : i32
      %dma_start3A_1024 = arith.constant 0 : i32
      %dma_start3A_1025 = tpu.memref_slice %arg9[%dma_start3A_1011, %dma_start3A_1023, %dma_start3A_1024] : memref<6x128x128xf32, #tpu.memory_space<vmem>> -> memref<1x128x128xf32, #tpu.memory_space<vmem>>
      %dma_start3A_1026 = tpu.memref_squeeze %dma_start3A_1025 : memref<1x128x128xf32, #tpu.memory_space<vmem>> -> memref<128x128xf32, #tpu.memory_space<vmem>>
      tpu.enqueue_dma source(%dma_start3A_1026 : memref<128x128xf32, #tpu.memory_space<vmem>>) target(%dma_start3A_1022 : memref<128x128xf32, #tpu.memory_space<hbm>>) target_semaphore(%dma_start3A_1020 : memref<!tpu.dma_semaphore, #tpu.memory_space<semaphore_mem>>)
      %dma_start3A_1027 = arith.constant 3 : i32
      %dma_start3A_1028 = arith.constant 3 : i32
      %dma_start3A_1029 = arith.constant 0 : i32
      %dma_start3A_1030 = tpu.memref_slice %arg10[%dma_start3A_1027, %dma_start3A_1029] : memref<6x128xi32, #tpu.memory_space<vmem>> -> memref<1x128xi32, #tpu.memory_space<vmem>>
      %dma_start3A_1031 = tpu.memref_squeeze %dma_start3A_1030 : memref<1x128xi32, #tpu.memory_space<vmem>> -> memref<128xi32, #tpu.memory_space<vmem>>
      %dma_start3A_1032 = tpu.memref_slice %arg6[%mul3A_986] : memref<500000xi32, #tpu.memory_space<hbm>> -> memref<128xi32, #tpu.memory_space<hbm>>
      %dma_start3A_1033 = tpu.memref_slice %arg17[%dma_start3A_1028] : memref<6x!tpu.dma_semaphore, #tpu.memory_space<semaphore_mem>> -> memref<1x!tpu.dma_semaphore, #tpu.memory_space<semaphore_mem>>
      %dma_start3A_1034 = tpu.memref_squeeze %dma_start3A_1033 : memref<1x!tpu.dma_semaphore, #tpu.memory_space<semaphore_mem>> -> memref<!tpu.dma_semaphore, #tpu.memory_space<semaphore_mem>>
      %dma_start3A_1035 = tpu.memref_slice %arg6[%mul3A_986] : memref<500000xi32, #tpu.memory_space<hbm>> -> memref<128xi32, #tpu.memory_space<hbm>>
      %dma_start3A_1036 = arith.constant 0 : i32
      %dma_start3A_1037 = tpu.memref_slice %arg10[%dma_start3A_1027, %dma_start3A_1036] : memref<6x128xi32, #tpu.memory_space<vmem>> -> memref<1x128xi32, #tpu.memory_space<vmem>>
      %dma_start3A_1038 = tpu.memref_squeeze %dma_start3A_1037 : memref<1x128xi32, #tpu.memory_space<vmem>> -> memref<128xi32, #tpu.memory_space<vmem>>
      tpu.enqueue_dma source(%dma_start3A_1038 : memref<128xi32, #tpu.memory_space<vmem>>) target(%dma_start3A_1035 : memref<128xi32, #tpu.memory_space<hbm>>) target_semaphore(%dma_start3A_1034 : memref<!tpu.dma_semaphore, #tpu.memory_space<semaphore_mem>>)
      %mul3A_1039 = arith.constant 6 : i32
      %mul3A_1040 = arith.muli %scan3A_920, %mul3A_1039 : i32
      %add3A_1041 = arith.constant 1 : i32
      %add3A_1042 = arith.addi %mul3A_1040, %add3A_1041 : i32
      %dma_wait3A_1043 = arith.constant 1 : i32
      %dma_wait3A_1044 = arith.constant 1 : i32
      %dma_wait3A_1045 = arith.constant 0 : i32
      %dma_wait3A_1046 = arith.constant 0 : i32
      %dma_wait3A_1047 = tpu.memref_slice %arg9[%dma_wait3A_1043, %dma_wait3A_1045, %dma_wait3A_1046] : memref<6x128x128xf32, #tpu.memory_space<vmem>> -> memref<1x128x128xf32, #tpu.memory_space<vmem>>
      %dma_wait3A_1048 = tpu.memref_squeeze %dma_wait3A_1047 : memref<1x128x128xf32, #tpu.memory_space<vmem>> -> memref<128x128xf32, #tpu.memory_space<vmem>>
      %dma_wait3A_1049 = arith.constant 0 : i32
      %dma_wait3A_1050 = arith.constant 0 : i32
      %dma_wait3A_1051 = tpu.memref_slice %arg5[%dma_wait3A_1049, %dma_wait3A_1050] : memref<500000x128xf32, #tpu.memory_space<hbm>> -> memref<128x128xf32, #tpu.memory_space<hbm>>
      %dma_wait3A_1052 = tpu.memref_slice %arg16[%dma_wait3A_1044] : memref<6x!tpu.dma_semaphore, #tpu.memory_space<semaphore_mem>> -> memref<1x!tpu.dma_semaphore, #tpu.memory_space<semaphore_mem>>
      %dma_wait3A_1053 = tpu.memref_squeeze %dma_wait3A_1052 : memref<1x!tpu.dma_semaphore, #tpu.memory_space<semaphore_mem>> -> memref<!tpu.dma_semaphore, #tpu.memory_space<semaphore_mem>>
      %dma_wait3A_1054 = arith.constant 0 : i32
      %dma_wait3A_1055 = arith.constant 0 : i32
      %dma_wait3A_1056 = tpu.memref_slice %arg5[%dma_wait3A_1054, %dma_wait3A_1055] : memref<500000x128xf32, #tpu.memory_space<hbm>> -> memref<128x128xf32, #tpu.memory_space<hbm>>
      %dma_wait3A_1057 = arith.constant 0 : i32
      %dma_wait3A_1058 = arith.constant 0 : i32
      %dma_wait3A_1059 = tpu.memref_slice %arg9[%dma_wait3A_1043, %dma_wait3A_1057, %dma_wait3A_1058] : memref<6x128x128xf32, #tpu.memory_space<vmem>> -> memref<1x128x128xf32, #tpu.memory_space<vmem>>
      %dma_wait3A_1060 = tpu.memref_squeeze %dma_wait3A_1059 : memref<1x128x128xf32, #tpu.memory_space<vmem>> -> memref<128x128xf32, #tpu.memory_space<vmem>>
      tpu.wait_dma2 semaphore(%dma_wait3A_1053 : memref<!tpu.dma_semaphore, #tpu.memory_space<semaphore_mem>>) src(%dma_wait3A_1060 : memref<128x128xf32, #tpu.memory_space<vmem>>) dst(%dma_wait3A_1056 : memref<128x128xf32, #tpu.memory_space<hbm>>)
      %dma_wait3A_1061 = arith.constant 1 : i32
      %dma_wait3A_1062 = arith.constant 1 : i32
      %dma_wait3A_1063 = arith.constant 0 : i32
      %dma_wait3A_1064 = tpu.memref_slice %arg10[%dma_wait3A_1061, %dma_wait3A_1063] : memref<6x128xi32, #tpu.memory_space<vmem>> -> memref<1x128xi32, #tpu.memory_space<vmem>>
      %dma_wait3A_1065 = tpu.memref_squeeze %dma_wait3A_1064 : memref<1x128xi32, #tpu.memory_space<vmem>> -> memref<128xi32, #tpu.memory_space<vmem>>
      %dma_wait3A_1066 = arith.constant 0 : i32
      %dma_wait3A_1067 = tpu.memref_slice %arg6[%dma_wait3A_1066] : memref<500000xi32, #tpu.memory_space<hbm>> -> memref<128xi32, #tpu.memory_space<hbm>>
      %dma_wait3A_1068 = tpu.memref_slice %arg17[%dma_wait3A_1062] : memref<6x!tpu.dma_semaphore, #tpu.memory_space<semaphore_mem>> -> memref<1x!tpu.dma_semaphore, #tpu.memory_space<semaphore_mem>>
      %dma_wait3A_1069 = tpu.memref_squeeze %dma_wait3A_1068 : memref<1x!tpu.dma_semaphore, #tpu.memory_space<semaphore_mem>> -> memref<!tpu.dma_semaphore, #tpu.memory_space<semaphore_mem>>
      %dma_wait3A_1070 = arith.constant 0 : i32
      %dma_wait3A_1071 = tpu.memref_slice %arg6[%dma_wait3A_1070] : memref<500000xi32, #tpu.memory_space<hbm>> -> memref<128xi32, #tpu.memory_space<hbm>>
      %dma_wait3A_1072 = arith.constant 0 : i32
      %dma_wait3A_1073 = tpu.memref_slice %arg10[%dma_wait3A_1061, %dma_wait3A_1072] : memref<6x128xi32, #tpu.memory_space<vmem>> -> memref<1x128xi32, #tpu.memory_space<vmem>>
      %dma_wait3A_1074 = tpu.memref_squeeze %dma_wait3A_1073 : memref<1x128xi32, #tpu.memory_space<vmem>> -> memref<128xi32, #tpu.memory_space<vmem>>
      tpu.wait_dma2 semaphore(%dma_wait3A_1069 : memref<!tpu.dma_semaphore, #tpu.memory_space<semaphore_mem>>) src(%dma_wait3A_1074 : memref<128xi32, #tpu.memory_space<vmem>>) dst(%dma_wait3A_1071 : memref<128xi32, #tpu.memory_space<hbm>>)
      %mul3A_1075 = arith.constant 128 : i32
      %mul3A_1076 = arith.muli %add3A_1042, %mul3A_1075 : i32
      %dma_start3A_1077 = arith.constant 1 : i32
      %dma_start3A_1078 = arith.constant 1 : i32
      %dma_start3A_1079 = arith.constant 0 : i32
      %dma_start3A_1080 = arith.constant 0 : i32
      %dma_start3A_1081 = tpu.memref_slice %arg9[%dma_start3A_1077, %dma_start3A_1079, %dma_start3A_1080] : memref<6x128x128xf32, #tpu.memory_space<vmem>> -> memref<1x128x128xf32, #tpu.memory_space<vmem>>
      %dma_start3A_1082 = tpu.memref_squeeze %dma_start3A_1081 : memref<1x128x128xf32, #tpu.memory_space<vmem>> -> memref<128x128xf32, #tpu.memory_space<vmem>>
      %dma_start3A_1083 = tpu.memref_slice %arg8[%mul3A_1076] : memref<15616xi32, #tpu.memory_space<vmem>> -> memref<128xi32, #tpu.memory_space<vmem>>
      %dma_start3A_1084 = arith.constant 0 : i32
      %dma_start3A_1085 = arith.constant 0 : i32
      %dma_start3A_1086 = tpu.memref_slice %arg2[%dma_start3A_1084, %dma_start3A_1085] : memref<100000x128xf32, #tpu.memory_space<hbm>> -> memref<100000x128xf32, #tpu.memory_space<hbm>>
      %dma_start3A_1087 = tpu.memref_slice %arg14[%dma_start3A_1078] : memref<6x!tpu.dma_semaphore, #tpu.memory_space<semaphore_mem>> -> memref<1x!tpu.dma_semaphore, #tpu.memory_space<semaphore_mem>>
      %dma_start3A_1088 = tpu.memref_squeeze %dma_start3A_1087 : memref<1x!tpu.dma_semaphore, #tpu.memory_space<semaphore_mem>> -> memref<!tpu.dma_semaphore, #tpu.memory_space<semaphore_mem>>
      tpu.enqueue_indirect_dma source(%dma_start3A_1086 : memref<100000x128xf32, #tpu.memory_space<hbm>>) target(%dma_start3A_1082 : memref<128x128xf32, #tpu.memory_space<vmem>>) offsets(%dma_start3A_1083 : memref<128xi32, #tpu.memory_space<vmem>>) semaphore(%dma_start3A_1088 : memref<!tpu.dma_semaphore, #tpu.memory_space<semaphore_mem>>)
      %mul3A_1089 = arith.constant 128 : i32
      %mul3A_1090 = arith.muli %add3A_1042, %mul3A_1089 : i32
      %dma_start3A_1091 = arith.constant 1 : i32
      %dma_start3A_1092 = arith.constant 1 : i32
      %dma_start3A_1093 = arith.constant 0 : i32
      %dma_start3A_1094 = tpu.memref_slice %arg10[%dma_start3A_1091, %dma_start3A_1093] : memref<6x128xi32, #tpu.memory_space<vmem>> -> memref<1x128xi32, #tpu.memory_space<vmem>>
      %dma_start3A_1095 = tpu.memref_squeeze %dma_start3A_1094 : memref<1x128xi32, #tpu.memory_space<vmem>> -> memref<128xi32, #tpu.memory_space<vmem>>
      %dma_start3A_1096 = tpu.memref_slice %arg8[%mul3A_1090] : memref<15616xi32, #tpu.memory_space<vmem>> -> memref<128xi32, #tpu.memory_space<vmem>>
      %dma_start3A_1097 = arith.constant 0 : i32
      %dma_start3A_1098 = tpu.memref_slice %arg7[%dma_start3A_1097] : memref<100000xi32, #tpu.memory_space<vmem_shared>> -> memref<100000xi32, #tpu.memory_space<vmem_shared>>
      %dma_start3A_1099 = tpu.memref_slice %arg15[%dma_start3A_1092] : memref<6x!tpu.dma_semaphore, #tpu.memory_space<semaphore_mem>> -> memref<1x!tpu.dma_semaphore, #tpu.memory_space<semaphore_mem>>
      %dma_start3A_1100 = tpu.memref_squeeze %dma_start3A_1099 : memref<1x!tpu.dma_semaphore, #tpu.memory_space<semaphore_mem>> -> memref<!tpu.dma_semaphore, #tpu.memory_space<semaphore_mem>>
      tpu.enqueue_indirect_dma source(%dma_start3A_1098 : memref<100000xi32, #tpu.memory_space<vmem_shared>>) target(%dma_start3A_1095 : memref<128xi32, #tpu.memory_space<vmem>>) offsets(%dma_start3A_1096 : memref<128xi32, #tpu.memory_space<vmem>>) semaphore(%dma_start3A_1100 : memref<!tpu.dma_semaphore, #tpu.memory_space<semaphore_mem>>)
      %sub3A_1101 = arith.constant 3 : i32
      %sub3A_1102 = arith.subi %add3A_1042, %sub3A_1101 : i32
      %add3A_1103 = arith.addi %mul3A_2, %sub3A_1102 : i32
      %mul3A_1104 = arith.constant 128 : i32
      %mul3A_1105 = arith.muli %add3A_1103, %mul3A_1104 : i32
      %mul3A_1106 = arith.constant 128 : i32
      %mul3A_1107 = arith.muli %sub3A_1102, %mul3A_1106 : i32
      %dma_wait3A_1108 = arith.constant 4 : i32
      %dma_wait3A_1109 = arith.constant 4 : i32
      %dma_wait3A_1110 = arith.constant 0 : i32
      %dma_wait3A_1111 = arith.constant 0 : i32
      %dma_wait3A_1112 = tpu.memref_slice %arg9[%dma_wait3A_1108, %dma_wait3A_1110, %dma_wait3A_1111] : memref<6x128x128xf32, #tpu.memory_space<vmem>> -> memref<1x128x128xf32, #tpu.memory_space<vmem>>
      %dma_wait3A_1113 = tpu.memref_squeeze %dma_wait3A_1112 : memref<1x128x128xf32, #tpu.memory_space<vmem>> -> memref<128x128xf32, #tpu.memory_space<vmem>>
      %dma_wait3A_1114 = tpu.memref_slice %arg8[%mul3A_1107] : memref<15616xi32, #tpu.memory_space<vmem>> -> memref<128xi32, #tpu.memory_space<vmem>>
      %dma_wait3A_1115 = arith.constant 0 : i32
      %dma_wait3A_1116 = arith.constant 0 : i32
      %dma_wait3A_1117 = tpu.memref_slice %arg2[%dma_wait3A_1115, %dma_wait3A_1116] : memref<100000x128xf32, #tpu.memory_space<hbm>> -> memref<100000x128xf32, #tpu.memory_space<hbm>>
      %dma_wait3A_1118 = tpu.memref_slice %arg14[%dma_wait3A_1109] : memref<6x!tpu.dma_semaphore, #tpu.memory_space<semaphore_mem>> -> memref<1x!tpu.dma_semaphore, #tpu.memory_space<semaphore_mem>>
      %dma_wait3A_1119 = tpu.memref_squeeze %dma_wait3A_1118 : memref<1x!tpu.dma_semaphore, #tpu.memory_space<semaphore_mem>> -> memref<!tpu.dma_semaphore, #tpu.memory_space<semaphore_mem>>
      tpu.wait_indirect_dma semaphore(%dma_wait3A_1119 : memref<!tpu.dma_semaphore, #tpu.memory_space<semaphore_mem>>) src(%dma_wait3A_1117 : memref<100000x128xf32, #tpu.memory_space<hbm>>) dst(%dma_wait3A_1113 : memref<128x128xf32, #tpu.memory_space<vmem>>)
      %dma_wait3A_1120 = arith.constant 4 : i32
      %dma_wait3A_1121 = arith.constant 4 : i32
      %dma_wait3A_1122 = arith.constant 0 : i32
      %dma_wait3A_1123 = tpu.memref_slice %arg10[%dma_wait3A_1120, %dma_wait3A_1122] : memref<6x128xi32, #tpu.memory_space<vmem>> -> memref<1x128xi32, #tpu.memory_space<vmem>>
      %dma_wait3A_1124 = tpu.memref_squeeze %dma_wait3A_1123 : memref<1x128xi32, #tpu.memory_space<vmem>> -> memref<128xi32, #tpu.memory_space<vmem>>
      %dma_wait3A_1125 = tpu.memref_slice %arg8[%mul3A_1107] : memref<15616xi32, #tpu.memory_space<vmem>> -> memref<128xi32, #tpu.memory_space<vmem>>
      %dma_wait3A_1126 = arith.constant 0 : i32
      %dma_wait3A_1127 = tpu.memref_slice %arg7[%dma_wait3A_1126] : memref<100000xi32, #tpu.memory_space<vmem_shared>> -> memref<100000xi32, #tpu.memory_space<vmem_shared>>
      %dma_wait3A_1128 = tpu.memref_slice %arg15[%dma_wait3A_1121] : memref<6x!tpu.dma_semaphore, #tpu.memory_space<semaphore_mem>> -> memref<1x!tpu.dma_semaphore, #tpu.memory_space<semaphore_mem>>
      %dma_wait3A_1129 = tpu.memref_squeeze %dma_wait3A_1128 : memref<1x!tpu.dma_semaphore, #tpu.memory_space<semaphore_mem>> -> memref<!tpu.dma_semaphore, #tpu.memory_space<semaphore_mem>>
      tpu.wait_indirect_dma semaphore(%dma_wait3A_1129 : memref<!tpu.dma_semaphore, #tpu.memory_space<semaphore_mem>>) src(%dma_wait3A_1127 : memref<100000xi32, #tpu.memory_space<vmem_shared>>) dst(%dma_wait3A_1124 : memref<128xi32, #tpu.memory_space<vmem>>)
      %dma_start3A_1130 = arith.constant 4 : i32
      %dma_start3A_1131 = arith.constant 4 : i32
      %dma_start3A_1132 = arith.constant 0 : i32
      %dma_start3A_1133 = arith.constant 0 : i32
      %dma_start3A_1134 = tpu.memref_slice %arg9[%dma_start3A_1130, %dma_start3A_1132, %dma_start3A_1133] : memref<6x128x128xf32, #tpu.memory_space<vmem>> -> memref<1x128x128xf32, #tpu.memory_space<vmem>>
      %dma_start3A_1135 = tpu.memref_squeeze %dma_start3A_1134 : memref<1x128x128xf32, #tpu.memory_space<vmem>> -> memref<128x128xf32, #tpu.memory_space<vmem>>
      %dma_start3A_1136 = arith.constant 0 : i32
      %dma_start3A_1137 = tpu.memref_slice %arg5[%mul3A_1105, %dma_start3A_1136] : memref<500000x128xf32, #tpu.memory_space<hbm>> -> memref<128x128xf32, #tpu.memory_space<hbm>>
      %dma_start3A_1138 = tpu.memref_slice %arg16[%dma_start3A_1131] : memref<6x!tpu.dma_semaphore, #tpu.memory_space<semaphore_mem>> -> memref<1x!tpu.dma_semaphore, #tpu.memory_space<semaphore_mem>>
      %dma_start3A_1139 = tpu.memref_squeeze %dma_start3A_1138 : memref<1x!tpu.dma_semaphore, #tpu.memory_space<semaphore_mem>> -> memref<!tpu.dma_semaphore, #tpu.memory_space<semaphore_mem>>
      %dma_start3A_1140 = arith.constant 0 : i32
      %dma_start3A_1141 = tpu.memref_slice %arg5[%mul3A_1105, %dma_start3A_1140] : memref<500000x128xf32, #tpu.memory_space<hbm>> -> memref<128x128xf32, #tpu.memory_space<hbm>>
      %dma_start3A_1142 = arith.constant 0 : i32
      %dma_start3A_1143 = arith.constant 0 : i32
      %dma_start3A_1144 = tpu.memref_slice %arg9[%dma_start3A_1130, %dma_start3A_1142, %dma_start3A_1143] : memref<6x128x128xf32, #tpu.memory_space<vmem>> -> memref<1x128x128xf32, #tpu.memory_space<vmem>>
      %dma_start3A_1145 = tpu.memref_squeeze %dma_start3A_1144 : memref<1x128x128xf32, #tpu.memory_space<vmem>> -> memref<128x128xf32, #tpu.memory_space<vmem>>
      tpu.enqueue_dma source(%dma_start3A_1145 : memref<128x128xf32, #tpu.memory_space<vmem>>) target(%dma_start3A_1141 : memref<128x128xf32, #tpu.memory_space<hbm>>) target_semaphore(%dma_start3A_1139 : memref<!tpu.dma_semaphore, #tpu.memory_space<semaphore_mem>>)
      %dma_start3A_1146 = arith.constant 4 : i32
      %dma_start3A_1147 = arith.constant 4 : i32
      %dma_start3A_1148 = arith.constant 0 : i32
      %dma_start3A_1149 = tpu.memref_slice %arg10[%dma_start3A_1146, %dma_start3A_1148] : memref<6x128xi32, #tpu.memory_space<vmem>> -> memref<1x128xi32, #tpu.memory_space<vmem>>
      %dma_start3A_1150 = tpu.memref_squeeze %dma_start3A_1149 : memref<1x128xi32, #tpu.memory_space<vmem>> -> memref<128xi32, #tpu.memory_space<vmem>>
      %dma_start3A_1151 = tpu.memref_slice %arg6[%mul3A_1105] : memref<500000xi32, #tpu.memory_space<hbm>> -> memref<128xi32, #tpu.memory_space<hbm>>
      %dma_start3A_1152 = tpu.memref_slice %arg17[%dma_start3A_1147] : memref<6x!tpu.dma_semaphore, #tpu.memory_space<semaphore_mem>> -> memref<1x!tpu.dma_semaphore, #tpu.memory_space<semaphore_mem>>
      %dma_start3A_1153 = tpu.memref_squeeze %dma_start3A_1152 : memref<1x!tpu.dma_semaphore, #tpu.memory_space<semaphore_mem>> -> memref<!tpu.dma_semaphore, #tpu.memory_space<semaphore_mem>>
      %dma_start3A_1154 = tpu.memref_slice %arg6[%mul3A_1105] : memref<500000xi32, #tpu.memory_space<hbm>> -> memref<128xi32, #tpu.memory_space<hbm>>
      %dma_start3A_1155 = arith.constant 0 : i32
      %dma_start3A_1156 = tpu.memref_slice %arg10[%dma_start3A_1146, %dma_start3A_1155] : memref<6x128xi32, #tpu.memory_space<vmem>> -> memref<1x128xi32, #tpu.memory_space<vmem>>
      %dma_start3A_1157 = tpu.memref_squeeze %dma_start3A_1156 : memref<1x128xi32, #tpu.memory_space<vmem>> -> memref<128xi32, #tpu.memory_space<vmem>>
      tpu.enqueue_dma source(%dma_start3A_1157 : memref<128xi32, #tpu.memory_space<vmem>>) target(%dma_start3A_1154 : memref<128xi32, #tpu.memory_space<hbm>>) target_semaphore(%dma_start3A_1153 : memref<!tpu.dma_semaphore, #tpu.memory_space<semaphore_mem>>)
      %mul3A_1158 = arith.constant 6 : i32
      %mul3A_1159 = arith.muli %scan3A_920, %mul3A_1158 : i32
      %add3A_1160 = arith.constant 2 : i32
      %add3A_1161 = arith.addi %mul3A_1159, %add3A_1160 : i32
      %dma_wait3A_1162 = arith.constant 2 : i32
      %dma_wait3A_1163 = arith.constant 2 : i32
      %dma_wait3A_1164 = arith.constant 0 : i32
      %dma_wait3A_1165 = arith.constant 0 : i32
      %dma_wait3A_1166 = tpu.memref_slice %arg9[%dma_wait3A_1162, %dma_wait3A_1164, %dma_wait3A_1165] : memref<6x128x128xf32, #tpu.memory_space<vmem>> -> memref<1x128x128xf32, #tpu.memory_space<vmem>>
      %dma_wait3A_1167 = tpu.memref_squeeze %dma_wait3A_1166 : memref<1x128x128xf32, #tpu.memory_space<vmem>> -> memref<128x128xf32, #tpu.memory_space<vmem>>
      %dma_wait3A_1168 = arith.constant 0 : i32
      %dma_wait3A_1169 = arith.constant 0 : i32
      %dma_wait3A_1170 = tpu.memref_slice %arg5[%dma_wait3A_1168, %dma_wait3A_1169] : memref<500000x128xf32, #tpu.memory_space<hbm>> -> memref<128x128xf32, #tpu.memory_space<hbm>>
      %dma_wait3A_1171 = tpu.memref_slice %arg16[%dma_wait3A_1163] : memref<6x!tpu.dma_semaphore, #tpu.memory_space<semaphore_mem>> -> memref<1x!tpu.dma_semaphore, #tpu.memory_space<semaphore_mem>>
      %dma_wait3A_1172 = tpu.memref_squeeze %dma_wait3A_1171 : memref<1x!tpu.dma_semaphore, #tpu.memory_space<semaphore_mem>> -> memref<!tpu.dma_semaphore, #tpu.memory_space<semaphore_mem>>
      %dma_wait3A_1173 = arith.constant 0 : i32
      %dma_wait3A_1174 = arith.constant 0 : i32
      %dma_wait3A_1175 = tpu.memref_slice %arg5[%dma_wait3A_1173, %dma_wait3A_1174] : memref<500000x128xf32, #tpu.memory_space<hbm>> -> memref<128x128xf32, #tpu.memory_space<hbm>>
      %dma_wait3A_1176 = arith.constant 0 : i32
      %dma_wait3A_1177 = arith.constant 0 : i32
      %dma_wait3A_1178 = tpu.memref_slice %arg9[%dma_wait3A_1162, %dma_wait3A_1176, %dma_wait3A_1177] : memref<6x128x128xf32, #tpu.memory_space<vmem>> -> memref<1x128x128xf32, #tpu.memory_space<vmem>>
      %dma_wait3A_1179 = tpu.memref_squeeze %dma_wait3A_1178 : memref<1x128x128xf32, #tpu.memory_space<vmem>> -> memref<128x128xf32, #tpu.memory_space<vmem>>
      tpu.wait_dma2 semaphore(%dma_wait3A_1172 : memref<!tpu.dma_semaphore, #tpu.memory_space<semaphore_mem>>) src(%dma_wait3A_1179 : memref<128x128xf32, #tpu.memory_space<vmem>>) dst(%dma_wait3A_1175 : memref<128x128xf32, #tpu.memory_space<hbm>>)
      %dma_wait3A_1180 = arith.constant 2 : i32
      %dma_wait3A_1181 = arith.constant 2 : i32
      %dma_wait3A_1182 = arith.constant 0 : i32
      %dma_wait3A_1183 = tpu.memref_slice %arg10[%dma_wait3A_1180, %dma_wait3A_1182] : memref<6x128xi32, #tpu.memory_space<vmem>> -> memref<1x128xi32, #tpu.memory_space<vmem>>
      %dma_wait3A_1184 = tpu.memref_squeeze %dma_wait3A_1183 : memref<1x128xi32, #tpu.memory_space<vmem>> -> memref<128xi32, #tpu.memory_space<vmem>>
      %dma_wait3A_1185 = arith.constant 0 : i32
      %dma_wait3A_1186 = tpu.memref_slice %arg6[%dma_wait3A_1185] : memref<500000xi32, #tpu.memory_space<hbm>> -> memref<128xi32, #tpu.memory_space<hbm>>
      %dma_wait3A_1187 = tpu.memref_slice %arg17[%dma_wait3A_1181] : memref<6x!tpu.dma_semaphore, #tpu.memory_space<semaphore_mem>> -> memref<1x!tpu.dma_semaphore, #tpu.memory_space<semaphore_mem>>
      %dma_wait3A_1188 = tpu.memref_squeeze %dma_wait3A_1187 : memref<1x!tpu.dma_semaphore, #tpu.memory_space<semaphore_mem>> -> memref<!tpu.dma_semaphore, #tpu.memory_space<semaphore_mem>>
      %dma_wait3A_1189 = arith.constant 0 : i32
      %dma_wait3A_1190 = tpu.memref_slice %arg6[%dma_wait3A_1189] : memref<500000xi32, #tpu.memory_space<hbm>> -> memref<128xi32, #tpu.memory_space<hbm>>
      %dma_wait3A_1191 = arith.constant 0 : i32
      %dma_wait3A_1192 = tpu.memref_slice %arg10[%dma_wait3A_1180, %dma_wait3A_1191] : memref<6x128xi32, #tpu.memory_space<vmem>> -> memref<1x128xi32, #tpu.memory_space<vmem>>
      %dma_wait3A_1193 = tpu.memref_squeeze %dma_wait3A_1192 : memref<1x128xi32, #tpu.memory_space<vmem>> -> memref<128xi32, #tpu.memory_space<vmem>>
      tpu.wait_dma2 semaphore(%dma_wait3A_1188 : memref<!tpu.dma_semaphore, #tpu.memory_space<semaphore_mem>>) src(%dma_wait3A_1193 : memref<128xi32, #tpu.memory_space<vmem>>) dst(%dma_wait3A_1190 : memref<128xi32, #tpu.memory_space<hbm>>)
      %mul3A_1194 = arith.constant 128 : i32
      %mul3A_1195 = arith.muli %add3A_1161, %mul3A_1194 : i32
      %dma_start3A_1196 = arith.constant 2 : i32
      %dma_start3A_1197 = arith.constant 2 : i32
      %dma_start3A_1198 = arith.constant 0 : i32
      %dma_start3A_1199 = arith.constant 0 : i32
      %dma_start3A_1200 = tpu.memref_slice %arg9[%dma_start3A_1196, %dma_start3A_1198, %dma_start3A_1199] : memref<6x128x128xf32, #tpu.memory_space<vmem>> -> memref<1x128x128xf32, #tpu.memory_space<vmem>>
      %dma_start3A_1201 = tpu.memref_squeeze %dma_start3A_1200 : memref<1x128x128xf32, #tpu.memory_space<vmem>> -> memref<128x128xf32, #tpu.memory_space<vmem>>
      %dma_start3A_1202 = tpu.memref_slice %arg8[%mul3A_1195] : memref<15616xi32, #tpu.memory_space<vmem>> -> memref<128xi32, #tpu.memory_space<vmem>>
      %dma_start3A_1203 = arith.constant 0 : i32
      %dma_start3A_1204 = arith.constant 0 : i32
      %dma_start3A_1205 = tpu.memref_slice %arg2[%dma_start3A_1203, %dma_start3A_1204] : memref<100000x128xf32, #tpu.memory_space<hbm>> -> memref<100000x128xf32, #tpu.memory_space<hbm>>
      %dma_start3A_1206 = tpu.memref_slice %arg14[%dma_start3A_1197] : memref<6x!tpu.dma_semaphore, #tpu.memory_space<semaphore_mem>> -> memref<1x!tpu.dma_semaphore, #tpu.memory_space<semaphore_mem>>
      %dma_start3A_1207 = tpu.memref_squeeze %dma_start3A_1206 : memref<1x!tpu.dma_semaphore, #tpu.memory_space<semaphore_mem>> -> memref<!tpu.dma_semaphore, #tpu.memory_space<semaphore_mem>>
      tpu.enqueue_indirect_dma source(%dma_start3A_1205 : memref<100000x128xf32, #tpu.memory_space<hbm>>) target(%dma_start3A_1201 : memref<128x128xf32, #tpu.memory_space<vmem>>) offsets(%dma_start3A_1202 : memref<128xi32, #tpu.memory_space<vmem>>) semaphore(%dma_start3A_1207 : memref<!tpu.dma_semaphore, #tpu.memory_space<semaphore_mem>>)
      %mul3A_1208 = arith.constant 128 : i32
      %mul3A_1209 = arith.muli %add3A_1161, %mul3A_1208 : i32
      %dma_start3A_1210 = arith.constant 2 : i32
      %dma_start3A_1211 = arith.constant 2 : i32
      %dma_start3A_1212 = arith.constant 0 : i32
      %dma_start3A_1213 = tpu.memref_slice %arg10[%dma_start3A_1210, %dma_start3A_1212] : memref<6x128xi32, #tpu.memory_space<vmem>> -> memref<1x128xi32, #tpu.memory_space<vmem>>
      %dma_start3A_1214 = tpu.memref_squeeze %dma_start3A_1213 : memref<1x128xi32, #tpu.memory_space<vmem>> -> memref<128xi32, #tpu.memory_space<vmem>>
      %dma_start3A_1215 = tpu.memref_slice %arg8[%mul3A_1209] : memref<15616xi32, #tpu.memory_space<vmem>> -> memref<128xi32, #tpu.memory_space<vmem>>
      %dma_start3A_1216 = arith.constant 0 : i32
      %dma_start3A_1217 = tpu.memref_slice %arg7[%dma_start3A_1216] : memref<100000xi32, #tpu.memory_space<vmem_shared>> -> memref<100000xi32, #tpu.memory_space<vmem_shared>>
      %dma_start3A_1218 = tpu.memref_slice %arg15[%dma_start3A_1211] : memref<6x!tpu.dma_semaphore, #tpu.memory_space<semaphore_mem>> -> memref<1x!tpu.dma_semaphore, #tpu.memory_space<semaphore_mem>>
      %dma_start3A_1219 = tpu.memref_squeeze %dma_start3A_1218 : memref<1x!tpu.dma_semaphore, #tpu.memory_space<semaphore_mem>> -> memref<!tpu.dma_semaphore, #tpu.memory_space<semaphore_mem>>
      tpu.enqueue_indirect_dma source(%dma_start3A_1217 : memref<100000xi32, #tpu.memory_space<vmem_shared>>) target(%dma_start3A_1214 : memref<128xi32, #tpu.memory_space<vmem>>) offsets(%dma_start3A_1215 : memref<128xi32, #tpu.memory_space<vmem>>) semaphore(%dma_start3A_1219 : memref<!tpu.dma_semaphore, #tpu.memory_space<semaphore_mem>>)
      %sub3A_1220 = arith.constant 3 : i32
      %sub3A_1221 = arith.subi %add3A_1161, %sub3A_1220 : i32
      %add3A_1222 = arith.addi %mul3A_2, %sub3A_1221 : i32
      %mul3A_1223 = arith.constant 128 : i32
      %mul3A_1224 = arith.muli %add3A_1222, %mul3A_1223 : i32
      %mul3A_1225 = arith.constant 128 : i32
      %mul3A_1226 = arith.muli %sub3A_1221, %mul3A_1225 : i32
      %dma_wait3A_1227 = arith.constant 5 : i32
      %dma_wait3A_1228 = arith.constant 5 : i32
      %dma_wait3A_1229 = arith.constant 0 : i32
      %dma_wait3A_1230 = arith.constant 0 : i32
      %dma_wait3A_1231 = tpu.memref_slice %arg9[%dma_wait3A_1227, %dma_wait3A_1229, %dma_wait3A_1230] : memref<6x128x128xf32, #tpu.memory_space<vmem>> -> memref<1x128x128xf32, #tpu.memory_space<vmem>>
      %dma_wait3A_1232 = tpu.memref_squeeze %dma_wait3A_1231 : memref<1x128x128xf32, #tpu.memory_space<vmem>> -> memref<128x128xf32, #tpu.memory_space<vmem>>
      %dma_wait3A_1233 = tpu.memref_slice %arg8[%mul3A_1226] : memref<15616xi32, #tpu.memory_space<vmem>> -> memref<128xi32, #tpu.memory_space<vmem>>
      %dma_wait3A_1234 = arith.constant 0 : i32
      %dma_wait3A_1235 = arith.constant 0 : i32
      %dma_wait3A_1236 = tpu.memref_slice %arg2[%dma_wait3A_1234, %dma_wait3A_1235] : memref<100000x128xf32, #tpu.memory_space<hbm>> -> memref<100000x128xf32, #tpu.memory_space<hbm>>
      %dma_wait3A_1237 = tpu.memref_slice %arg14[%dma_wait3A_1228] : memref<6x!tpu.dma_semaphore, #tpu.memory_space<semaphore_mem>> -> memref<1x!tpu.dma_semaphore, #tpu.memory_space<semaphore_mem>>
      %dma_wait3A_1238 = tpu.memref_squeeze %dma_wait3A_1237 : memref<1x!tpu.dma_semaphore, #tpu.memory_space<semaphore_mem>> -> memref<!tpu.dma_semaphore, #tpu.memory_space<semaphore_mem>>
      tpu.wait_indirect_dma semaphore(%dma_wait3A_1238 : memref<!tpu.dma_semaphore, #tpu.memory_space<semaphore_mem>>) src(%dma_wait3A_1236 : memref<100000x128xf32, #tpu.memory_space<hbm>>) dst(%dma_wait3A_1232 : memref<128x128xf32, #tpu.memory_space<vmem>>)
      %dma_wait3A_1239 = arith.constant 5 : i32
      %dma_wait3A_1240 = arith.constant 5 : i32
      %dma_wait3A_1241 = arith.constant 0 : i32
      %dma_wait3A_1242 = tpu.memref_slice %arg10[%dma_wait3A_1239, %dma_wait3A_1241] : memref<6x128xi32, #tpu.memory_space<vmem>> -> memref<1x128xi32, #tpu.memory_space<vmem>>
      %dma_wait3A_1243 = tpu.memref_squeeze %dma_wait3A_1242 : memref<1x128xi32, #tpu.memory_space<vmem>> -> memref<128xi32, #tpu.memory_space<vmem>>
      %dma_wait3A_1244 = tpu.memref_slice %arg8[%mul3A_1226] : memref<15616xi32, #tpu.memory_space<vmem>> -> memref<128xi32, #tpu.memory_space<vmem>>
      %dma_wait3A_1245 = arith.constant 0 : i32
      %dma_wait3A_1246 = tpu.memref_slice %arg7[%dma_wait3A_1245] : memref<100000xi32, #tpu.memory_space<vmem_shared>> -> memref<100000xi32, #tpu.memory_space<vmem_shared>>
      %dma_wait3A_1247 = tpu.memref_slice %arg15[%dma_wait3A_1240] : memref<6x!tpu.dma_semaphore, #tpu.memory_space<semaphore_mem>> -> memref<1x!tpu.dma_semaphore, #tpu.memory_space<semaphore_mem>>
      %dma_wait3A_1248 = tpu.memref_squeeze %dma_wait3A_1247 : memref<1x!tpu.dma_semaphore, #tpu.memory_space<semaphore_mem>> -> memref<!tpu.dma_semaphore, #tpu.memory_space<semaphore_mem>>
      tpu.wait_indirect_dma semaphore(%dma_wait3A_1248 : memref<!tpu.dma_semaphore, #tpu.memory_space<semaphore_mem>>) src(%dma_wait3A_1246 : memref<100000xi32, #tpu.memory_space<vmem_shared>>) dst(%dma_wait3A_1243 : memref<128xi32, #tpu.memory_space<vmem>>)
      %dma_start3A_1249 = arith.constant 5 : i32
      %dma_start3A_1250 = arith.constant 5 : i32
      %dma_start3A_1251 = arith.constant 0 : i32
      %dma_start3A_1252 = arith.constant 0 : i32
      %dma_start3A_1253 = tpu.memref_slice %arg9[%dma_start3A_1249, %dma_start3A_1251, %dma_start3A_1252] : memref<6x128x128xf32, #tpu.memory_space<vmem>> -> memref<1x128x128xf32, #tpu.memory_space<vmem>>
      %dma_start3A_1254 = tpu.memref_squeeze %dma_start3A_1253 : memref<1x128x128xf32, #tpu.memory_space<vmem>> -> memref<128x128xf32, #tpu.memory_space<vmem>>
      %dma_start3A_1255 = arith.constant 0 : i32
      %dma_start3A_1256 = tpu.memref_slice %arg5[%mul3A_1224, %dma_start3A_1255] : memref<500000x128xf32, #tpu.memory_space<hbm>> -> memref<128x128xf32, #tpu.memory_space<hbm>>
      %dma_start3A_1257 = tpu.memref_slice %arg16[%dma_start3A_1250] : memref<6x!tpu.dma_semaphore, #tpu.memory_space<semaphore_mem>> -> memref<1x!tpu.dma_semaphore, #tpu.memory_space<semaphore_mem>>
      %dma_start3A_1258 = tpu.memref_squeeze %dma_start3A_1257 : memref<1x!tpu.dma_semaphore, #tpu.memory_space<semaphore_mem>> -> memref<!tpu.dma_semaphore, #tpu.memory_space<semaphore_mem>>
      %dma_start3A_1259 = arith.constant 0 : i32
      %dma_start3A_1260 = tpu.memref_slice %arg5[%mul3A_1224, %dma_start3A_1259] : memref<500000x128xf32, #tpu.memory_space<hbm>> -> memref<128x128xf32, #tpu.memory_space<hbm>>
      %dma_start3A_1261 = arith.constant 0 : i32
      %dma_start3A_1262 = arith.constant 0 : i32
      %dma_start3A_1263 = tpu.memref_slice %arg9[%dma_start3A_1249, %dma_start3A_1261, %dma_start3A_1262] : memref<6x128x128xf32, #tpu.memory_space<vmem>> -> memref<1x128x128xf32, #tpu.memory_space<vmem>>
      %dma_start3A_1264 = tpu.memref_squeeze %dma_start3A_1263 : memref<1x128x128xf32, #tpu.memory_space<vmem>> -> memref<128x128xf32, #tpu.memory_space<vmem>>
      tpu.enqueue_dma source(%dma_start3A_1264 : memref<128x128xf32, #tpu.memory_space<vmem>>) target(%dma_start3A_1260 : memref<128x128xf32, #tpu.memory_space<hbm>>) target_semaphore(%dma_start3A_1258 : memref<!tpu.dma_semaphore, #tpu.memory_space<semaphore_mem>>)
      %dma_start3A_1265 = arith.constant 5 : i32
      %dma_start3A_1266 = arith.constant 5 : i32
      %dma_start3A_1267 = arith.constant 0 : i32
      %dma_start3A_1268 = tpu.memref_slice %arg10[%dma_start3A_1265, %dma_start3A_1267] : memref<6x128xi32, #tpu.memory_space<vmem>> -> memref<1x128xi32, #tpu.memory_space<vmem>>
      %dma_start3A_1269 = tpu.memref_squeeze %dma_start3A_1268 : memref<1x128xi32, #tpu.memory_space<vmem>> -> memref<128xi32, #tpu.memory_space<vmem>>
      %dma_start3A_1270 = tpu.memref_slice %arg6[%mul3A_1224] : memref<500000xi32, #tpu.memory_space<hbm>> -> memref<128xi32, #tpu.memory_space<hbm>>
      %dma_start3A_1271 = tpu.memref_slice %arg17[%dma_start3A_1266] : memref<6x!tpu.dma_semaphore, #tpu.memory_space<semaphore_mem>> -> memref<1x!tpu.dma_semaphore, #tpu.memory_space<semaphore_mem>>
      %dma_start3A_1272 = tpu.memref_squeeze %dma_start3A_1271 : memref<1x!tpu.dma_semaphore, #tpu.memory_space<semaphore_mem>> -> memref<!tpu.dma_semaphore, #tpu.memory_space<semaphore_mem>>
      %dma_start3A_1273 = tpu.memref_slice %arg6[%mul3A_1224] : memref<500000xi32, #tpu.memory_space<hbm>> -> memref<128xi32, #tpu.memory_space<hbm>>
      %dma_start3A_1274 = arith.constant 0 : i32
      %dma_start3A_1275 = tpu.memref_slice %arg10[%dma_start3A_1265, %dma_start3A_1274] : memref<6x128xi32, #tpu.memory_space<vmem>> -> memref<1x128xi32, #tpu.memory_space<vmem>>
      %dma_start3A_1276 = tpu.memref_squeeze %dma_start3A_1275 : memref<1x128xi32, #tpu.memory_space<vmem>> -> memref<128xi32, #tpu.memory_space<vmem>>
      tpu.enqueue_dma source(%dma_start3A_1276 : memref<128xi32, #tpu.memory_space<vmem>>) target(%dma_start3A_1273 : memref<128xi32, #tpu.memory_space<hbm>>) target_semaphore(%dma_start3A_1272 : memref<!tpu.dma_semaphore, #tpu.memory_space<semaphore_mem>>)
      %mul3A_1277 = arith.constant 6 : i32
      %mul3A_1278 = arith.muli %scan3A_920, %mul3A_1277 : i32
      %add3A_1279 = arith.constant 3 : i32
      %add3A_1280 = arith.addi %mul3A_1278, %add3A_1279 : i32
      %dma_wait3A_1281 = arith.constant 3 : i32
      %dma_wait3A_1282 = arith.constant 3 : i32
      %dma_wait3A_1283 = arith.constant 0 : i32
      %dma_wait3A_1284 = arith.constant 0 : i32
      %dma_wait3A_1285 = tpu.memref_slice %arg9[%dma_wait3A_1281, %dma_wait3A_1283, %dma_wait3A_1284] : memref<6x128x128xf32, #tpu.memory_space<vmem>> -> memref<1x128x128xf32, #tpu.memory_space<vmem>>
      %dma_wait3A_1286 = tpu.memref_squeeze %dma_wait3A_1285 : memref<1x128x128xf32, #tpu.memory_space<vmem>> -> memref<128x128xf32, #tpu.memory_space<vmem>>
      %dma_wait3A_1287 = arith.constant 0 : i32
      %dma_wait3A_1288 = arith.constant 0 : i32
      %dma_wait3A_1289 = tpu.memref_slice %arg5[%dma_wait3A_1287, %dma_wait3A_1288] : memref<500000x128xf32, #tpu.memory_space<hbm>> -> memref<128x128xf32, #tpu.memory_space<hbm>>
      %dma_wait3A_1290 = tpu.memref_slice %arg16[%dma_wait3A_1282] : memref<6x!tpu.dma_semaphore, #tpu.memory_space<semaphore_mem>> -> memref<1x!tpu.dma_semaphore, #tpu.memory_space<semaphore_mem>>
      %dma_wait3A_1291 = tpu.memref_squeeze %dma_wait3A_1290 : memref<1x!tpu.dma_semaphore, #tpu.memory_space<semaphore_mem>> -> memref<!tpu.dma_semaphore, #tpu.memory_space<semaphore_mem>>
      %dma_wait3A_1292 = arith.constant 0 : i32
      %dma_wait3A_1293 = arith.constant 0 : i32
      %dma_wait3A_1294 = tpu.memref_slice %arg5[%dma_wait3A_1292, %dma_wait3A_1293] : memref<500000x128xf32, #tpu.memory_space<hbm>> -> memref<128x128xf32, #tpu.memory_space<hbm>>
      %dma_wait3A_1295 = arith.constant 0 : i32
      %dma_wait3A_1296 = arith.constant 0 : i32
      %dma_wait3A_1297 = tpu.memref_slice %arg9[%dma_wait3A_1281, %dma_wait3A_1295, %dma_wait3A_1296] : memref<6x128x128xf32, #tpu.memory_space<vmem>> -> memref<1x128x128xf32, #tpu.memory_space<vmem>>
      %dma_wait3A_1298 = tpu.memref_squeeze %dma_wait3A_1297 : memref<1x128x128xf32, #tpu.memory_space<vmem>> -> memref<128x128xf32, #tpu.memory_space<vmem>>
      tpu.wait_dma2 semaphore(%dma_wait3A_1291 : memref<!tpu.dma_semaphore, #tpu.memory_space<semaphore_mem>>) src(%dma_wait3A_1298 : memref<128x128xf32, #tpu.memory_space<vmem>>) dst(%dma_wait3A_1294 : memref<128x128xf32, #tpu.memory_space<hbm>>)
      %dma_wait3A_1299 = arith.constant 3 : i32
      %dma_wait3A_1300 = arith.constant 3 : i32
      %dma_wait3A_1301 = arith.constant 0 : i32
      %dma_wait3A_1302 = tpu.memref_slice %arg10[%dma_wait3A_1299, %dma_wait3A_1301] : memref<6x128xi32, #tpu.memory_space<vmem>> -> memref<1x128xi32, #tpu.memory_space<vmem>>
      %dma_wait3A_1303 = tpu.memref_squeeze %dma_wait3A_1302 : memref<1x128xi32, #tpu.memory_space<vmem>> -> memref<128xi32, #tpu.memory_space<vmem>>
      %dma_wait3A_1304 = arith.constant 0 : i32
      %dma_wait3A_1305 = tpu.memref_slice %arg6[%dma_wait3A_1304] : memref<500000xi32, #tpu.memory_space<hbm>> -> memref<128xi32, #tpu.memory_space<hbm>>
      %dma_wait3A_1306 = tpu.memref_slice %arg17[%dma_wait3A_1300] : memref<6x!tpu.dma_semaphore, #tpu.memory_space<semaphore_mem>> -> memref<1x!tpu.dma_semaphore, #tpu.memory_space<semaphore_mem>>
      %dma_wait3A_1307 = tpu.memref_squeeze %dma_wait3A_1306 : memref<1x!tpu.dma_semaphore, #tpu.memory_space<semaphore_mem>> -> memref<!tpu.dma_semaphore, #tpu.memory_space<semaphore_mem>>
      %dma_wait3A_1308 = arith.constant 0 : i32
      %dma_wait3A_1309 = tpu.memref_slice %arg6[%dma_wait3A_1308] : memref<500000xi32, #tpu.memory_space<hbm>> -> memref<128xi32, #tpu.memory_space<hbm>>
      %dma_wait3A_1310 = arith.constant 0 : i32
      %dma_wait3A_1311 = tpu.memref_slice %arg10[%dma_wait3A_1299, %dma_wait3A_1310] : memref<6x128xi32, #tpu.memory_space<vmem>> -> memref<1x128xi32, #tpu.memory_space<vmem>>
      %dma_wait3A_1312 = tpu.memref_squeeze %dma_wait3A_1311 : memref<1x128xi32, #tpu.memory_space<vmem>> -> memref<128xi32, #tpu.memory_space<vmem>>
      tpu.wait_dma2 semaphore(%dma_wait3A_1307 : memref<!tpu.dma_semaphore, #tpu.memory_space<semaphore_mem>>) src(%dma_wait3A_1312 : memref<128xi32, #tpu.memory_space<vmem>>) dst(%dma_wait3A_1309 : memref<128xi32, #tpu.memory_space<hbm>>)
      %mul3A_1313 = arith.constant 128 : i32
      %mul3A_1314 = arith.muli %add3A_1280, %mul3A_1313 : i32
      %dma_start3A_1315 = arith.constant 3 : i32
      %dma_start3A_1316 = arith.constant 3 : i32
      %dma_start3A_1317 = arith.constant 0 : i32
      %dma_start3A_1318 = arith.constant 0 : i32
      %dma_start3A_1319 = tpu.memref_slice %arg9[%dma_start3A_1315, %dma_start3A_1317, %dma_start3A_1318] : memref<6x128x128xf32, #tpu.memory_space<vmem>> -> memref<1x128x128xf32, #tpu.memory_space<vmem>>
      %dma_start3A_1320 = tpu.memref_squeeze %dma_start3A_1319 : memref<1x128x128xf32, #tpu.memory_space<vmem>> -> memref<128x128xf32, #tpu.memory_space<vmem>>
      %dma_start3A_1321 = tpu.memref_slice %arg8[%mul3A_1314] : memref<15616xi32, #tpu.memory_space<vmem>> -> memref<128xi32, #tpu.memory_space<vmem>>
      %dma_start3A_1322 = arith.constant 0 : i32
      %dma_start3A_1323 = arith.constant 0 : i32
      %dma_start3A_1324 = tpu.memref_slice %arg2[%dma_start3A_1322, %dma_start3A_1323] : memref<100000x128xf32, #tpu.memory_space<hbm>> -> memref<100000x128xf32, #tpu.memory_space<hbm>>
      %dma_start3A_1325 = tpu.memref_slice %arg14[%dma_start3A_1316] : memref<6x!tpu.dma_semaphore, #tpu.memory_space<semaphore_mem>> -> memref<1x!tpu.dma_semaphore, #tpu.memory_space<semaphore_mem>>
      %dma_start3A_1326 = tpu.memref_squeeze %dma_start3A_1325 : memref<1x!tpu.dma_semaphore, #tpu.memory_space<semaphore_mem>> -> memref<!tpu.dma_semaphore, #tpu.memory_space<semaphore_mem>>
      tpu.enqueue_indirect_dma source(%dma_start3A_1324 : memref<100000x128xf32, #tpu.memory_space<hbm>>) target(%dma_start3A_1320 : memref<128x128xf32, #tpu.memory_space<vmem>>) offsets(%dma_start3A_1321 : memref<128xi32, #tpu.memory_space<vmem>>) semaphore(%dma_start3A_1326 : memref<!tpu.dma_semaphore, #tpu.memory_space<semaphore_mem>>)
      %mul3A_1327 = arith.constant 128 : i32
      %mul3A_1328 = arith.muli %add3A_1280, %mul3A_1327 : i32
      %dma_start3A_1329 = arith.constant 3 : i32
      %dma_start3A_1330 = arith.constant 3 : i32
      %dma_start3A_1331 = arith.constant 0 : i32
      %dma_start3A_1332 = tpu.memref_slice %arg10[%dma_start3A_1329, %dma_start3A_1331] : memref<6x128xi32, #tpu.memory_space<vmem>> -> memref<1x128xi32, #tpu.memory_space<vmem>>
      %dma_start3A_1333 = tpu.memref_squeeze %dma_start3A_1332 : memref<1x128xi32, #tpu.memory_space<vmem>> -> memref<128xi32, #tpu.memory_space<vmem>>
      %dma_start3A_1334 = tpu.memref_slice %arg8[%mul3A_1328] : memref<15616xi32, #tpu.memory_space<vmem>> -> memref<128xi32, #tpu.memory_space<vmem>>
      %dma_start3A_1335 = arith.constant 0 : i32
      %dma_start3A_1336 = tpu.memref_slice %arg7[%dma_start3A_1335] : memref<100000xi32, #tpu.memory_space<vmem_shared>> -> memref<100000xi32, #tpu.memory_space<vmem_shared>>
      %dma_start3A_1337 = tpu.memref_slice %arg15[%dma_start3A_1330] : memref<6x!tpu.dma_semaphore, #tpu.memory_space<semaphore_mem>> -> memref<1x!tpu.dma_semaphore, #tpu.memory_space<semaphore_mem>>
      %dma_start3A_1338 = tpu.memref_squeeze %dma_start3A_1337 : memref<1x!tpu.dma_semaphore, #tpu.memory_space<semaphore_mem>> -> memref<!tpu.dma_semaphore, #tpu.memory_space<semaphore_mem>>
      tpu.enqueue_indirect_dma source(%dma_start3A_1336 : memref<100000xi32, #tpu.memory_space<vmem_shared>>) target(%dma_start3A_1333 : memref<128xi32, #tpu.memory_space<vmem>>) offsets(%dma_start3A_1334 : memref<128xi32, #tpu.memory_space<vmem>>) semaphore(%dma_start3A_1338 : memref<!tpu.dma_semaphore, #tpu.memory_space<semaphore_mem>>)
      %sub3A_1339 = arith.constant 3 : i32
      %sub3A_1340 = arith.subi %add3A_1280, %sub3A_1339 : i32
      %add3A_1341 = arith.addi %mul3A_2, %sub3A_1340 : i32
      %mul3A_1342 = arith.constant 128 : i32
      %mul3A_1343 = arith.muli %add3A_1341, %mul3A_1342 : i32
      %mul3A_1344 = arith.constant 128 : i32
      %mul3A_1345 = arith.muli %sub3A_1340, %mul3A_1344 : i32
      %dma_wait3A_1346 = arith.constant 0 : i32
      %dma_wait3A_1347 = arith.constant 0 : i32
      %dma_wait3A_1348 = arith.constant 0 : i32
      %dma_wait3A_1349 = arith.constant 0 : i32
      %dma_wait3A_1350 = tpu.memref_slice %arg9[%dma_wait3A_1346, %dma_wait3A_1348, %dma_wait3A_1349] : memref<6x128x128xf32, #tpu.memory_space<vmem>> -> memref<1x128x128xf32, #tpu.memory_space<vmem>>
      %dma_wait3A_1351 = tpu.memref_squeeze %dma_wait3A_1350 : memref<1x128x128xf32, #tpu.memory_space<vmem>> -> memref<128x128xf32, #tpu.memory_space<vmem>>
      %dma_wait3A_1352 = tpu.memref_slice %arg8[%mul3A_1345] : memref<15616xi32, #tpu.memory_space<vmem>> -> memref<128xi32, #tpu.memory_space<vmem>>
      %dma_wait3A_1353 = arith.constant 0 : i32
      %dma_wait3A_1354 = arith.constant 0 : i32
      %dma_wait3A_1355 = tpu.memref_slice %arg2[%dma_wait3A_1353, %dma_wait3A_1354] : memref<100000x128xf32, #tpu.memory_space<hbm>> -> memref<100000x128xf32, #tpu.memory_space<hbm>>
      %dma_wait3A_1356 = tpu.memref_slice %arg14[%dma_wait3A_1347] : memref<6x!tpu.dma_semaphore, #tpu.memory_space<semaphore_mem>> -> memref<1x!tpu.dma_semaphore, #tpu.memory_space<semaphore_mem>>
      %dma_wait3A_1357 = tpu.memref_squeeze %dma_wait3A_1356 : memref<1x!tpu.dma_semaphore, #tpu.memory_space<semaphore_mem>> -> memref<!tpu.dma_semaphore, #tpu.memory_space<semaphore_mem>>
      tpu.wait_indirect_dma semaphore(%dma_wait3A_1357 : memref<!tpu.dma_semaphore, #tpu.memory_space<semaphore_mem>>) src(%dma_wait3A_1355 : memref<100000x128xf32, #tpu.memory_space<hbm>>) dst(%dma_wait3A_1351 : memref<128x128xf32, #tpu.memory_space<vmem>>)
      %dma_wait3A_1358 = arith.constant 0 : i32
      %dma_wait3A_1359 = arith.constant 0 : i32
      %dma_wait3A_1360 = arith.constant 0 : i32
      %dma_wait3A_1361 = tpu.memref_slice %arg10[%dma_wait3A_1358, %dma_wait3A_1360] : memref<6x128xi32, #tpu.memory_space<vmem>> -> memref<1x128xi32, #tpu.memory_space<vmem>>
      %dma_wait3A_1362 = tpu.memref_squeeze %dma_wait3A_1361 : memref<1x128xi32, #tpu.memory_space<vmem>> -> memref<128xi32, #tpu.memory_space<vmem>>
      %dma_wait3A_1363 = tpu.memref_slice %arg8[%mul3A_1345] : memref<15616xi32, #tpu.memory_space<vmem>> -> memref<128xi32, #tpu.memory_space<vmem>>
      %dma_wait3A_1364 = arith.constant 0 : i32
      %dma_wait3A_1365 = tpu.memref_slice %arg7[%dma_wait3A_1364] : memref<100000xi32, #tpu.memory_space<vmem_shared>> -> memref<100000xi32, #tpu.memory_space<vmem_shared>>
      %dma_wait3A_1366 = tpu.memref_slice %arg15[%dma_wait3A_1359] : memref<6x!tpu.dma_semaphore, #tpu.memory_space<semaphore_mem>> -> memref<1x!tpu.dma_semaphore, #tpu.memory_space<semaphore_mem>>
      %dma_wait3A_1367 = tpu.memref_squeeze %dma_wait3A_1366 : memref<1x!tpu.dma_semaphore, #tpu.memory_space<semaphore_mem>> -> memref<!tpu.dma_semaphore, #tpu.memory_space<semaphore_mem>>
      tpu.wait_indirect_dma semaphore(%dma_wait3A_1367 : memref<!tpu.dma_semaphore, #tpu.memory_space<semaphore_mem>>) src(%dma_wait3A_1365 : memref<100000xi32, #tpu.memory_space<vmem_shared>>) dst(%dma_wait3A_1362 : memref<128xi32, #tpu.memory_space<vmem>>)
      %dma_start3A_1368 = arith.constant 0 : i32
      %dma_start3A_1369 = arith.constant 0 : i32
      %dma_start3A_1370 = arith.constant 0 : i32
      %dma_start3A_1371 = arith.constant 0 : i32
      %dma_start3A_1372 = tpu.memref_slice %arg9[%dma_start3A_1368, %dma_start3A_1370, %dma_start3A_1371] : memref<6x128x128xf32, #tpu.memory_space<vmem>> -> memref<1x128x128xf32, #tpu.memory_space<vmem>>
      %dma_start3A_1373 = tpu.memref_squeeze %dma_start3A_1372 : memref<1x128x128xf32, #tpu.memory_space<vmem>> -> memref<128x128xf32, #tpu.memory_space<vmem>>
      %dma_start3A_1374 = arith.constant 0 : i32
      %dma_start3A_1375 = tpu.memref_slice %arg5[%mul3A_1343, %dma_start3A_1374] : memref<500000x128xf32, #tpu.memory_space<hbm>> -> memref<128x128xf32, #tpu.memory_space<hbm>>
      %dma_start3A_1376 = tpu.memref_slice %arg16[%dma_start3A_1369] : memref<6x!tpu.dma_semaphore, #tpu.memory_space<semaphore_mem>> -> memref<1x!tpu.dma_semaphore, #tpu.memory_space<semaphore_mem>>
      %dma_start3A_1377 = tpu.memref_squeeze %dma_start3A_1376 : memref<1x!tpu.dma_semaphore, #tpu.memory_space<semaphore_mem>> -> memref<!tpu.dma_semaphore, #tpu.memory_space<semaphore_mem>>
      %dma_start3A_1378 = arith.constant 0 : i32
      %dma_start3A_1379 = tpu.memref_slice %arg5[%mul3A_1343, %dma_start3A_1378] : memref<500000x128xf32, #tpu.memory_space<hbm>> -> memref<128x128xf32, #tpu.memory_space<hbm>>
      %dma_start3A_1380 = arith.constant 0 : i32
      %dma_start3A_1381 = arith.constant 0 : i32
      %dma_start3A_1382 = tpu.memref_slice %arg9[%dma_start3A_1368, %dma_start3A_1380, %dma_start3A_1381] : memref<6x128x128xf32, #tpu.memory_space<vmem>> -> memref<1x128x128xf32, #tpu.memory_space<vmem>>
      %dma_start3A_1383 = tpu.memref_squeeze %dma_start3A_1382 : memref<1x128x128xf32, #tpu.memory_space<vmem>> -> memref<128x128xf32, #tpu.memory_space<vmem>>
      tpu.enqueue_dma source(%dma_start3A_1383 : memref<128x128xf32, #tpu.memory_space<vmem>>) target(%dma_start3A_1379 : memref<128x128xf32, #tpu.memory_space<hbm>>) target_semaphore(%dma_start3A_1377 : memref<!tpu.dma_semaphore, #tpu.memory_space<semaphore_mem>>)
      %dma_start3A_1384 = arith.constant 0 : i32
      %dma_start3A_1385 = arith.constant 0 : i32
      %dma_start3A_1386 = arith.constant 0 : i32
      %dma_start3A_1387 = tpu.memref_slice %arg10[%dma_start3A_1384, %dma_start3A_1386] : memref<6x128xi32, #tpu.memory_space<vmem>> -> memref<1x128xi32, #tpu.memory_space<vmem>>
      %dma_start3A_1388 = tpu.memref_squeeze %dma_start3A_1387 : memref<1x128xi32, #tpu.memory_space<vmem>> -> memref<128xi32, #tpu.memory_space<vmem>>
      %dma_start3A_1389 = tpu.memref_slice %arg6[%mul3A_1343] : memref<500000xi32, #tpu.memory_space<hbm>> -> memref<128xi32, #tpu.memory_space<hbm>>
      %dma_start3A_1390 = tpu.memref_slice %arg17[%dma_start3A_1385] : memref<6x!tpu.dma_semaphore, #tpu.memory_space<semaphore_mem>> -> memref<1x!tpu.dma_semaphore, #tpu.memory_space<semaphore_mem>>
      %dma_start3A_1391 = tpu.memref_squeeze %dma_start3A_1390 : memref<1x!tpu.dma_semaphore, #tpu.memory_space<semaphore_mem>> -> memref<!tpu.dma_semaphore, #tpu.memory_space<semaphore_mem>>
      %dma_start3A_1392 = tpu.memref_slice %arg6[%mul3A_1343] : memref<500000xi32, #tpu.memory_space<hbm>> -> memref<128xi32, #tpu.memory_space<hbm>>
      %dma_start3A_1393 = arith.constant 0 : i32
      %dma_start3A_1394 = tpu.memref_slice %arg10[%dma_start3A_1384, %dma_start3A_1393] : memref<6x128xi32, #tpu.memory_space<vmem>> -> memref<1x128xi32, #tpu.memory_space<vmem>>
      %dma_start3A_1395 = tpu.memref_squeeze %dma_start3A_1394 : memref<1x128xi32, #tpu.memory_space<vmem>> -> memref<128xi32, #tpu.memory_space<vmem>>
      tpu.enqueue_dma source(%dma_start3A_1395 : memref<128xi32, #tpu.memory_space<vmem>>) target(%dma_start3A_1392 : memref<128xi32, #tpu.memory_space<hbm>>) target_semaphore(%dma_start3A_1391 : memref<!tpu.dma_semaphore, #tpu.memory_space<semaphore_mem>>)
      %mul3A_1396 = arith.constant 6 : i32
      %mul3A_1397 = arith.muli %scan3A_920, %mul3A_1396 : i32
      %add3A_1398 = arith.constant 4 : i32
      %add3A_1399 = arith.addi %mul3A_1397, %add3A_1398 : i32
      %dma_wait3A_1400 = arith.constant 4 : i32
      %dma_wait3A_1401 = arith.constant 4 : i32
      %dma_wait3A_1402 = arith.constant 0 : i32
      %dma_wait3A_1403 = arith.constant 0 : i32
      %dma_wait3A_1404 = tpu.memref_slice %arg9[%dma_wait3A_1400, %dma_wait3A_1402, %dma_wait3A_1403] : memref<6x128x128xf32, #tpu.memory_space<vmem>> -> memref<1x128x128xf32, #tpu.memory_space<vmem>>
      %dma_wait3A_1405 = tpu.memref_squeeze %dma_wait3A_1404 : memref<1x128x128xf32, #tpu.memory_space<vmem>> -> memref<128x128xf32, #tpu.memory_space<vmem>>
      %dma_wait3A_1406 = arith.constant 0 : i32
      %dma_wait3A_1407 = arith.constant 0 : i32
      %dma_wait3A_1408 = tpu.memref_slice %arg5[%dma_wait3A_1406, %dma_wait3A_1407] : memref<500000x128xf32, #tpu.memory_space<hbm>> -> memref<128x128xf32, #tpu.memory_space<hbm>>
      %dma_wait3A_1409 = tpu.memref_slice %arg16[%dma_wait3A_1401] : memref<6x!tpu.dma_semaphore, #tpu.memory_space<semaphore_mem>> -> memref<1x!tpu.dma_semaphore, #tpu.memory_space<semaphore_mem>>
      %dma_wait3A_1410 = tpu.memref_squeeze %dma_wait3A_1409 : memref<1x!tpu.dma_semaphore, #tpu.memory_space<semaphore_mem>> -> memref<!tpu.dma_semaphore, #tpu.memory_space<semaphore_mem>>
      %dma_wait3A_1411 = arith.constant 0 : i32
      %dma_wait3A_1412 = arith.constant 0 : i32
      %dma_wait3A_1413 = tpu.memref_slice %arg5[%dma_wait3A_1411, %dma_wait3A_1412] : memref<500000x128xf32, #tpu.memory_space<hbm>> -> memref<128x128xf32, #tpu.memory_space<hbm>>
      %dma_wait3A_1414 = arith.constant 0 : i32
      %dma_wait3A_1415 = arith.constant 0 : i32
      %dma_wait3A_1416 = tpu.memref_slice %arg9[%dma_wait3A_1400, %dma_wait3A_1414, %dma_wait3A_1415] : memref<6x128x128xf32, #tpu.memory_space<vmem>> -> memref<1x128x128xf32, #tpu.memory_space<vmem>>
      %dma_wait3A_1417 = tpu.memref_squeeze %dma_wait3A_1416 : memref<1x128x128xf32, #tpu.memory_space<vmem>> -> memref<128x128xf32, #tpu.memory_space<vmem>>
      tpu.wait_dma2 semaphore(%dma_wait3A_1410 : memref<!tpu.dma_semaphore, #tpu.memory_space<semaphore_mem>>) src(%dma_wait3A_1417 : memref<128x128xf32, #tpu.memory_space<vmem>>) dst(%dma_wait3A_1413 : memref<128x128xf32, #tpu.memory_space<hbm>>)
      %dma_wait3A_1418 = arith.constant 4 : i32
      %dma_wait3A_1419 = arith.constant 4 : i32
      %dma_wait3A_1420 = arith.constant 0 : i32
      %dma_wait3A_1421 = tpu.memref_slice %arg10[%dma_wait3A_1418, %dma_wait3A_1420] : memref<6x128xi32, #tpu.memory_space<vmem>> -> memref<1x128xi32, #tpu.memory_space<vmem>>
      %dma_wait3A_1422 = tpu.memref_squeeze %dma_wait3A_1421 : memref<1x128xi32, #tpu.memory_space<vmem>> -> memref<128xi32, #tpu.memory_space<vmem>>
      %dma_wait3A_1423 = arith.constant 0 : i32
      %dma_wait3A_1424 = tpu.memref_slice %arg6[%dma_wait3A_1423] : memref<500000xi32, #tpu.memory_space<hbm>> -> memref<128xi32, #tpu.memory_space<hbm>>
      %dma_wait3A_1425 = tpu.memref_slice %arg17[%dma_wait3A_1419] : memref<6x!tpu.dma_semaphore, #tpu.memory_space<semaphore_mem>> -> memref<1x!tpu.dma_semaphore, #tpu.memory_space<semaphore_mem>>
      %dma_wait3A_1426 = tpu.memref_squeeze %dma_wait3A_1425 : memref<1x!tpu.dma_semaphore, #tpu.memory_space<semaphore_mem>> -> memref<!tpu.dma_semaphore, #tpu.memory_space<semaphore_mem>>
      %dma_wait3A_1427 = arith.constant 0 : i32
      %dma_wait3A_1428 = tpu.memref_slice %arg6[%dma_wait3A_1427] : memref<500000xi32, #tpu.memory_space<hbm>> -> memref<128xi32, #tpu.memory_space<hbm>>
      %dma_wait3A_1429 = arith.constant 0 : i32
      %dma_wait3A_1430 = tpu.memref_slice %arg10[%dma_wait3A_1418, %dma_wait3A_1429] : memref<6x128xi32, #tpu.memory_space<vmem>> -> memref<1x128xi32, #tpu.memory_space<vmem>>
      %dma_wait3A_1431 = tpu.memref_squeeze %dma_wait3A_1430 : memref<1x128xi32, #tpu.memory_space<vmem>> -> memref<128xi32, #tpu.memory_space<vmem>>
      tpu.wait_dma2 semaphore(%dma_wait3A_1426 : memref<!tpu.dma_semaphore, #tpu.memory_space<semaphore_mem>>) src(%dma_wait3A_1431 : memref<128xi32, #tpu.memory_space<vmem>>) dst(%dma_wait3A_1428 : memref<128xi32, #tpu.memory_space<hbm>>)
      %mul3A_1432 = arith.constant 128 : i32
      %mul3A_1433 = arith.muli %add3A_1399, %mul3A_1432 : i32
      %dma_start3A_1434 = arith.constant 4 : i32
      %dma_start3A_1435 = arith.constant 4 : i32
      %dma_start3A_1436 = arith.constant 0 : i32
      %dma_start3A_1437 = arith.constant 0 : i32
      %dma_start3A_1438 = tpu.memref_slice %arg9[%dma_start3A_1434, %dma_start3A_1436, %dma_start3A_1437] : memref<6x128x128xf32, #tpu.memory_space<vmem>> -> memref<1x128x128xf32, #tpu.memory_space<vmem>>
      %dma_start3A_1439 = tpu.memref_squeeze %dma_start3A_1438 : memref<1x128x128xf32, #tpu.memory_space<vmem>> -> memref<128x128xf32, #tpu.memory_space<vmem>>
      %dma_start3A_1440 = tpu.memref_slice %arg8[%mul3A_1433] : memref<15616xi32, #tpu.memory_space<vmem>> -> memref<128xi32, #tpu.memory_space<vmem>>
      %dma_start3A_1441 = arith.constant 0 : i32
      %dma_start3A_1442 = arith.constant 0 : i32
      %dma_start3A_1443 = tpu.memref_slice %arg2[%dma_start3A_1441, %dma_start3A_1442] : memref<100000x128xf32, #tpu.memory_space<hbm>> -> memref<100000x128xf32, #tpu.memory_space<hbm>>
      %dma_start3A_1444 = tpu.memref_slice %arg14[%dma_start3A_1435] : memref<6x!tpu.dma_semaphore, #tpu.memory_space<semaphore_mem>> -> memref<1x!tpu.dma_semaphore, #tpu.memory_space<semaphore_mem>>
      %dma_start3A_1445 = tpu.memref_squeeze %dma_start3A_1444 : memref<1x!tpu.dma_semaphore, #tpu.memory_space<semaphore_mem>> -> memref<!tpu.dma_semaphore, #tpu.memory_space<semaphore_mem>>
      tpu.enqueue_indirect_dma source(%dma_start3A_1443 : memref<100000x128xf32, #tpu.memory_space<hbm>>) target(%dma_start3A_1439 : memref<128x128xf32, #tpu.memory_space<vmem>>) offsets(%dma_start3A_1440 : memref<128xi32, #tpu.memory_space<vmem>>) semaphore(%dma_start3A_1445 : memref<!tpu.dma_semaphore, #tpu.memory_space<semaphore_mem>>)
      %mul3A_1446 = arith.constant 128 : i32
      %mul3A_1447 = arith.muli %add3A_1399, %mul3A_1446 : i32
      %dma_start3A_1448 = arith.constant 4 : i32
      %dma_start3A_1449 = arith.constant 4 : i32
      %dma_start3A_1450 = arith.constant 0 : i32
      %dma_start3A_1451 = tpu.memref_slice %arg10[%dma_start3A_1448, %dma_start3A_1450] : memref<6x128xi32, #tpu.memory_space<vmem>> -> memref<1x128xi32, #tpu.memory_space<vmem>>
      %dma_start3A_1452 = tpu.memref_squeeze %dma_start3A_1451 : memref<1x128xi32, #tpu.memory_space<vmem>> -> memref<128xi32, #tpu.memory_space<vmem>>
      %dma_start3A_1453 = tpu.memref_slice %arg8[%mul3A_1447] : memref<15616xi32, #tpu.memory_space<vmem>> -> memref<128xi32, #tpu.memory_space<vmem>>
      %dma_start3A_1454 = arith.constant 0 : i32
      %dma_start3A_1455 = tpu.memref_slice %arg7[%dma_start3A_1454] : memref<100000xi32, #tpu.memory_space<vmem_shared>> -> memref<100000xi32, #tpu.memory_space<vmem_shared>>
      %dma_start3A_1456 = tpu.memref_slice %arg15[%dma_start3A_1449] : memref<6x!tpu.dma_semaphore, #tpu.memory_space<semaphore_mem>> -> memref<1x!tpu.dma_semaphore, #tpu.memory_space<semaphore_mem>>
      %dma_start3A_1457 = tpu.memref_squeeze %dma_start3A_1456 : memref<1x!tpu.dma_semaphore, #tpu.memory_space<semaphore_mem>> -> memref<!tpu.dma_semaphore, #tpu.memory_space<semaphore_mem>>
      tpu.enqueue_indirect_dma source(%dma_start3A_1455 : memref<100000xi32, #tpu.memory_space<vmem_shared>>) target(%dma_start3A_1452 : memref<128xi32, #tpu.memory_space<vmem>>) offsets(%dma_start3A_1453 : memref<128xi32, #tpu.memory_space<vmem>>) semaphore(%dma_start3A_1457 : memref<!tpu.dma_semaphore, #tpu.memory_space<semaphore_mem>>)
      %sub3A_1458 = arith.constant 3 : i32
      %sub3A_1459 = arith.subi %add3A_1399, %sub3A_1458 : i32
      %add3A_1460 = arith.addi %mul3A_2, %sub3A_1459 : i32
      %mul3A_1461 = arith.constant 128 : i32
      %mul3A_1462 = arith.muli %add3A_1460, %mul3A_1461 : i32
      %mul3A_1463 = arith.constant 128 : i32
      %mul3A_1464 = arith.muli %sub3A_1459, %mul3A_1463 : i32
      %dma_wait3A_1465 = arith.constant 1 : i32
      %dma_wait3A_1466 = arith.constant 1 : i32
      %dma_wait3A_1467 = arith.constant 0 : i32
      %dma_wait3A_1468 = arith.constant 0 : i32
      %dma_wait3A_1469 = tpu.memref_slice %arg9[%dma_wait3A_1465, %dma_wait3A_1467, %dma_wait3A_1468] : memref<6x128x128xf32, #tpu.memory_space<vmem>> -> memref<1x128x128xf32, #tpu.memory_space<vmem>>
      %dma_wait3A_1470 = tpu.memref_squeeze %dma_wait3A_1469 : memref<1x128x128xf32, #tpu.memory_space<vmem>> -> memref<128x128xf32, #tpu.memory_space<vmem>>
      %dma_wait3A_1471 = tpu.memref_slice %arg8[%mul3A_1464] : memref<15616xi32, #tpu.memory_space<vmem>> -> memref<128xi32, #tpu.memory_space<vmem>>
      %dma_wait3A_1472 = arith.constant 0 : i32
      %dma_wait3A_1473 = arith.constant 0 : i32
      %dma_wait3A_1474 = tpu.memref_slice %arg2[%dma_wait3A_1472, %dma_wait3A_1473] : memref<100000x128xf32, #tpu.memory_space<hbm>> -> memref<100000x128xf32, #tpu.memory_space<hbm>>
      %dma_wait3A_1475 = tpu.memref_slice %arg14[%dma_wait3A_1466] : memref<6x!tpu.dma_semaphore, #tpu.memory_space<semaphore_mem>> -> memref<1x!tpu.dma_semaphore, #tpu.memory_space<semaphore_mem>>
      %dma_wait3A_1476 = tpu.memref_squeeze %dma_wait3A_1475 : memref<1x!tpu.dma_semaphore, #tpu.memory_space<semaphore_mem>> -> memref<!tpu.dma_semaphore, #tpu.memory_space<semaphore_mem>>
      tpu.wait_indirect_dma semaphore(%dma_wait3A_1476 : memref<!tpu.dma_semaphore, #tpu.memory_space<semaphore_mem>>) src(%dma_wait3A_1474 : memref<100000x128xf32, #tpu.memory_space<hbm>>) dst(%dma_wait3A_1470 : memref<128x128xf32, #tpu.memory_space<vmem>>)
      %dma_wait3A_1477 = arith.constant 1 : i32
      %dma_wait3A_1478 = arith.constant 1 : i32
      %dma_wait3A_1479 = arith.constant 0 : i32
      %dma_wait3A_1480 = tpu.memref_slice %arg10[%dma_wait3A_1477, %dma_wait3A_1479] : memref<6x128xi32, #tpu.memory_space<vmem>> -> memref<1x128xi32, #tpu.memory_space<vmem>>
      %dma_wait3A_1481 = tpu.memref_squeeze %dma_wait3A_1480 : memref<1x128xi32, #tpu.memory_space<vmem>> -> memref<128xi32, #tpu.memory_space<vmem>>
      %dma_wait3A_1482 = tpu.memref_slice %arg8[%mul3A_1464] : memref<15616xi32, #tpu.memory_space<vmem>> -> memref<128xi32, #tpu.memory_space<vmem>>
      %dma_wait3A_1483 = arith.constant 0 : i32
      %dma_wait3A_1484 = tpu.memref_slice %arg7[%dma_wait3A_1483] : memref<100000xi32, #tpu.memory_space<vmem_shared>> -> memref<100000xi32, #tpu.memory_space<vmem_shared>>
      %dma_wait3A_1485 = tpu.memref_slice %arg15[%dma_wait3A_1478] : memref<6x!tpu.dma_semaphore, #tpu.memory_space<semaphore_mem>> -> memref<1x!tpu.dma_semaphore, #tpu.memory_space<semaphore_mem>>
      %dma_wait3A_1486 = tpu.memref_squeeze %dma_wait3A_1485 : memref<1x!tpu.dma_semaphore, #tpu.memory_space<semaphore_mem>> -> memref<!tpu.dma_semaphore, #tpu.memory_space<semaphore_mem>>
      tpu.wait_indirect_dma semaphore(%dma_wait3A_1486 : memref<!tpu.dma_semaphore, #tpu.memory_space<semaphore_mem>>) src(%dma_wait3A_1484 : memref<100000xi32, #tpu.memory_space<vmem_shared>>) dst(%dma_wait3A_1481 : memref<128xi32, #tpu.memory_space<vmem>>)
      %dma_start3A_1487 = arith.constant 1 : i32
      %dma_start3A_1488 = arith.constant 1 : i32
      %dma_start3A_1489 = arith.constant 0 : i32
      %dma_start3A_1490 = arith.constant 0 : i32
      %dma_start3A_1491 = tpu.memref_slice %arg9[%dma_start3A_1487, %dma_start3A_1489, %dma_start3A_1490] : memref<6x128x128xf32, #tpu.memory_space<vmem>> -> memref<1x128x128xf32, #tpu.memory_space<vmem>>
      %dma_start3A_1492 = tpu.memref_squeeze %dma_start3A_1491 : memref<1x128x128xf32, #tpu.memory_space<vmem>> -> memref<128x128xf32, #tpu.memory_space<vmem>>
      %dma_start3A_1493 = arith.constant 0 : i32
      %dma_start3A_1494 = tpu.memref_slice %arg5[%mul3A_1462, %dma_start3A_1493] : memref<500000x128xf32, #tpu.memory_space<hbm>> -> memref<128x128xf32, #tpu.memory_space<hbm>>
      %dma_start3A_1495 = tpu.memref_slice %arg16[%dma_start3A_1488] : memref<6x!tpu.dma_semaphore, #tpu.memory_space<semaphore_mem>> -> memref<1x!tpu.dma_semaphore, #tpu.memory_space<semaphore_mem>>
      %dma_start3A_1496 = tpu.memref_squeeze %dma_start3A_1495 : memref<1x!tpu.dma_semaphore, #tpu.memory_space<semaphore_mem>> -> memref<!tpu.dma_semaphore, #tpu.memory_space<semaphore_mem>>
      %dma_start3A_1497 = arith.constant 0 : i32
      %dma_start3A_1498 = tpu.memref_slice %arg5[%mul3A_1462, %dma_start3A_1497] : memref<500000x128xf32, #tpu.memory_space<hbm>> -> memref<128x128xf32, #tpu.memory_space<hbm>>
      %dma_start3A_1499 = arith.constant 0 : i32
      %dma_start3A_1500 = arith.constant 0 : i32
      %dma_start3A_1501 = tpu.memref_slice %arg9[%dma_start3A_1487, %dma_start3A_1499, %dma_start3A_1500] : memref<6x128x128xf32, #tpu.memory_space<vmem>> -> memref<1x128x128xf32, #tpu.memory_space<vmem>>
      %dma_start3A_1502 = tpu.memref_squeeze %dma_start3A_1501 : memref<1x128x128xf32, #tpu.memory_space<vmem>> -> memref<128x128xf32, #tpu.memory_space<vmem>>
      tpu.enqueue_dma source(%dma_start3A_1502 : memref<128x128xf32, #tpu.memory_space<vmem>>) target(%dma_start3A_1498 : memref<128x128xf32, #tpu.memory_space<hbm>>) target_semaphore(%dma_start3A_1496 : memref<!tpu.dma_semaphore, #tpu.memory_space<semaphore_mem>>)
      %dma_start3A_1503 = arith.constant 1 : i32
      %dma_start3A_1504 = arith.constant 1 : i32
      %dma_start3A_1505 = arith.constant 0 : i32
      %dma_start3A_1506 = tpu.memref_slice %arg10[%dma_start3A_1503, %dma_start3A_1505] : memref<6x128xi32, #tpu.memory_space<vmem>> -> memref<1x128xi32, #tpu.memory_space<vmem>>
      %dma_start3A_1507 = tpu.memref_squeeze %dma_start3A_1506 : memref<1x128xi32, #tpu.memory_space<vmem>> -> memref<128xi32, #tpu.memory_space<vmem>>
      %dma_start3A_1508 = tpu.memref_slice %arg6[%mul3A_1462] : memref<500000xi32, #tpu.memory_space<hbm>> -> memref<128xi32, #tpu.memory_space<hbm>>
      %dma_start3A_1509 = tpu.memref_slice %arg17[%dma_start3A_1504] : memref<6x!tpu.dma_semaphore, #tpu.memory_space<semaphore_mem>> -> memref<1x!tpu.dma_semaphore, #tpu.memory_space<semaphore_mem>>
      %dma_start3A_1510 = tpu.memref_squeeze %dma_start3A_1509 : memref<1x!tpu.dma_semaphore, #tpu.memory_space<semaphore_mem>> -> memref<!tpu.dma_semaphore, #tpu.memory_space<semaphore_mem>>
      %dma_start3A_1511 = tpu.memref_slice %arg6[%mul3A_1462] : memref<500000xi32, #tpu.memory_space<hbm>> -> memref<128xi32, #tpu.memory_space<hbm>>
      %dma_start3A_1512 = arith.constant 0 : i32
      %dma_start3A_1513 = tpu.memref_slice %arg10[%dma_start3A_1503, %dma_start3A_1512] : memref<6x128xi32, #tpu.memory_space<vmem>> -> memref<1x128xi32, #tpu.memory_space<vmem>>
      %dma_start3A_1514 = tpu.memref_squeeze %dma_start3A_1513 : memref<1x128xi32, #tpu.memory_space<vmem>> -> memref<128xi32, #tpu.memory_space<vmem>>
      tpu.enqueue_dma source(%dma_start3A_1514 : memref<128xi32, #tpu.memory_space<vmem>>) target(%dma_start3A_1511 : memref<128xi32, #tpu.memory_space<hbm>>) target_semaphore(%dma_start3A_1510 : memref<!tpu.dma_semaphore, #tpu.memory_space<semaphore_mem>>)
      %mul3A_1515 = arith.constant 6 : i32
      %mul3A_1516 = arith.muli %scan3A_920, %mul3A_1515 : i32
      %add3A_1517 = arith.constant 5 : i32
      %add3A_1518 = arith.addi %mul3A_1516, %add3A_1517 : i32
      %dma_wait3A_1519 = arith.constant 5 : i32
      %dma_wait3A_1520 = arith.constant 5 : i32
      %dma_wait3A_1521 = arith.constant 0 : i32
      %dma_wait3A_1522 = arith.constant 0 : i32
      %dma_wait3A_1523 = tpu.memref_slice %arg9[%dma_wait3A_1519, %dma_wait3A_1521, %dma_wait3A_1522] : memref<6x128x128xf32, #tpu.memory_space<vmem>> -> memref<1x128x128xf32, #tpu.memory_space<vmem>>
      %dma_wait3A_1524 = tpu.memref_squeeze %dma_wait3A_1523 : memref<1x128x128xf32, #tpu.memory_space<vmem>> -> memref<128x128xf32, #tpu.memory_space<vmem>>
      %dma_wait3A_1525 = arith.constant 0 : i32
      %dma_wait3A_1526 = arith.constant 0 : i32
      %dma_wait3A_1527 = tpu.memref_slice %arg5[%dma_wait3A_1525, %dma_wait3A_1526] : memref<500000x128xf32, #tpu.memory_space<hbm>> -> memref<128x128xf32, #tpu.memory_space<hbm>>
      %dma_wait3A_1528 = tpu.memref_slice %arg16[%dma_wait3A_1520] : memref<6x!tpu.dma_semaphore, #tpu.memory_space<semaphore_mem>> -> memref<1x!tpu.dma_semaphore, #tpu.memory_space<semaphore_mem>>
      %dma_wait3A_1529 = tpu.memref_squeeze %dma_wait3A_1528 : memref<1x!tpu.dma_semaphore, #tpu.memory_space<semaphore_mem>> -> memref<!tpu.dma_semaphore, #tpu.memory_space<semaphore_mem>>
      %dma_wait3A_1530 = arith.constant 0 : i32
      %dma_wait3A_1531 = arith.constant 0 : i32
      %dma_wait3A_1532 = tpu.memref_slice %arg5[%dma_wait3A_1530, %dma_wait3A_1531] : memref<500000x128xf32, #tpu.memory_space<hbm>> -> memref<128x128xf32, #tpu.memory_space<hbm>>
      %dma_wait3A_1533 = arith.constant 0 : i32
      %dma_wait3A_1534 = arith.constant 0 : i32
      %dma_wait3A_1535 = tpu.memref_slice %arg9[%dma_wait3A_1519, %dma_wait3A_1533, %dma_wait3A_1534] : memref<6x128x128xf32, #tpu.memory_space<vmem>> -> memref<1x128x128xf32, #tpu.memory_space<vmem>>
      %dma_wait3A_1536 = tpu.memref_squeeze %dma_wait3A_1535 : memref<1x128x128xf32, #tpu.memory_space<vmem>> -> memref<128x128xf32, #tpu.memory_space<vmem>>
      tpu.wait_dma2 semaphore(%dma_wait3A_1529 : memref<!tpu.dma_semaphore, #tpu.memory_space<semaphore_mem>>) src(%dma_wait3A_1536 : memref<128x128xf32, #tpu.memory_space<vmem>>) dst(%dma_wait3A_1532 : memref<128x128xf32, #tpu.memory_space<hbm>>)
      %dma_wait3A_1537 = arith.constant 5 : i32
      %dma_wait3A_1538 = arith.constant 5 : i32
      %dma_wait3A_1539 = arith.constant 0 : i32
      %dma_wait3A_1540 = tpu.memref_slice %arg10[%dma_wait3A_1537, %dma_wait3A_1539] : memref<6x128xi32, #tpu.memory_space<vmem>> -> memref<1x128xi32, #tpu.memory_space<vmem>>
      %dma_wait3A_1541 = tpu.memref_squeeze %dma_wait3A_1540 : memref<1x128xi32, #tpu.memory_space<vmem>> -> memref<128xi32, #tpu.memory_space<vmem>>
      %dma_wait3A_1542 = arith.constant 0 : i32
      %dma_wait3A_1543 = tpu.memref_slice %arg6[%dma_wait3A_1542] : memref<500000xi32, #tpu.memory_space<hbm>> -> memref<128xi32, #tpu.memory_space<hbm>>
      %dma_wait3A_1544 = tpu.memref_slice %arg17[%dma_wait3A_1538] : memref<6x!tpu.dma_semaphore, #tpu.memory_space<semaphore_mem>> -> memref<1x!tpu.dma_semaphore, #tpu.memory_space<semaphore_mem>>
      %dma_wait3A_1545 = tpu.memref_squeeze %dma_wait3A_1544 : memref<1x!tpu.dma_semaphore, #tpu.memory_space<semaphore_mem>> -> memref<!tpu.dma_semaphore, #tpu.memory_space<semaphore_mem>>
      %dma_wait3A_1546 = arith.constant 0 : i32
      %dma_wait3A_1547 = tpu.memref_slice %arg6[%dma_wait3A_1546] : memref<500000xi32, #tpu.memory_space<hbm>> -> memref<128xi32, #tpu.memory_space<hbm>>
      %dma_wait3A_1548 = arith.constant 0 : i32
      %dma_wait3A_1549 = tpu.memref_slice %arg10[%dma_wait3A_1537, %dma_wait3A_1548] : memref<6x128xi32, #tpu.memory_space<vmem>> -> memref<1x128xi32, #tpu.memory_space<vmem>>
      %dma_wait3A_1550 = tpu.memref_squeeze %dma_wait3A_1549 : memref<1x128xi32, #tpu.memory_space<vmem>> -> memref<128xi32, #tpu.memory_space<vmem>>
      tpu.wait_dma2 semaphore(%dma_wait3A_1545 : memref<!tpu.dma_semaphore, #tpu.memory_space<semaphore_mem>>) src(%dma_wait3A_1550 : memref<128xi32, #tpu.memory_space<vmem>>) dst(%dma_wait3A_1547 : memref<128xi32, #tpu.memory_space<hbm>>)
      %mul3A_1551 = arith.constant 128 : i32
      %mul3A_1552 = arith.muli %add3A_1518, %mul3A_1551 : i32
      %dma_start3A_1553 = arith.constant 5 : i32
      %dma_start3A_1554 = arith.constant 5 : i32
      %dma_start3A_1555 = arith.constant 0 : i32
      %dma_start3A_1556 = arith.constant 0 : i32
      %dma_start3A_1557 = tpu.memref_slice %arg9[%dma_start3A_1553, %dma_start3A_1555, %dma_start3A_1556] : memref<6x128x128xf32, #tpu.memory_space<vmem>> -> memref<1x128x128xf32, #tpu.memory_space<vmem>>
      %dma_start3A_1558 = tpu.memref_squeeze %dma_start3A_1557 : memref<1x128x128xf32, #tpu.memory_space<vmem>> -> memref<128x128xf32, #tpu.memory_space<vmem>>
      %dma_start3A_1559 = tpu.memref_slice %arg8[%mul3A_1552] : memref<15616xi32, #tpu.memory_space<vmem>> -> memref<128xi32, #tpu.memory_space<vmem>>
      %dma_start3A_1560 = arith.constant 0 : i32
      %dma_start3A_1561 = arith.constant 0 : i32
      %dma_start3A_1562 = tpu.memref_slice %arg2[%dma_start3A_1560, %dma_start3A_1561] : memref<100000x128xf32, #tpu.memory_space<hbm>> -> memref<100000x128xf32, #tpu.memory_space<hbm>>
      %dma_start3A_1563 = tpu.memref_slice %arg14[%dma_start3A_1554] : memref<6x!tpu.dma_semaphore, #tpu.memory_space<semaphore_mem>> -> memref<1x!tpu.dma_semaphore, #tpu.memory_space<semaphore_mem>>
      %dma_start3A_1564 = tpu.memref_squeeze %dma_start3A_1563 : memref<1x!tpu.dma_semaphore, #tpu.memory_space<semaphore_mem>> -> memref<!tpu.dma_semaphore, #tpu.memory_space<semaphore_mem>>
      tpu.enqueue_indirect_dma source(%dma_start3A_1562 : memref<100000x128xf32, #tpu.memory_space<hbm>>) target(%dma_start3A_1558 : memref<128x128xf32, #tpu.memory_space<vmem>>) offsets(%dma_start3A_1559 : memref<128xi32, #tpu.memory_space<vmem>>) semaphore(%dma_start3A_1564 : memref<!tpu.dma_semaphore, #tpu.memory_space<semaphore_mem>>)
      %mul3A_1565 = arith.constant 128 : i32
      %mul3A_1566 = arith.muli %add3A_1518, %mul3A_1565 : i32
      %dma_start3A_1567 = arith.constant 5 : i32
      %dma_start3A_1568 = arith.constant 5 : i32
      %dma_start3A_1569 = arith.constant 0 : i32
      %dma_start3A_1570 = tpu.memref_slice %arg10[%dma_start3A_1567, %dma_start3A_1569] : memref<6x128xi32, #tpu.memory_space<vmem>> -> memref<1x128xi32, #tpu.memory_space<vmem>>
      %dma_start3A_1571 = tpu.memref_squeeze %dma_start3A_1570 : memref<1x128xi32, #tpu.memory_space<vmem>> -> memref<128xi32, #tpu.memory_space<vmem>>
      %dma_start3A_1572 = tpu.memref_slice %arg8[%mul3A_1566] : memref<15616xi32, #tpu.memory_space<vmem>> -> memref<128xi32, #tpu.memory_space<vmem>>
      %dma_start3A_1573 = arith.constant 0 : i32
      %dma_start3A_1574 = tpu.memref_slice %arg7[%dma_start3A_1573] : memref<100000xi32, #tpu.memory_space<vmem_shared>> -> memref<100000xi32, #tpu.memory_space<vmem_shared>>
      %dma_start3A_1575 = tpu.memref_slice %arg15[%dma_start3A_1568] : memref<6x!tpu.dma_semaphore, #tpu.memory_space<semaphore_mem>> -> memref<1x!tpu.dma_semaphore, #tpu.memory_space<semaphore_mem>>
      %dma_start3A_1576 = tpu.memref_squeeze %dma_start3A_1575 : memref<1x!tpu.dma_semaphore, #tpu.memory_space<semaphore_mem>> -> memref<!tpu.dma_semaphore, #tpu.memory_space<semaphore_mem>>
      tpu.enqueue_indirect_dma source(%dma_start3A_1574 : memref<100000xi32, #tpu.memory_space<vmem_shared>>) target(%dma_start3A_1571 : memref<128xi32, #tpu.memory_space<vmem>>) offsets(%dma_start3A_1572 : memref<128xi32, #tpu.memory_space<vmem>>) semaphore(%dma_start3A_1576 : memref<!tpu.dma_semaphore, #tpu.memory_space<semaphore_mem>>)
      %sub3A_1577 = arith.constant 3 : i32
      %sub3A_1578 = arith.subi %add3A_1518, %sub3A_1577 : i32
      %add3A_1579 = arith.addi %mul3A_2, %sub3A_1578 : i32
      %mul3A_1580 = arith.constant 128 : i32
      %mul3A_1581 = arith.muli %add3A_1579, %mul3A_1580 : i32
      %mul3A_1582 = arith.constant 128 : i32
      %mul3A_1583 = arith.muli %sub3A_1578, %mul3A_1582 : i32
      %dma_wait3A_1584 = arith.constant 2 : i32
      %dma_wait3A_1585 = arith.constant 2 : i32
      %dma_wait3A_1586 = arith.constant 0 : i32
      %dma_wait3A_1587 = arith.constant 0 : i32
      %dma_wait3A_1588 = tpu.memref_slice %arg9[%dma_wait3A_1584, %dma_wait3A_1586, %dma_wait3A_1587] : memref<6x128x128xf32, #tpu.memory_space<vmem>> -> memref<1x128x128xf32, #tpu.memory_space<vmem>>
      %dma_wait3A_1589 = tpu.memref_squeeze %dma_wait3A_1588 : memref<1x128x128xf32, #tpu.memory_space<vmem>> -> memref<128x128xf32, #tpu.memory_space<vmem>>
      %dma_wait3A_1590 = tpu.memref_slice %arg8[%mul3A_1583] : memref<15616xi32, #tpu.memory_space<vmem>> -> memref<128xi32, #tpu.memory_space<vmem>>
      %dma_wait3A_1591 = arith.constant 0 : i32
      %dma_wait3A_1592 = arith.constant 0 : i32
      %dma_wait3A_1593 = tpu.memref_slice %arg2[%dma_wait3A_1591, %dma_wait3A_1592] : memref<100000x128xf32, #tpu.memory_space<hbm>> -> memref<100000x128xf32, #tpu.memory_space<hbm>>
      %dma_wait3A_1594 = tpu.memref_slice %arg14[%dma_wait3A_1585] : memref<6x!tpu.dma_semaphore, #tpu.memory_space<semaphore_mem>> -> memref<1x!tpu.dma_semaphore, #tpu.memory_space<semaphore_mem>>
      %dma_wait3A_1595 = tpu.memref_squeeze %dma_wait3A_1594 : memref<1x!tpu.dma_semaphore, #tpu.memory_space<semaphore_mem>> -> memref<!tpu.dma_semaphore, #tpu.memory_space<semaphore_mem>>
      tpu.wait_indirect_dma semaphore(%dma_wait3A_1595 : memref<!tpu.dma_semaphore, #tpu.memory_space<semaphore_mem>>) src(%dma_wait3A_1593 : memref<100000x128xf32, #tpu.memory_space<hbm>>) dst(%dma_wait3A_1589 : memref<128x128xf32, #tpu.memory_space<vmem>>)
      %dma_wait3A_1596 = arith.constant 2 : i32
      %dma_wait3A_1597 = arith.constant 2 : i32
      %dma_wait3A_1598 = arith.constant 0 : i32
      %dma_wait3A_1599 = tpu.memref_slice %arg10[%dma_wait3A_1596, %dma_wait3A_1598] : memref<6x128xi32, #tpu.memory_space<vmem>> -> memref<1x128xi32, #tpu.memory_space<vmem>>
      %dma_wait3A_1600 = tpu.memref_squeeze %dma_wait3A_1599 : memref<1x128xi32, #tpu.memory_space<vmem>> -> memref<128xi32, #tpu.memory_space<vmem>>
      %dma_wait3A_1601 = tpu.memref_slice %arg8[%mul3A_1583] : memref<15616xi32, #tpu.memory_space<vmem>> -> memref<128xi32, #tpu.memory_space<vmem>>
      %dma_wait3A_1602 = arith.constant 0 : i32
      %dma_wait3A_1603 = tpu.memref_slice %arg7[%dma_wait3A_1602] : memref<100000xi32, #tpu.memory_space<vmem_shared>> -> memref<100000xi32, #tpu.memory_space<vmem_shared>>
      %dma_wait3A_1604 = tpu.memref_slice %arg15[%dma_wait3A_1597] : memref<6x!tpu.dma_semaphore, #tpu.memory_space<semaphore_mem>> -> memref<1x!tpu.dma_semaphore, #tpu.memory_space<semaphore_mem>>
      %dma_wait3A_1605 = tpu.memref_squeeze %dma_wait3A_1604 : memref<1x!tpu.dma_semaphore, #tpu.memory_space<semaphore_mem>> -> memref<!tpu.dma_semaphore, #tpu.memory_space<semaphore_mem>>
      tpu.wait_indirect_dma semaphore(%dma_wait3A_1605 : memref<!tpu.dma_semaphore, #tpu.memory_space<semaphore_mem>>) src(%dma_wait3A_1603 : memref<100000xi32, #tpu.memory_space<vmem_shared>>) dst(%dma_wait3A_1600 : memref<128xi32, #tpu.memory_space<vmem>>)
      %dma_start3A_1606 = arith.constant 2 : i32
      %dma_start3A_1607 = arith.constant 2 : i32
      %dma_start3A_1608 = arith.constant 0 : i32
      %dma_start3A_1609 = arith.constant 0 : i32
      %dma_start3A_1610 = tpu.memref_slice %arg9[%dma_start3A_1606, %dma_start3A_1608, %dma_start3A_1609] : memref<6x128x128xf32, #tpu.memory_space<vmem>> -> memref<1x128x128xf32, #tpu.memory_space<vmem>>
      %dma_start3A_1611 = tpu.memref_squeeze %dma_start3A_1610 : memref<1x128x128xf32, #tpu.memory_space<vmem>> -> memref<128x128xf32, #tpu.memory_space<vmem>>
      %dma_start3A_1612 = arith.constant 0 : i32
      %dma_start3A_1613 = tpu.memref_slice %arg5[%mul3A_1581, %dma_start3A_1612] : memref<500000x128xf32, #tpu.memory_space<hbm>> -> memref<128x128xf32, #tpu.memory_space<hbm>>
      %dma_start3A_1614 = tpu.memref_slice %arg16[%dma_start3A_1607] : memref<6x!tpu.dma_semaphore, #tpu.memory_space<semaphore_mem>> -> memref<1x!tpu.dma_semaphore, #tpu.memory_space<semaphore_mem>>
      %dma_start3A_1615 = tpu.memref_squeeze %dma_start3A_1614 : memref<1x!tpu.dma_semaphore, #tpu.memory_space<semaphore_mem>> -> memref<!tpu.dma_semaphore, #tpu.memory_space<semaphore_mem>>
      %dma_start3A_1616 = arith.constant 0 : i32
      %dma_start3A_1617 = tpu.memref_slice %arg5[%mul3A_1581, %dma_start3A_1616] : memref<500000x128xf32, #tpu.memory_space<hbm>> -> memref<128x128xf32, #tpu.memory_space<hbm>>
      %dma_start3A_1618 = arith.constant 0 : i32
      %dma_start3A_1619 = arith.constant 0 : i32
      %dma_start3A_1620 = tpu.memref_slice %arg9[%dma_start3A_1606, %dma_start3A_1618, %dma_start3A_1619] : memref<6x128x128xf32, #tpu.memory_space<vmem>> -> memref<1x128x128xf32, #tpu.memory_space<vmem>>
      %dma_start3A_1621 = tpu.memref_squeeze %dma_start3A_1620 : memref<1x128x128xf32, #tpu.memory_space<vmem>> -> memref<128x128xf32, #tpu.memory_space<vmem>>
      tpu.enqueue_dma source(%dma_start3A_1621 : memref<128x128xf32, #tpu.memory_space<vmem>>) target(%dma_start3A_1617 : memref<128x128xf32, #tpu.memory_space<hbm>>) target_semaphore(%dma_start3A_1615 : memref<!tpu.dma_semaphore, #tpu.memory_space<semaphore_mem>>)
      %dma_start3A_1622 = arith.constant 2 : i32
      %dma_start3A_1623 = arith.constant 2 : i32
      %dma_start3A_1624 = arith.constant 0 : i32
      %dma_start3A_1625 = tpu.memref_slice %arg10[%dma_start3A_1622, %dma_start3A_1624] : memref<6x128xi32, #tpu.memory_space<vmem>> -> memref<1x128xi32, #tpu.memory_space<vmem>>
      %dma_start3A_1626 = tpu.memref_squeeze %dma_start3A_1625 : memref<1x128xi32, #tpu.memory_space<vmem>> -> memref<128xi32, #tpu.memory_space<vmem>>
      %dma_start3A_1627 = tpu.memref_slice %arg6[%mul3A_1581] : memref<500000xi32, #tpu.memory_space<hbm>> -> memref<128xi32, #tpu.memory_space<hbm>>
      %dma_start3A_1628 = tpu.memref_slice %arg17[%dma_start3A_1623] : memref<6x!tpu.dma_semaphore, #tpu.memory_space<semaphore_mem>> -> memref<1x!tpu.dma_semaphore, #tpu.memory_space<semaphore_mem>>
      %dma_start3A_1629 = tpu.memref_squeeze %dma_start3A_1628 : memref<1x!tpu.dma_semaphore, #tpu.memory_space<semaphore_mem>> -> memref<!tpu.dma_semaphore, #tpu.memory_space<semaphore_mem>>
      %dma_start3A_1630 = tpu.memref_slice %arg6[%mul3A_1581] : memref<500000xi32, #tpu.memory_space<hbm>> -> memref<128xi32, #tpu.memory_space<hbm>>
      %dma_start3A_1631 = arith.constant 0 : i32
      %dma_start3A_1632 = tpu.memref_slice %arg10[%dma_start3A_1622, %dma_start3A_1631] : memref<6x128xi32, #tpu.memory_space<vmem>> -> memref<1x128xi32, #tpu.memory_space<vmem>>
      %dma_start3A_1633 = tpu.memref_squeeze %dma_start3A_1632 : memref<1x128xi32, #tpu.memory_space<vmem>> -> memref<128xi32, #tpu.memory_space<vmem>>
      tpu.enqueue_dma source(%dma_start3A_1633 : memref<128xi32, #tpu.memory_space<vmem>>) target(%dma_start3A_1630 : memref<128xi32, #tpu.memory_space<hbm>>) target_semaphore(%dma_start3A_1629 : memref<!tpu.dma_semaphore, #tpu.memory_space<semaphore_mem>>)
    }
    %scan3A_326 = arith.constant 19 : i32
    %dma_wait3A_327 = arith.constant 0 : i32
    %dma_wait3A_328 = arith.constant 0 : i32
    %dma_wait3A_329 = arith.constant 0 : i32
    %dma_wait3A_330 = arith.constant 0 : i32
    %dma_wait3A_331 = tpu.memref_slice %arg9[%dma_wait3A_327, %dma_wait3A_329, %dma_wait3A_330] : memref<6x128x128xf32, #tpu.memory_space<vmem>> -> memref<1x128x128xf32, #tpu.memory_space<vmem>>
    %dma_wait3A_332 = tpu.memref_squeeze %dma_wait3A_331 : memref<1x128x128xf32, #tpu.memory_space<vmem>> -> memref<128x128xf32, #tpu.memory_space<vmem>>
    %dma_wait3A_333 = arith.constant 0 : i32
    %dma_wait3A_334 = arith.constant 0 : i32
    %dma_wait3A_335 = tpu.memref_slice %arg5[%dma_wait3A_333, %dma_wait3A_334] : memref<500000x128xf32, #tpu.memory_space<hbm>> -> memref<128x128xf32, #tpu.memory_space<hbm>>
    %dma_wait3A_336 = tpu.memref_slice %arg16[%dma_wait3A_328] : memref<6x!tpu.dma_semaphore, #tpu.memory_space<semaphore_mem>> -> memref<1x!tpu.dma_semaphore, #tpu.memory_space<semaphore_mem>>
    %dma_wait3A_337 = tpu.memref_squeeze %dma_wait3A_336 : memref<1x!tpu.dma_semaphore, #tpu.memory_space<semaphore_mem>> -> memref<!tpu.dma_semaphore, #tpu.memory_space<semaphore_mem>>
    %dma_wait3A_338 = arith.constant 0 : i32
    %dma_wait3A_339 = arith.constant 0 : i32
    %dma_wait3A_340 = tpu.memref_slice %arg5[%dma_wait3A_338, %dma_wait3A_339] : memref<500000x128xf32, #tpu.memory_space<hbm>> -> memref<128x128xf32, #tpu.memory_space<hbm>>
    %dma_wait3A_341 = arith.constant 0 : i32
    %dma_wait3A_342 = arith.constant 0 : i32
    %dma_wait3A_343 = tpu.memref_slice %arg9[%dma_wait3A_327, %dma_wait3A_341, %dma_wait3A_342] : memref<6x128x128xf32, #tpu.memory_space<vmem>> -> memref<1x128x128xf32, #tpu.memory_space<vmem>>
    %dma_wait3A_344 = tpu.memref_squeeze %dma_wait3A_343 : memref<1x128x128xf32, #tpu.memory_space<vmem>> -> memref<128x128xf32, #tpu.memory_space<vmem>>
    tpu.wait_dma2 semaphore(%dma_wait3A_337 : memref<!tpu.dma_semaphore, #tpu.memory_space<semaphore_mem>>) src(%dma_wait3A_344 : memref<128x128xf32, #tpu.memory_space<vmem>>) dst(%dma_wait3A_340 : memref<128x128xf32, #tpu.memory_space<hbm>>)
    %dma_wait3A_345 = arith.constant 0 : i32
    %dma_wait3A_346 = arith.constant 0 : i32
    %dma_wait3A_347 = arith.constant 0 : i32
    %dma_wait3A_348 = tpu.memref_slice %arg10[%dma_wait3A_345, %dma_wait3A_347] : memref<6x128xi32, #tpu.memory_space<vmem>> -> memref<1x128xi32, #tpu.memory_space<vmem>>
    %dma_wait3A_349 = tpu.memref_squeeze %dma_wait3A_348 : memref<1x128xi32, #tpu.memory_space<vmem>> -> memref<128xi32, #tpu.memory_space<vmem>>
    %dma_wait3A_350 = arith.constant 0 : i32
    %dma_wait3A_351 = tpu.memref_slice %arg6[%dma_wait3A_350] : memref<500000xi32, #tpu.memory_space<hbm>> -> memref<128xi32, #tpu.memory_space<hbm>>
    %dma_wait3A_352 = tpu.memref_slice %arg17[%dma_wait3A_346] : memref<6x!tpu.dma_semaphore, #tpu.memory_space<semaphore_mem>> -> memref<1x!tpu.dma_semaphore, #tpu.memory_space<semaphore_mem>>
    %dma_wait3A_353 = tpu.memref_squeeze %dma_wait3A_352 : memref<1x!tpu.dma_semaphore, #tpu.memory_space<semaphore_mem>> -> memref<!tpu.dma_semaphore, #tpu.memory_space<semaphore_mem>>
    %dma_wait3A_354 = arith.constant 0 : i32
    %dma_wait3A_355 = tpu.memref_slice %arg6[%dma_wait3A_354] : memref<500000xi32, #tpu.memory_space<hbm>> -> memref<128xi32, #tpu.memory_space<hbm>>
    %dma_wait3A_356 = arith.constant 0 : i32
    %dma_wait3A_357 = tpu.memref_slice %arg10[%dma_wait3A_345, %dma_wait3A_356] : memref<6x128xi32, #tpu.memory_space<vmem>> -> memref<1x128xi32, #tpu.memory_space<vmem>>
    %dma_wait3A_358 = tpu.memref_squeeze %dma_wait3A_357 : memref<1x128xi32, #tpu.memory_space<vmem>> -> memref<128xi32, #tpu.memory_space<vmem>>
    tpu.wait_dma2 semaphore(%dma_wait3A_353 : memref<!tpu.dma_semaphore, #tpu.memory_space<semaphore_mem>>) src(%dma_wait3A_358 : memref<128xi32, #tpu.memory_space<vmem>>) dst(%dma_wait3A_355 : memref<128xi32, #tpu.memory_space<hbm>>)
    %dma_start3A_359 = arith.constant 0 : i32
    %dma_start3A_360 = arith.constant 0 : i32
    %dma_start3A_361 = arith.constant 0 : i32
    %dma_start3A_362 = arith.constant 0 : i32
    %dma_start3A_363 = tpu.memref_slice %arg9[%dma_start3A_359, %dma_start3A_361, %dma_start3A_362] : memref<6x128x128xf32, #tpu.memory_space<vmem>> -> memref<1x128x128xf32, #tpu.memory_space<vmem>>
    %dma_start3A_364 = tpu.memref_squeeze %dma_start3A_363 : memref<1x128x128xf32, #tpu.memory_space<vmem>> -> memref<128x128xf32, #tpu.memory_space<vmem>>
    %dma_start3A_365 = arith.constant 15360 : i32
    %dma_start3A_366 = tpu.memref_slice %arg8[%dma_start3A_365] : memref<15616xi32, #tpu.memory_space<vmem>> -> memref<128xi32, #tpu.memory_space<vmem>>
    %dma_start3A_367 = arith.constant 0 : i32
    %dma_start3A_368 = arith.constant 0 : i32
    %dma_start3A_369 = tpu.memref_slice %arg2[%dma_start3A_367, %dma_start3A_368] : memref<100000x128xf32, #tpu.memory_space<hbm>> -> memref<100000x128xf32, #tpu.memory_space<hbm>>
    %dma_start3A_370 = tpu.memref_slice %arg14[%dma_start3A_360] : memref<6x!tpu.dma_semaphore, #tpu.memory_space<semaphore_mem>> -> memref<1x!tpu.dma_semaphore, #tpu.memory_space<semaphore_mem>>
    %dma_start3A_371 = tpu.memref_squeeze %dma_start3A_370 : memref<1x!tpu.dma_semaphore, #tpu.memory_space<semaphore_mem>> -> memref<!tpu.dma_semaphore, #tpu.memory_space<semaphore_mem>>
    tpu.enqueue_indirect_dma source(%dma_start3A_369 : memref<100000x128xf32, #tpu.memory_space<hbm>>) target(%dma_start3A_364 : memref<128x128xf32, #tpu.memory_space<vmem>>) offsets(%dma_start3A_366 : memref<128xi32, #tpu.memory_space<vmem>>) semaphore(%dma_start3A_371 : memref<!tpu.dma_semaphore, #tpu.memory_space<semaphore_mem>>)
    %dma_start3A_372 = arith.constant 0 : i32
    %dma_start3A_373 = arith.constant 0 : i32
    %dma_start3A_374 = arith.constant 0 : i32
    %dma_start3A_375 = tpu.memref_slice %arg10[%dma_start3A_372, %dma_start3A_374] : memref<6x128xi32, #tpu.memory_space<vmem>> -> memref<1x128xi32, #tpu.memory_space<vmem>>
    %dma_start3A_376 = tpu.memref_squeeze %dma_start3A_375 : memref<1x128xi32, #tpu.memory_space<vmem>> -> memref<128xi32, #tpu.memory_space<vmem>>
    %dma_start3A_377 = arith.constant 15360 : i32
    %dma_start3A_378 = tpu.memref_slice %arg8[%dma_start3A_377] : memref<15616xi32, #tpu.memory_space<vmem>> -> memref<128xi32, #tpu.memory_space<vmem>>
    %dma_start3A_379 = arith.constant 0 : i32
    %dma_start3A_380 = tpu.memref_slice %arg7[%dma_start3A_379] : memref<100000xi32, #tpu.memory_space<vmem_shared>> -> memref<100000xi32, #tpu.memory_space<vmem_shared>>
    %dma_start3A_381 = tpu.memref_slice %arg15[%dma_start3A_373] : memref<6x!tpu.dma_semaphore, #tpu.memory_space<semaphore_mem>> -> memref<1x!tpu.dma_semaphore, #tpu.memory_space<semaphore_mem>>
    %dma_start3A_382 = tpu.memref_squeeze %dma_start3A_381 : memref<1x!tpu.dma_semaphore, #tpu.memory_space<semaphore_mem>> -> memref<!tpu.dma_semaphore, #tpu.memory_space<semaphore_mem>>
    tpu.enqueue_indirect_dma source(%dma_start3A_380 : memref<100000xi32, #tpu.memory_space<vmem_shared>>) target(%dma_start3A_376 : memref<128xi32, #tpu.memory_space<vmem>>) offsets(%dma_start3A_378 : memref<128xi32, #tpu.memory_space<vmem>>) semaphore(%dma_start3A_382 : memref<!tpu.dma_semaphore, #tpu.memory_space<semaphore_mem>>)
    %add3A_383 = arith.constant 117 : i32
    %add3A_384 = arith.addi %mul3A_2, %add3A_383 : i32
    %mul3A_385 = arith.constant 128 : i32
    %mul3A_386 = arith.muli %add3A_384, %mul3A_385 : i32
    %dma_wait3A_387 = arith.constant 3 : i32
    %dma_wait3A_388 = arith.constant 3 : i32
    %dma_wait3A_389 = arith.constant 0 : i32
    %dma_wait3A_390 = arith.constant 0 : i32
    %dma_wait3A_391 = tpu.memref_slice %arg9[%dma_wait3A_387, %dma_wait3A_389, %dma_wait3A_390] : memref<6x128x128xf32, #tpu.memory_space<vmem>> -> memref<1x128x128xf32, #tpu.memory_space<vmem>>
    %dma_wait3A_392 = tpu.memref_squeeze %dma_wait3A_391 : memref<1x128x128xf32, #tpu.memory_space<vmem>> -> memref<128x128xf32, #tpu.memory_space<vmem>>
    %dma_wait3A_393 = arith.constant 14976 : i32
    %dma_wait3A_394 = tpu.memref_slice %arg8[%dma_wait3A_393] : memref<15616xi32, #tpu.memory_space<vmem>> -> memref<128xi32, #tpu.memory_space<vmem>>
    %dma_wait3A_395 = arith.constant 0 : i32
    %dma_wait3A_396 = arith.constant 0 : i32
    %dma_wait3A_397 = tpu.memref_slice %arg2[%dma_wait3A_395, %dma_wait3A_396] : memref<100000x128xf32, #tpu.memory_space<hbm>> -> memref<100000x128xf32, #tpu.memory_space<hbm>>
    %dma_wait3A_398 = tpu.memref_slice %arg14[%dma_wait3A_388] : memref<6x!tpu.dma_semaphore, #tpu.memory_space<semaphore_mem>> -> memref<1x!tpu.dma_semaphore, #tpu.memory_space<semaphore_mem>>
    %dma_wait3A_399 = tpu.memref_squeeze %dma_wait3A_398 : memref<1x!tpu.dma_semaphore, #tpu.memory_space<semaphore_mem>> -> memref<!tpu.dma_semaphore, #tpu.memory_space<semaphore_mem>>
    tpu.wait_indirect_dma semaphore(%dma_wait3A_399 : memref<!tpu.dma_semaphore, #tpu.memory_space<semaphore_mem>>) src(%dma_wait3A_397 : memref<100000x128xf32, #tpu.memory_space<hbm>>) dst(%dma_wait3A_392 : memref<128x128xf32, #tpu.memory_space<vmem>>)
    %dma_wait3A_400 = arith.constant 3 : i32
    %dma_wait3A_401 = arith.constant 3 : i32
    %dma_wait3A_402 = arith.constant 0 : i32
    %dma_wait3A_403 = tpu.memref_slice %arg10[%dma_wait3A_400, %dma_wait3A_402] : memref<6x128xi32, #tpu.memory_space<vmem>> -> memref<1x128xi32, #tpu.memory_space<vmem>>
    %dma_wait3A_404 = tpu.memref_squeeze %dma_wait3A_403 : memref<1x128xi32, #tpu.memory_space<vmem>> -> memref<128xi32, #tpu.memory_space<vmem>>
    %dma_wait3A_405 = arith.constant 14976 : i32
    %dma_wait3A_406 = tpu.memref_slice %arg8[%dma_wait3A_405] : memref<15616xi32, #tpu.memory_space<vmem>> -> memref<128xi32, #tpu.memory_space<vmem>>
    %dma_wait3A_407 = arith.constant 0 : i32
    %dma_wait3A_408 = tpu.memref_slice %arg7[%dma_wait3A_407] : memref<100000xi32, #tpu.memory_space<vmem_shared>> -> memref<100000xi32, #tpu.memory_space<vmem_shared>>
    %dma_wait3A_409 = tpu.memref_slice %arg15[%dma_wait3A_401] : memref<6x!tpu.dma_semaphore, #tpu.memory_space<semaphore_mem>> -> memref<1x!tpu.dma_semaphore, #tpu.memory_space<semaphore_mem>>
    %dma_wait3A_410 = tpu.memref_squeeze %dma_wait3A_409 : memref<1x!tpu.dma_semaphore, #tpu.memory_space<semaphore_mem>> -> memref<!tpu.dma_semaphore, #tpu.memory_space<semaphore_mem>>
    tpu.wait_indirect_dma semaphore(%dma_wait3A_410 : memref<!tpu.dma_semaphore, #tpu.memory_space<semaphore_mem>>) src(%dma_wait3A_408 : memref<100000xi32, #tpu.memory_space<vmem_shared>>) dst(%dma_wait3A_404 : memref<128xi32, #tpu.memory_space<vmem>>)
    %dma_start3A_411 = arith.constant 3 : i32
    %dma_start3A_412 = arith.constant 3 : i32
    %dma_start3A_413 = arith.constant 0 : i32
    %dma_start3A_414 = arith.constant 0 : i32
    %dma_start3A_415 = tpu.memref_slice %arg9[%dma_start3A_411, %dma_start3A_413, %dma_start3A_414] : memref<6x128x128xf32, #tpu.memory_space<vmem>> -> memref<1x128x128xf32, #tpu.memory_space<vmem>>
    %dma_start3A_416 = tpu.memref_squeeze %dma_start3A_415 : memref<1x128x128xf32, #tpu.memory_space<vmem>> -> memref<128x128xf32, #tpu.memory_space<vmem>>
    %dma_start3A_417 = arith.constant 0 : i32
    %dma_start3A_418 = tpu.memref_slice %arg5[%mul3A_386, %dma_start3A_417] : memref<500000x128xf32, #tpu.memory_space<hbm>> -> memref<128x128xf32, #tpu.memory_space<hbm>>
    %dma_start3A_419 = tpu.memref_slice %arg16[%dma_start3A_412] : memref<6x!tpu.dma_semaphore, #tpu.memory_space<semaphore_mem>> -> memref<1x!tpu.dma_semaphore, #tpu.memory_space<semaphore_mem>>
    %dma_start3A_420 = tpu.memref_squeeze %dma_start3A_419 : memref<1x!tpu.dma_semaphore, #tpu.memory_space<semaphore_mem>> -> memref<!tpu.dma_semaphore, #tpu.memory_space<semaphore_mem>>
    %dma_start3A_421 = arith.constant 0 : i32
    %dma_start3A_422 = tpu.memref_slice %arg5[%mul3A_386, %dma_start3A_421] : memref<500000x128xf32, #tpu.memory_space<hbm>> -> memref<128x128xf32, #tpu.memory_space<hbm>>
    %dma_start3A_423 = arith.constant 0 : i32
    %dma_start3A_424 = arith.constant 0 : i32
    %dma_start3A_425 = tpu.memref_slice %arg9[%dma_start3A_411, %dma_start3A_423, %dma_start3A_424] : memref<6x128x128xf32, #tpu.memory_space<vmem>> -> memref<1x128x128xf32, #tpu.memory_space<vmem>>
    %dma_start3A_426 = tpu.memref_squeeze %dma_start3A_425 : memref<1x128x128xf32, #tpu.memory_space<vmem>> -> memref<128x128xf32, #tpu.memory_space<vmem>>
    tpu.enqueue_dma source(%dma_start3A_426 : memref<128x128xf32, #tpu.memory_space<vmem>>) target(%dma_start3A_422 : memref<128x128xf32, #tpu.memory_space<hbm>>) target_semaphore(%dma_start3A_420 : memref<!tpu.dma_semaphore, #tpu.memory_space<semaphore_mem>>)
    %dma_start3A_427 = arith.constant 3 : i32
    %dma_start3A_428 = arith.constant 3 : i32
    %dma_start3A_429 = arith.constant 0 : i32
    %dma_start3A_430 = tpu.memref_slice %arg10[%dma_start3A_427, %dma_start3A_429] : memref<6x128xi32, #tpu.memory_space<vmem>> -> memref<1x128xi32, #tpu.memory_space<vmem>>
    %dma_start3A_431 = tpu.memref_squeeze %dma_start3A_430 : memref<1x128xi32, #tpu.memory_space<vmem>> -> memref<128xi32, #tpu.memory_space<vmem>>
    %dma_start3A_432 = tpu.memref_slice %arg6[%mul3A_386] : memref<500000xi32, #tpu.memory_space<hbm>> -> memref<128xi32, #tpu.memory_space<hbm>>
    %dma_start3A_433 = tpu.memref_slice %arg17[%dma_start3A_428] : memref<6x!tpu.dma_semaphore, #tpu.memory_space<semaphore_mem>> -> memref<1x!tpu.dma_semaphore, #tpu.memory_space<semaphore_mem>>
    %dma_start3A_434 = tpu.memref_squeeze %dma_start3A_433 : memref<1x!tpu.dma_semaphore, #tpu.memory_space<semaphore_mem>> -> memref<!tpu.dma_semaphore, #tpu.memory_space<semaphore_mem>>
    %dma_start3A_435 = tpu.memref_slice %arg6[%mul3A_386] : memref<500000xi32, #tpu.memory_space<hbm>> -> memref<128xi32, #tpu.memory_space<hbm>>
    %dma_start3A_436 = arith.constant 0 : i32
    %dma_start3A_437 = tpu.memref_slice %arg10[%dma_start3A_427, %dma_start3A_436] : memref<6x128xi32, #tpu.memory_space<vmem>> -> memref<1x128xi32, #tpu.memory_space<vmem>>
    %dma_start3A_438 = tpu.memref_squeeze %dma_start3A_437 : memref<1x128xi32, #tpu.memory_space<vmem>> -> memref<128xi32, #tpu.memory_space<vmem>>
    tpu.enqueue_dma source(%dma_start3A_438 : memref<128xi32, #tpu.memory_space<vmem>>) target(%dma_start3A_435 : memref<128xi32, #tpu.memory_space<hbm>>) target_semaphore(%dma_start3A_434 : memref<!tpu.dma_semaphore, #tpu.memory_space<semaphore_mem>>)
    %dma_wait3A_439 = arith.constant 1 : i32
    %dma_wait3A_440 = arith.constant 1 : i32
    %dma_wait3A_441 = arith.constant 0 : i32
    %dma_wait3A_442 = arith.constant 0 : i32
    %dma_wait3A_443 = tpu.memref_slice %arg9[%dma_wait3A_439, %dma_wait3A_441, %dma_wait3A_442] : memref<6x128x128xf32, #tpu.memory_space<vmem>> -> memref<1x128x128xf32, #tpu.memory_space<vmem>>
    %dma_wait3A_444 = tpu.memref_squeeze %dma_wait3A_443 : memref<1x128x128xf32, #tpu.memory_space<vmem>> -> memref<128x128xf32, #tpu.memory_space<vmem>>
    %dma_wait3A_445 = arith.constant 0 : i32
    %dma_wait3A_446 = arith.constant 0 : i32
    %dma_wait3A_447 = tpu.memref_slice %arg5[%dma_wait3A_445, %dma_wait3A_446] : memref<500000x128xf32, #tpu.memory_space<hbm>> -> memref<128x128xf32, #tpu.memory_space<hbm>>
    %dma_wait3A_448 = tpu.memref_slice %arg16[%dma_wait3A_440] : memref<6x!tpu.dma_semaphore, #tpu.memory_space<semaphore_mem>> -> memref<1x!tpu.dma_semaphore, #tpu.memory_space<semaphore_mem>>
    %dma_wait3A_449 = tpu.memref_squeeze %dma_wait3A_448 : memref<1x!tpu.dma_semaphore, #tpu.memory_space<semaphore_mem>> -> memref<!tpu.dma_semaphore, #tpu.memory_space<semaphore_mem>>
    %dma_wait3A_450 = arith.constant 0 : i32
    %dma_wait3A_451 = arith.constant 0 : i32
    %dma_wait3A_452 = tpu.memref_slice %arg5[%dma_wait3A_450, %dma_wait3A_451] : memref<500000x128xf32, #tpu.memory_space<hbm>> -> memref<128x128xf32, #tpu.memory_space<hbm>>
    %dma_wait3A_453 = arith.constant 0 : i32
    %dma_wait3A_454 = arith.constant 0 : i32
    %dma_wait3A_455 = tpu.memref_slice %arg9[%dma_wait3A_439, %dma_wait3A_453, %dma_wait3A_454] : memref<6x128x128xf32, #tpu.memory_space<vmem>> -> memref<1x128x128xf32, #tpu.memory_space<vmem>>
    %dma_wait3A_456 = tpu.memref_squeeze %dma_wait3A_455 : memref<1x128x128xf32, #tpu.memory_space<vmem>> -> memref<128x128xf32, #tpu.memory_space<vmem>>
    tpu.wait_dma2 semaphore(%dma_wait3A_449 : memref<!tpu.dma_semaphore, #tpu.memory_space<semaphore_mem>>) src(%dma_wait3A_456 : memref<128x128xf32, #tpu.memory_space<vmem>>) dst(%dma_wait3A_452 : memref<128x128xf32, #tpu.memory_space<hbm>>)
    %dma_wait3A_457 = arith.constant 1 : i32
    %dma_wait3A_458 = arith.constant 1 : i32
    %dma_wait3A_459 = arith.constant 0 : i32
    %dma_wait3A_460 = tpu.memref_slice %arg10[%dma_wait3A_457, %dma_wait3A_459] : memref<6x128xi32, #tpu.memory_space<vmem>> -> memref<1x128xi32, #tpu.memory_space<vmem>>
    %dma_wait3A_461 = tpu.memref_squeeze %dma_wait3A_460 : memref<1x128xi32, #tpu.memory_space<vmem>> -> memref<128xi32, #tpu.memory_space<vmem>>
    %dma_wait3A_462 = arith.constant 0 : i32
    %dma_wait3A_463 = tpu.memref_slice %arg6[%dma_wait3A_462] : memref<500000xi32, #tpu.memory_space<hbm>> -> memref<128xi32, #tpu.memory_space<hbm>>
    %dma_wait3A_464 = tpu.memref_slice %arg17[%dma_wait3A_458] : memref<6x!tpu.dma_semaphore, #tpu.memory_space<semaphore_mem>> -> memref<1x!tpu.dma_semaphore, #tpu.memory_space<semaphore_mem>>
    %dma_wait3A_465 = tpu.memref_squeeze %dma_wait3A_464 : memref<1x!tpu.dma_semaphore, #tpu.memory_space<semaphore_mem>> -> memref<!tpu.dma_semaphore, #tpu.memory_space<semaphore_mem>>
    %dma_wait3A_466 = arith.constant 0 : i32
    %dma_wait3A_467 = tpu.memref_slice %arg6[%dma_wait3A_466] : memref<500000xi32, #tpu.memory_space<hbm>> -> memref<128xi32, #tpu.memory_space<hbm>>
    %dma_wait3A_468 = arith.constant 0 : i32
    %dma_wait3A_469 = tpu.memref_slice %arg10[%dma_wait3A_457, %dma_wait3A_468] : memref<6x128xi32, #tpu.memory_space<vmem>> -> memref<1x128xi32, #tpu.memory_space<vmem>>
    %dma_wait3A_470 = tpu.memref_squeeze %dma_wait3A_469 : memref<1x128xi32, #tpu.memory_space<vmem>> -> memref<128xi32, #tpu.memory_space<vmem>>
    tpu.wait_dma2 semaphore(%dma_wait3A_465 : memref<!tpu.dma_semaphore, #tpu.memory_space<semaphore_mem>>) src(%dma_wait3A_470 : memref<128xi32, #tpu.memory_space<vmem>>) dst(%dma_wait3A_467 : memref<128xi32, #tpu.memory_space<hbm>>)
    %dma_start3A_471 = arith.constant 1 : i32
    %dma_start3A_472 = arith.constant 1 : i32
    %dma_start3A_473 = arith.constant 0 : i32
    %dma_start3A_474 = arith.constant 0 : i32
    %dma_start3A_475 = tpu.memref_slice %arg9[%dma_start3A_471, %dma_start3A_473, %dma_start3A_474] : memref<6x128x128xf32, #tpu.memory_space<vmem>> -> memref<1x128x128xf32, #tpu.memory_space<vmem>>
    %dma_start3A_476 = tpu.memref_squeeze %dma_start3A_475 : memref<1x128x128xf32, #tpu.memory_space<vmem>> -> memref<128x128xf32, #tpu.memory_space<vmem>>
    %dma_start3A_477 = arith.constant 15488 : i32
    %dma_start3A_478 = tpu.memref_slice %arg8[%dma_start3A_477] : memref<15616xi32, #tpu.memory_space<vmem>> -> memref<128xi32, #tpu.memory_space<vmem>>
    %dma_start3A_479 = arith.constant 0 : i32
    %dma_start3A_480 = arith.constant 0 : i32
    %dma_start3A_481 = tpu.memref_slice %arg2[%dma_start3A_479, %dma_start3A_480] : memref<100000x128xf32, #tpu.memory_space<hbm>> -> memref<100000x128xf32, #tpu.memory_space<hbm>>
    %dma_start3A_482 = tpu.memref_slice %arg14[%dma_start3A_472] : memref<6x!tpu.dma_semaphore, #tpu.memory_space<semaphore_mem>> -> memref<1x!tpu.dma_semaphore, #tpu.memory_space<semaphore_mem>>
    %dma_start3A_483 = tpu.memref_squeeze %dma_start3A_482 : memref<1x!tpu.dma_semaphore, #tpu.memory_space<semaphore_mem>> -> memref<!tpu.dma_semaphore, #tpu.memory_space<semaphore_mem>>
    tpu.enqueue_indirect_dma source(%dma_start3A_481 : memref<100000x128xf32, #tpu.memory_space<hbm>>) target(%dma_start3A_476 : memref<128x128xf32, #tpu.memory_space<vmem>>) offsets(%dma_start3A_478 : memref<128xi32, #tpu.memory_space<vmem>>) semaphore(%dma_start3A_483 : memref<!tpu.dma_semaphore, #tpu.memory_space<semaphore_mem>>)
    %dma_start3A_484 = arith.constant 1 : i32
    %dma_start3A_485 = arith.constant 1 : i32
    %dma_start3A_486 = arith.constant 0 : i32
    %dma_start3A_487 = tpu.memref_slice %arg10[%dma_start3A_484, %dma_start3A_486] : memref<6x128xi32, #tpu.memory_space<vmem>> -> memref<1x128xi32, #tpu.memory_space<vmem>>
    %dma_start3A_488 = tpu.memref_squeeze %dma_start3A_487 : memref<1x128xi32, #tpu.memory_space<vmem>> -> memref<128xi32, #tpu.memory_space<vmem>>
    %dma_start3A_489 = arith.constant 15488 : i32
    %dma_start3A_490 = tpu.memref_slice %arg8[%dma_start3A_489] : memref<15616xi32, #tpu.memory_space<vmem>> -> memref<128xi32, #tpu.memory_space<vmem>>
    %dma_start3A_491 = arith.constant 0 : i32
    %dma_start3A_492 = tpu.memref_slice %arg7[%dma_start3A_491] : memref<100000xi32, #tpu.memory_space<vmem_shared>> -> memref<100000xi32, #tpu.memory_space<vmem_shared>>
    %dma_start3A_493 = tpu.memref_slice %arg15[%dma_start3A_485] : memref<6x!tpu.dma_semaphore, #tpu.memory_space<semaphore_mem>> -> memref<1x!tpu.dma_semaphore, #tpu.memory_space<semaphore_mem>>
    %dma_start3A_494 = tpu.memref_squeeze %dma_start3A_493 : memref<1x!tpu.dma_semaphore, #tpu.memory_space<semaphore_mem>> -> memref<!tpu.dma_semaphore, #tpu.memory_space<semaphore_mem>>
    tpu.enqueue_indirect_dma source(%dma_start3A_492 : memref<100000xi32, #tpu.memory_space<vmem_shared>>) target(%dma_start3A_488 : memref<128xi32, #tpu.memory_space<vmem>>) offsets(%dma_start3A_490 : memref<128xi32, #tpu.memory_space<vmem>>) semaphore(%dma_start3A_494 : memref<!tpu.dma_semaphore, #tpu.memory_space<semaphore_mem>>)
    %add3A_495 = arith.constant 118 : i32
    %add3A_496 = arith.addi %mul3A_2, %add3A_495 : i32
    %mul3A_497 = arith.constant 128 : i32
    %mul3A_498 = arith.muli %add3A_496, %mul3A_497 : i32
    %dma_wait3A_499 = arith.constant 4 : i32
    %dma_wait3A_500 = arith.constant 4 : i32
    %dma_wait3A_501 = arith.constant 0 : i32
    %dma_wait3A_502 = arith.constant 0 : i32
    %dma_wait3A_503 = tpu.memref_slice %arg9[%dma_wait3A_499, %dma_wait3A_501, %dma_wait3A_502] : memref<6x128x128xf32, #tpu.memory_space<vmem>> -> memref<1x128x128xf32, #tpu.memory_space<vmem>>
    %dma_wait3A_504 = tpu.memref_squeeze %dma_wait3A_503 : memref<1x128x128xf32, #tpu.memory_space<vmem>> -> memref<128x128xf32, #tpu.memory_space<vmem>>
    %dma_wait3A_505 = arith.constant 15104 : i32
    %dma_wait3A_506 = tpu.memref_slice %arg8[%dma_wait3A_505] : memref<15616xi32, #tpu.memory_space<vmem>> -> memref<128xi32, #tpu.memory_space<vmem>>
    %dma_wait3A_507 = arith.constant 0 : i32
    %dma_wait3A_508 = arith.constant 0 : i32
    %dma_wait3A_509 = tpu.memref_slice %arg2[%dma_wait3A_507, %dma_wait3A_508] : memref<100000x128xf32, #tpu.memory_space<hbm>> -> memref<100000x128xf32, #tpu.memory_space<hbm>>
    %dma_wait3A_510 = tpu.memref_slice %arg14[%dma_wait3A_500] : memref<6x!tpu.dma_semaphore, #tpu.memory_space<semaphore_mem>> -> memref<1x!tpu.dma_semaphore, #tpu.memory_space<semaphore_mem>>
    %dma_wait3A_511 = tpu.memref_squeeze %dma_wait3A_510 : memref<1x!tpu.dma_semaphore, #tpu.memory_space<semaphore_mem>> -> memref<!tpu.dma_semaphore, #tpu.memory_space<semaphore_mem>>
    tpu.wait_indirect_dma semaphore(%dma_wait3A_511 : memref<!tpu.dma_semaphore, #tpu.memory_space<semaphore_mem>>) src(%dma_wait3A_509 : memref<100000x128xf32, #tpu.memory_space<hbm>>) dst(%dma_wait3A_504 : memref<128x128xf32, #tpu.memory_space<vmem>>)
    %dma_wait3A_512 = arith.constant 4 : i32
    %dma_wait3A_513 = arith.constant 4 : i32
    %dma_wait3A_514 = arith.constant 0 : i32
    %dma_wait3A_515 = tpu.memref_slice %arg10[%dma_wait3A_512, %dma_wait3A_514] : memref<6x128xi32, #tpu.memory_space<vmem>> -> memref<1x128xi32, #tpu.memory_space<vmem>>
    %dma_wait3A_516 = tpu.memref_squeeze %dma_wait3A_515 : memref<1x128xi32, #tpu.memory_space<vmem>> -> memref<128xi32, #tpu.memory_space<vmem>>
    %dma_wait3A_517 = arith.constant 15104 : i32
    %dma_wait3A_518 = tpu.memref_slice %arg8[%dma_wait3A_517] : memref<15616xi32, #tpu.memory_space<vmem>> -> memref<128xi32, #tpu.memory_space<vmem>>
    %dma_wait3A_519 = arith.constant 0 : i32
    %dma_wait3A_520 = tpu.memref_slice %arg7[%dma_wait3A_519] : memref<100000xi32, #tpu.memory_space<vmem_shared>> -> memref<100000xi32, #tpu.memory_space<vmem_shared>>
    %dma_wait3A_521 = tpu.memref_slice %arg15[%dma_wait3A_513] : memref<6x!tpu.dma_semaphore, #tpu.memory_space<semaphore_mem>> -> memref<1x!tpu.dma_semaphore, #tpu.memory_space<semaphore_mem>>
    %dma_wait3A_522 = tpu.memref_squeeze %dma_wait3A_521 : memref<1x!tpu.dma_semaphore, #tpu.memory_space<semaphore_mem>> -> memref<!tpu.dma_semaphore, #tpu.memory_space<semaphore_mem>>
    tpu.wait_indirect_dma semaphore(%dma_wait3A_522 : memref<!tpu.dma_semaphore, #tpu.memory_space<semaphore_mem>>) src(%dma_wait3A_520 : memref<100000xi32, #tpu.memory_space<vmem_shared>>) dst(%dma_wait3A_516 : memref<128xi32, #tpu.memory_space<vmem>>)
    %dma_start3A_523 = arith.constant 4 : i32
    %dma_start3A_524 = arith.constant 4 : i32
    %dma_start3A_525 = arith.constant 0 : i32
    %dma_start3A_526 = arith.constant 0 : i32
    %dma_start3A_527 = tpu.memref_slice %arg9[%dma_start3A_523, %dma_start3A_525, %dma_start3A_526] : memref<6x128x128xf32, #tpu.memory_space<vmem>> -> memref<1x128x128xf32, #tpu.memory_space<vmem>>
    %dma_start3A_528 = tpu.memref_squeeze %dma_start3A_527 : memref<1x128x128xf32, #tpu.memory_space<vmem>> -> memref<128x128xf32, #tpu.memory_space<vmem>>
    %dma_start3A_529 = arith.constant 0 : i32
    %dma_start3A_530 = tpu.memref_slice %arg5[%mul3A_498, %dma_start3A_529] : memref<500000x128xf32, #tpu.memory_space<hbm>> -> memref<128x128xf32, #tpu.memory_space<hbm>>
    %dma_start3A_531 = tpu.memref_slice %arg16[%dma_start3A_524] : memref<6x!tpu.dma_semaphore, #tpu.memory_space<semaphore_mem>> -> memref<1x!tpu.dma_semaphore, #tpu.memory_space<semaphore_mem>>
    %dma_start3A_532 = tpu.memref_squeeze %dma_start3A_531 : memref<1x!tpu.dma_semaphore, #tpu.memory_space<semaphore_mem>> -> memref<!tpu.dma_semaphore, #tpu.memory_space<semaphore_mem>>
    %dma_start3A_533 = arith.constant 0 : i32
    %dma_start3A_534 = tpu.memref_slice %arg5[%mul3A_498, %dma_start3A_533] : memref<500000x128xf32, #tpu.memory_space<hbm>> -> memref<128x128xf32, #tpu.memory_space<hbm>>
    %dma_start3A_535 = arith.constant 0 : i32
    %dma_start3A_536 = arith.constant 0 : i32
    %dma_start3A_537 = tpu.memref_slice %arg9[%dma_start3A_523, %dma_start3A_535, %dma_start3A_536] : memref<6x128x128xf32, #tpu.memory_space<vmem>> -> memref<1x128x128xf32, #tpu.memory_space<vmem>>
    %dma_start3A_538 = tpu.memref_squeeze %dma_start3A_537 : memref<1x128x128xf32, #tpu.memory_space<vmem>> -> memref<128x128xf32, #tpu.memory_space<vmem>>
    tpu.enqueue_dma source(%dma_start3A_538 : memref<128x128xf32, #tpu.memory_space<vmem>>) target(%dma_start3A_534 : memref<128x128xf32, #tpu.memory_space<hbm>>) target_semaphore(%dma_start3A_532 : memref<!tpu.dma_semaphore, #tpu.memory_space<semaphore_mem>>)
    %dma_start3A_539 = arith.constant 4 : i32
    %dma_start3A_540 = arith.constant 4 : i32
    %dma_start3A_541 = arith.constant 0 : i32
    %dma_start3A_542 = tpu.memref_slice %arg10[%dma_start3A_539, %dma_start3A_541] : memref<6x128xi32, #tpu.memory_space<vmem>> -> memref<1x128xi32, #tpu.memory_space<vmem>>
    %dma_start3A_543 = tpu.memref_squeeze %dma_start3A_542 : memref<1x128xi32, #tpu.memory_space<vmem>> -> memref<128xi32, #tpu.memory_space<vmem>>
    %dma_start3A_544 = tpu.memref_slice %arg6[%mul3A_498] : memref<500000xi32, #tpu.memory_space<hbm>> -> memref<128xi32, #tpu.memory_space<hbm>>
    %dma_start3A_545 = tpu.memref_slice %arg17[%dma_start3A_540] : memref<6x!tpu.dma_semaphore, #tpu.memory_space<semaphore_mem>> -> memref<1x!tpu.dma_semaphore, #tpu.memory_space<semaphore_mem>>
    %dma_start3A_546 = tpu.memref_squeeze %dma_start3A_545 : memref<1x!tpu.dma_semaphore, #tpu.memory_space<semaphore_mem>> -> memref<!tpu.dma_semaphore, #tpu.memory_space<semaphore_mem>>
    %dma_start3A_547 = tpu.memref_slice %arg6[%mul3A_498] : memref<500000xi32, #tpu.memory_space<hbm>> -> memref<128xi32, #tpu.memory_space<hbm>>
    %dma_start3A_548 = arith.constant 0 : i32
    %dma_start3A_549 = tpu.memref_slice %arg10[%dma_start3A_539, %dma_start3A_548] : memref<6x128xi32, #tpu.memory_space<vmem>> -> memref<1x128xi32, #tpu.memory_space<vmem>>
    %dma_start3A_550 = tpu.memref_squeeze %dma_start3A_549 : memref<1x128xi32, #tpu.memory_space<vmem>> -> memref<128xi32, #tpu.memory_space<vmem>>
    tpu.enqueue_dma source(%dma_start3A_550 : memref<128xi32, #tpu.memory_space<vmem>>) target(%dma_start3A_547 : memref<128xi32, #tpu.memory_space<hbm>>) target_semaphore(%dma_start3A_546 : memref<!tpu.dma_semaphore, #tpu.memory_space<semaphore_mem>>)
    %add3A_551 = arith.constant 119 : i32
    %add3A_552 = arith.addi %mul3A_2, %add3A_551 : i32
    %mul3A_553 = arith.constant 128 : i32
    %mul3A_554 = arith.muli %add3A_552, %mul3A_553 : i32
    %dma_wait3A_555 = arith.constant 5 : i32
    %dma_wait3A_556 = arith.constant 5 : i32
    %dma_wait3A_557 = arith.constant 0 : i32
    %dma_wait3A_558 = arith.constant 0 : i32
    %dma_wait3A_559 = tpu.memref_slice %arg9[%dma_wait3A_555, %dma_wait3A_557, %dma_wait3A_558] : memref<6x128x128xf32, #tpu.memory_space<vmem>> -> memref<1x128x128xf32, #tpu.memory_space<vmem>>
    %dma_wait3A_560 = tpu.memref_squeeze %dma_wait3A_559 : memref<1x128x128xf32, #tpu.memory_space<vmem>> -> memref<128x128xf32, #tpu.memory_space<vmem>>
    %dma_wait3A_561 = arith.constant 15232 : i32
    %dma_wait3A_562 = tpu.memref_slice %arg8[%dma_wait3A_561] : memref<15616xi32, #tpu.memory_space<vmem>> -> memref<128xi32, #tpu.memory_space<vmem>>
    %dma_wait3A_563 = arith.constant 0 : i32
    %dma_wait3A_564 = arith.constant 0 : i32
    %dma_wait3A_565 = tpu.memref_slice %arg2[%dma_wait3A_563, %dma_wait3A_564] : memref<100000x128xf32, #tpu.memory_space<hbm>> -> memref<100000x128xf32, #tpu.memory_space<hbm>>
    %dma_wait3A_566 = tpu.memref_slice %arg14[%dma_wait3A_556] : memref<6x!tpu.dma_semaphore, #tpu.memory_space<semaphore_mem>> -> memref<1x!tpu.dma_semaphore, #tpu.memory_space<semaphore_mem>>
    %dma_wait3A_567 = tpu.memref_squeeze %dma_wait3A_566 : memref<1x!tpu.dma_semaphore, #tpu.memory_space<semaphore_mem>> -> memref<!tpu.dma_semaphore, #tpu.memory_space<semaphore_mem>>
    tpu.wait_indirect_dma semaphore(%dma_wait3A_567 : memref<!tpu.dma_semaphore, #tpu.memory_space<semaphore_mem>>) src(%dma_wait3A_565 : memref<100000x128xf32, #tpu.memory_space<hbm>>) dst(%dma_wait3A_560 : memref<128x128xf32, #tpu.memory_space<vmem>>)
    %dma_wait3A_568 = arith.constant 5 : i32
    %dma_wait3A_569 = arith.constant 5 : i32
    %dma_wait3A_570 = arith.constant 0 : i32
    %dma_wait3A_571 = tpu.memref_slice %arg10[%dma_wait3A_568, %dma_wait3A_570] : memref<6x128xi32, #tpu.memory_space<vmem>> -> memref<1x128xi32, #tpu.memory_space<vmem>>
    %dma_wait3A_572 = tpu.memref_squeeze %dma_wait3A_571 : memref<1x128xi32, #tpu.memory_space<vmem>> -> memref<128xi32, #tpu.memory_space<vmem>>
    %dma_wait3A_573 = arith.constant 15232 : i32
    %dma_wait3A_574 = tpu.memref_slice %arg8[%dma_wait3A_573] : memref<15616xi32, #tpu.memory_space<vmem>> -> memref<128xi32, #tpu.memory_space<vmem>>
    %dma_wait3A_575 = arith.constant 0 : i32
    %dma_wait3A_576 = tpu.memref_slice %arg7[%dma_wait3A_575] : memref<100000xi32, #tpu.memory_space<vmem_shared>> -> memref<100000xi32, #tpu.memory_space<vmem_shared>>
    %dma_wait3A_577 = tpu.memref_slice %arg15[%dma_wait3A_569] : memref<6x!tpu.dma_semaphore, #tpu.memory_space<semaphore_mem>> -> memref<1x!tpu.dma_semaphore, #tpu.memory_space<semaphore_mem>>
    %dma_wait3A_578 = tpu.memref_squeeze %dma_wait3A_577 : memref<1x!tpu.dma_semaphore, #tpu.memory_space<semaphore_mem>> -> memref<!tpu.dma_semaphore, #tpu.memory_space<semaphore_mem>>
    tpu.wait_indirect_dma semaphore(%dma_wait3A_578 : memref<!tpu.dma_semaphore, #tpu.memory_space<semaphore_mem>>) src(%dma_wait3A_576 : memref<100000xi32, #tpu.memory_space<vmem_shared>>) dst(%dma_wait3A_572 : memref<128xi32, #tpu.memory_space<vmem>>)
    %dma_start3A_579 = arith.constant 5 : i32
    %dma_start3A_580 = arith.constant 5 : i32
    %dma_start3A_581 = arith.constant 0 : i32
    %dma_start3A_582 = arith.constant 0 : i32
    %dma_start3A_583 = tpu.memref_slice %arg9[%dma_start3A_579, %dma_start3A_581, %dma_start3A_582] : memref<6x128x128xf32, #tpu.memory_space<vmem>> -> memref<1x128x128xf32, #tpu.memory_space<vmem>>
    %dma_start3A_584 = tpu.memref_squeeze %dma_start3A_583 : memref<1x128x128xf32, #tpu.memory_space<vmem>> -> memref<128x128xf32, #tpu.memory_space<vmem>>
    %dma_start3A_585 = arith.constant 0 : i32
    %dma_start3A_586 = tpu.memref_slice %arg5[%mul3A_554, %dma_start3A_585] : memref<500000x128xf32, #tpu.memory_space<hbm>> -> memref<128x128xf32, #tpu.memory_space<hbm>>
    %dma_start3A_587 = tpu.memref_slice %arg16[%dma_start3A_580] : memref<6x!tpu.dma_semaphore, #tpu.memory_space<semaphore_mem>> -> memref<1x!tpu.dma_semaphore, #tpu.memory_space<semaphore_mem>>
    %dma_start3A_588 = tpu.memref_squeeze %dma_start3A_587 : memref<1x!tpu.dma_semaphore, #tpu.memory_space<semaphore_mem>> -> memref<!tpu.dma_semaphore, #tpu.memory_space<semaphore_mem>>
    %dma_start3A_589 = arith.constant 0 : i32
    %dma_start3A_590 = tpu.memref_slice %arg5[%mul3A_554, %dma_start3A_589] : memref<500000x128xf32, #tpu.memory_space<hbm>> -> memref<128x128xf32, #tpu.memory_space<hbm>>
    %dma_start3A_591 = arith.constant 0 : i32
    %dma_start3A_592 = arith.constant 0 : i32
    %dma_start3A_593 = tpu.memref_slice %arg9[%dma_start3A_579, %dma_start3A_591, %dma_start3A_592] : memref<6x128x128xf32, #tpu.memory_space<vmem>> -> memref<1x128x128xf32, #tpu.memory_space<vmem>>
    %dma_start3A_594 = tpu.memref_squeeze %dma_start3A_593 : memref<1x128x128xf32, #tpu.memory_space<vmem>> -> memref<128x128xf32, #tpu.memory_space<vmem>>
    tpu.enqueue_dma source(%dma_start3A_594 : memref<128x128xf32, #tpu.memory_space<vmem>>) target(%dma_start3A_590 : memref<128x128xf32, #tpu.memory_space<hbm>>) target_semaphore(%dma_start3A_588 : memref<!tpu.dma_semaphore, #tpu.memory_space<semaphore_mem>>)
    %dma_start3A_595 = arith.constant 5 : i32
    %dma_start3A_596 = arith.constant 5 : i32
    %dma_start3A_597 = arith.constant 0 : i32
    %dma_start3A_598 = tpu.memref_slice %arg10[%dma_start3A_595, %dma_start3A_597] : memref<6x128xi32, #tpu.memory_space<vmem>> -> memref<1x128xi32, #tpu.memory_space<vmem>>
    %dma_start3A_599 = tpu.memref_squeeze %dma_start3A_598 : memref<1x128xi32, #tpu.memory_space<vmem>> -> memref<128xi32, #tpu.memory_space<vmem>>
    %dma_start3A_600 = tpu.memref_slice %arg6[%mul3A_554] : memref<500000xi32, #tpu.memory_space<hbm>> -> memref<128xi32, #tpu.memory_space<hbm>>
    %dma_start3A_601 = tpu.memref_slice %arg17[%dma_start3A_596] : memref<6x!tpu.dma_semaphore, #tpu.memory_space<semaphore_mem>> -> memref<1x!tpu.dma_semaphore, #tpu.memory_space<semaphore_mem>>
    %dma_start3A_602 = tpu.memref_squeeze %dma_start3A_601 : memref<1x!tpu.dma_semaphore, #tpu.memory_space<semaphore_mem>> -> memref<!tpu.dma_semaphore, #tpu.memory_space<semaphore_mem>>
    %dma_start3A_603 = tpu.memref_slice %arg6[%mul3A_554] : memref<500000xi32, #tpu.memory_space<hbm>> -> memref<128xi32, #tpu.memory_space<hbm>>
    %dma_start3A_604 = arith.constant 0 : i32
    %dma_start3A_605 = tpu.memref_slice %arg10[%dma_start3A_595, %dma_start3A_604] : memref<6x128xi32, #tpu.memory_space<vmem>> -> memref<1x128xi32, #tpu.memory_space<vmem>>
    %dma_start3A_606 = tpu.memref_squeeze %dma_start3A_605 : memref<1x128xi32, #tpu.memory_space<vmem>> -> memref<128xi32, #tpu.memory_space<vmem>>
    tpu.enqueue_dma source(%dma_start3A_606 : memref<128xi32, #tpu.memory_space<vmem>>) target(%dma_start3A_603 : memref<128xi32, #tpu.memory_space<hbm>>) target_semaphore(%dma_start3A_602 : memref<!tpu.dma_semaphore, #tpu.memory_space<semaphore_mem>>)
    %add3A_607 = arith.constant 120 : i32
    %add3A_608 = arith.addi %mul3A_2, %add3A_607 : i32
    %mul3A_609 = arith.constant 128 : i32
    %mul3A_610 = arith.muli %add3A_608, %mul3A_609 : i32
    %dma_wait3A_611 = arith.constant 0 : i32
    %dma_wait3A_612 = arith.constant 0 : i32
    %dma_wait3A_613 = arith.constant 0 : i32
    %dma_wait3A_614 = arith.constant 0 : i32
    %dma_wait3A_615 = tpu.memref_slice %arg9[%dma_wait3A_611, %dma_wait3A_613, %dma_wait3A_614] : memref<6x128x128xf32, #tpu.memory_space<vmem>> -> memref<1x128x128xf32, #tpu.memory_space<vmem>>
    %dma_wait3A_616 = tpu.memref_squeeze %dma_wait3A_615 : memref<1x128x128xf32, #tpu.memory_space<vmem>> -> memref<128x128xf32, #tpu.memory_space<vmem>>
    %dma_wait3A_617 = arith.constant 15360 : i32
    %dma_wait3A_618 = tpu.memref_slice %arg8[%dma_wait3A_617] : memref<15616xi32, #tpu.memory_space<vmem>> -> memref<128xi32, #tpu.memory_space<vmem>>
    %dma_wait3A_619 = arith.constant 0 : i32
    %dma_wait3A_620 = arith.constant 0 : i32
    %dma_wait3A_621 = tpu.memref_slice %arg2[%dma_wait3A_619, %dma_wait3A_620] : memref<100000x128xf32, #tpu.memory_space<hbm>> -> memref<100000x128xf32, #tpu.memory_space<hbm>>
    %dma_wait3A_622 = tpu.memref_slice %arg14[%dma_wait3A_612] : memref<6x!tpu.dma_semaphore, #tpu.memory_space<semaphore_mem>> -> memref<1x!tpu.dma_semaphore, #tpu.memory_space<semaphore_mem>>
    %dma_wait3A_623 = tpu.memref_squeeze %dma_wait3A_622 : memref<1x!tpu.dma_semaphore, #tpu.memory_space<semaphore_mem>> -> memref<!tpu.dma_semaphore, #tpu.memory_space<semaphore_mem>>
    tpu.wait_indirect_dma semaphore(%dma_wait3A_623 : memref<!tpu.dma_semaphore, #tpu.memory_space<semaphore_mem>>) src(%dma_wait3A_621 : memref<100000x128xf32, #tpu.memory_space<hbm>>) dst(%dma_wait3A_616 : memref<128x128xf32, #tpu.memory_space<vmem>>)
    %dma_wait3A_624 = arith.constant 0 : i32
    %dma_wait3A_625 = arith.constant 0 : i32
    %dma_wait3A_626 = arith.constant 0 : i32
    %dma_wait3A_627 = tpu.memref_slice %arg10[%dma_wait3A_624, %dma_wait3A_626] : memref<6x128xi32, #tpu.memory_space<vmem>> -> memref<1x128xi32, #tpu.memory_space<vmem>>
    %dma_wait3A_628 = tpu.memref_squeeze %dma_wait3A_627 : memref<1x128xi32, #tpu.memory_space<vmem>> -> memref<128xi32, #tpu.memory_space<vmem>>
    %dma_wait3A_629 = arith.constant 15360 : i32
    %dma_wait3A_630 = tpu.memref_slice %arg8[%dma_wait3A_629] : memref<15616xi32, #tpu.memory_space<vmem>> -> memref<128xi32, #tpu.memory_space<vmem>>
    %dma_wait3A_631 = arith.constant 0 : i32
    %dma_wait3A_632 = tpu.memref_slice %arg7[%dma_wait3A_631] : memref<100000xi32, #tpu.memory_space<vmem_shared>> -> memref<100000xi32, #tpu.memory_space<vmem_shared>>
    %dma_wait3A_633 = tpu.memref_slice %arg15[%dma_wait3A_625] : memref<6x!tpu.dma_semaphore, #tpu.memory_space<semaphore_mem>> -> memref<1x!tpu.dma_semaphore, #tpu.memory_space<semaphore_mem>>
    %dma_wait3A_634 = tpu.memref_squeeze %dma_wait3A_633 : memref<1x!tpu.dma_semaphore, #tpu.memory_space<semaphore_mem>> -> memref<!tpu.dma_semaphore, #tpu.memory_space<semaphore_mem>>
    tpu.wait_indirect_dma semaphore(%dma_wait3A_634 : memref<!tpu.dma_semaphore, #tpu.memory_space<semaphore_mem>>) src(%dma_wait3A_632 : memref<100000xi32, #tpu.memory_space<vmem_shared>>) dst(%dma_wait3A_628 : memref<128xi32, #tpu.memory_space<vmem>>)
    %dma_start3A_635 = arith.constant 0 : i32
    %dma_start3A_636 = arith.constant 0 : i32
    %dma_start3A_637 = arith.constant 0 : i32
    %dma_start3A_638 = arith.constant 0 : i32
    %dma_start3A_639 = tpu.memref_slice %arg9[%dma_start3A_635, %dma_start3A_637, %dma_start3A_638] : memref<6x128x128xf32, #tpu.memory_space<vmem>> -> memref<1x128x128xf32, #tpu.memory_space<vmem>>
    %dma_start3A_640 = tpu.memref_squeeze %dma_start3A_639 : memref<1x128x128xf32, #tpu.memory_space<vmem>> -> memref<128x128xf32, #tpu.memory_space<vmem>>
    %dma_start3A_641 = arith.constant 0 : i32
    %dma_start3A_642 = tpu.memref_slice %arg5[%mul3A_610, %dma_start3A_641] : memref<500000x128xf32, #tpu.memory_space<hbm>> -> memref<128x128xf32, #tpu.memory_space<hbm>>
    %dma_start3A_643 = tpu.memref_slice %arg16[%dma_start3A_636] : memref<6x!tpu.dma_semaphore, #tpu.memory_space<semaphore_mem>> -> memref<1x!tpu.dma_semaphore, #tpu.memory_space<semaphore_mem>>
    %dma_start3A_644 = tpu.memref_squeeze %dma_start3A_643 : memref<1x!tpu.dma_semaphore, #tpu.memory_space<semaphore_mem>> -> memref<!tpu.dma_semaphore, #tpu.memory_space<semaphore_mem>>
    %dma_start3A_645 = arith.constant 0 : i32
    %dma_start3A_646 = tpu.memref_slice %arg5[%mul3A_610, %dma_start3A_645] : memref<500000x128xf32, #tpu.memory_space<hbm>> -> memref<128x128xf32, #tpu.memory_space<hbm>>
    %dma_start3A_647 = arith.constant 0 : i32
    %dma_start3A_648 = arith.constant 0 : i32
    %dma_start3A_649 = tpu.memref_slice %arg9[%dma_start3A_635, %dma_start3A_647, %dma_start3A_648] : memref<6x128x128xf32, #tpu.memory_space<vmem>> -> memref<1x128x128xf32, #tpu.memory_space<vmem>>
    %dma_start3A_650 = tpu.memref_squeeze %dma_start3A_649 : memref<1x128x128xf32, #tpu.memory_space<vmem>> -> memref<128x128xf32, #tpu.memory_space<vmem>>
    tpu.enqueue_dma source(%dma_start3A_650 : memref<128x128xf32, #tpu.memory_space<vmem>>) target(%dma_start3A_646 : memref<128x128xf32, #tpu.memory_space<hbm>>) target_semaphore(%dma_start3A_644 : memref<!tpu.dma_semaphore, #tpu.memory_space<semaphore_mem>>)
    %dma_start3A_651 = arith.constant 0 : i32
    %dma_start3A_652 = arith.constant 0 : i32
    %dma_start3A_653 = arith.constant 0 : i32
    %dma_start3A_654 = tpu.memref_slice %arg10[%dma_start3A_651, %dma_start3A_653] : memref<6x128xi32, #tpu.memory_space<vmem>> -> memref<1x128xi32, #tpu.memory_space<vmem>>
    %dma_start3A_655 = tpu.memref_squeeze %dma_start3A_654 : memref<1x128xi32, #tpu.memory_space<vmem>> -> memref<128xi32, #tpu.memory_space<vmem>>
    %dma_start3A_656 = tpu.memref_slice %arg6[%mul3A_610] : memref<500000xi32, #tpu.memory_space<hbm>> -> memref<128xi32, #tpu.memory_space<hbm>>
    %dma_start3A_657 = tpu.memref_slice %arg17[%dma_start3A_652] : memref<6x!tpu.dma_semaphore, #tpu.memory_space<semaphore_mem>> -> memref<1x!tpu.dma_semaphore, #tpu.memory_space<semaphore_mem>>
    %dma_start3A_658 = tpu.memref_squeeze %dma_start3A_657 : memref<1x!tpu.dma_semaphore, #tpu.memory_space<semaphore_mem>> -> memref<!tpu.dma_semaphore, #tpu.memory_space<semaphore_mem>>
    %dma_start3A_659 = tpu.memref_slice %arg6[%mul3A_610] : memref<500000xi32, #tpu.memory_space<hbm>> -> memref<128xi32, #tpu.memory_space<hbm>>
    %dma_start3A_660 = arith.constant 0 : i32
    %dma_start3A_661 = tpu.memref_slice %arg10[%dma_start3A_651, %dma_start3A_660] : memref<6x128xi32, #tpu.memory_space<vmem>> -> memref<1x128xi32, #tpu.memory_space<vmem>>
    %dma_start3A_662 = tpu.memref_squeeze %dma_start3A_661 : memref<1x128xi32, #tpu.memory_space<vmem>> -> memref<128xi32, #tpu.memory_space<vmem>>
    tpu.enqueue_dma source(%dma_start3A_662 : memref<128xi32, #tpu.memory_space<vmem>>) target(%dma_start3A_659 : memref<128xi32, #tpu.memory_space<hbm>>) target_semaphore(%dma_start3A_658 : memref<!tpu.dma_semaphore, #tpu.memory_space<semaphore_mem>>)
    %add3A_663 = arith.constant 121 : i32
    %add3A_664 = arith.addi %mul3A_2, %add3A_663 : i32
    %mul3A_665 = arith.constant 128 : i32
    %mul3A_666 = arith.muli %add3A_664, %mul3A_665 : i32
    %dma_wait3A_667 = arith.constant 1 : i32
    %dma_wait3A_668 = arith.constant 1 : i32
    %dma_wait3A_669 = arith.constant 0 : i32
    %dma_wait3A_670 = arith.constant 0 : i32
    %dma_wait3A_671 = tpu.memref_slice %arg9[%dma_wait3A_667, %dma_wait3A_669, %dma_wait3A_670] : memref<6x128x128xf32, #tpu.memory_space<vmem>> -> memref<1x128x128xf32, #tpu.memory_space<vmem>>
    %dma_wait3A_672 = tpu.memref_squeeze %dma_wait3A_671 : memref<1x128x128xf32, #tpu.memory_space<vmem>> -> memref<128x128xf32, #tpu.memory_space<vmem>>
    %dma_wait3A_673 = arith.constant 15488 : i32
    %dma_wait3A_674 = tpu.memref_slice %arg8[%dma_wait3A_673] : memref<15616xi32, #tpu.memory_space<vmem>> -> memref<128xi32, #tpu.memory_space<vmem>>
    %dma_wait3A_675 = arith.constant 0 : i32
    %dma_wait3A_676 = arith.constant 0 : i32
    %dma_wait3A_677 = tpu.memref_slice %arg2[%dma_wait3A_675, %dma_wait3A_676] : memref<100000x128xf32, #tpu.memory_space<hbm>> -> memref<100000x128xf32, #tpu.memory_space<hbm>>
    %dma_wait3A_678 = tpu.memref_slice %arg14[%dma_wait3A_668] : memref<6x!tpu.dma_semaphore, #tpu.memory_space<semaphore_mem>> -> memref<1x!tpu.dma_semaphore, #tpu.memory_space<semaphore_mem>>
    %dma_wait3A_679 = tpu.memref_squeeze %dma_wait3A_678 : memref<1x!tpu.dma_semaphore, #tpu.memory_space<semaphore_mem>> -> memref<!tpu.dma_semaphore, #tpu.memory_space<semaphore_mem>>
    tpu.wait_indirect_dma semaphore(%dma_wait3A_679 : memref<!tpu.dma_semaphore, #tpu.memory_space<semaphore_mem>>) src(%dma_wait3A_677 : memref<100000x128xf32, #tpu.memory_space<hbm>>) dst(%dma_wait3A_672 : memref<128x128xf32, #tpu.memory_space<vmem>>)
    %dma_wait3A_680 = arith.constant 1 : i32
    %dma_wait3A_681 = arith.constant 1 : i32
    %dma_wait3A_682 = arith.constant 0 : i32
    %dma_wait3A_683 = tpu.memref_slice %arg10[%dma_wait3A_680, %dma_wait3A_682] : memref<6x128xi32, #tpu.memory_space<vmem>> -> memref<1x128xi32, #tpu.memory_space<vmem>>
    %dma_wait3A_684 = tpu.memref_squeeze %dma_wait3A_683 : memref<1x128xi32, #tpu.memory_space<vmem>> -> memref<128xi32, #tpu.memory_space<vmem>>
    %dma_wait3A_685 = arith.constant 15488 : i32
    %dma_wait3A_686 = tpu.memref_slice %arg8[%dma_wait3A_685] : memref<15616xi32, #tpu.memory_space<vmem>> -> memref<128xi32, #tpu.memory_space<vmem>>
    %dma_wait3A_687 = arith.constant 0 : i32
    %dma_wait3A_688 = tpu.memref_slice %arg7[%dma_wait3A_687] : memref<100000xi32, #tpu.memory_space<vmem_shared>> -> memref<100000xi32, #tpu.memory_space<vmem_shared>>
    %dma_wait3A_689 = tpu.memref_slice %arg15[%dma_wait3A_681] : memref<6x!tpu.dma_semaphore, #tpu.memory_space<semaphore_mem>> -> memref<1x!tpu.dma_semaphore, #tpu.memory_space<semaphore_mem>>
    %dma_wait3A_690 = tpu.memref_squeeze %dma_wait3A_689 : memref<1x!tpu.dma_semaphore, #tpu.memory_space<semaphore_mem>> -> memref<!tpu.dma_semaphore, #tpu.memory_space<semaphore_mem>>
    tpu.wait_indirect_dma semaphore(%dma_wait3A_690 : memref<!tpu.dma_semaphore, #tpu.memory_space<semaphore_mem>>) src(%dma_wait3A_688 : memref<100000xi32, #tpu.memory_space<vmem_shared>>) dst(%dma_wait3A_684 : memref<128xi32, #tpu.memory_space<vmem>>)
    %dma_start3A_691 = arith.constant 1 : i32
    %dma_start3A_692 = arith.constant 1 : i32
    %dma_start3A_693 = arith.constant 0 : i32
    %dma_start3A_694 = arith.constant 0 : i32
    %dma_start3A_695 = tpu.memref_slice %arg9[%dma_start3A_691, %dma_start3A_693, %dma_start3A_694] : memref<6x128x128xf32, #tpu.memory_space<vmem>> -> memref<1x128x128xf32, #tpu.memory_space<vmem>>
    %dma_start3A_696 = tpu.memref_squeeze %dma_start3A_695 : memref<1x128x128xf32, #tpu.memory_space<vmem>> -> memref<128x128xf32, #tpu.memory_space<vmem>>
    %dma_start3A_697 = arith.constant 0 : i32
    %dma_start3A_698 = tpu.memref_slice %arg5[%mul3A_666, %dma_start3A_697] : memref<500000x128xf32, #tpu.memory_space<hbm>> -> memref<128x128xf32, #tpu.memory_space<hbm>>
    %dma_start3A_699 = tpu.memref_slice %arg16[%dma_start3A_692] : memref<6x!tpu.dma_semaphore, #tpu.memory_space<semaphore_mem>> -> memref<1x!tpu.dma_semaphore, #tpu.memory_space<semaphore_mem>>
    %dma_start3A_700 = tpu.memref_squeeze %dma_start3A_699 : memref<1x!tpu.dma_semaphore, #tpu.memory_space<semaphore_mem>> -> memref<!tpu.dma_semaphore, #tpu.memory_space<semaphore_mem>>
    %dma_start3A_701 = arith.constant 0 : i32
    %dma_start3A_702 = tpu.memref_slice %arg5[%mul3A_666, %dma_start3A_701] : memref<500000x128xf32, #tpu.memory_space<hbm>> -> memref<128x128xf32, #tpu.memory_space<hbm>>
    %dma_start3A_703 = arith.constant 0 : i32
    %dma_start3A_704 = arith.constant 0 : i32
    %dma_start3A_705 = tpu.memref_slice %arg9[%dma_start3A_691, %dma_start3A_703, %dma_start3A_704] : memref<6x128x128xf32, #tpu.memory_space<vmem>> -> memref<1x128x128xf32, #tpu.memory_space<vmem>>
    %dma_start3A_706 = tpu.memref_squeeze %dma_start3A_705 : memref<1x128x128xf32, #tpu.memory_space<vmem>> -> memref<128x128xf32, #tpu.memory_space<vmem>>
    tpu.enqueue_dma source(%dma_start3A_706 : memref<128x128xf32, #tpu.memory_space<vmem>>) target(%dma_start3A_702 : memref<128x128xf32, #tpu.memory_space<hbm>>) target_semaphore(%dma_start3A_700 : memref<!tpu.dma_semaphore, #tpu.memory_space<semaphore_mem>>)
    %dma_start3A_707 = arith.constant 1 : i32
    %dma_start3A_708 = arith.constant 1 : i32
    %dma_start3A_709 = arith.constant 0 : i32
    %dma_start3A_710 = tpu.memref_slice %arg10[%dma_start3A_707, %dma_start3A_709] : memref<6x128xi32, #tpu.memory_space<vmem>> -> memref<1x128xi32, #tpu.memory_space<vmem>>
    %dma_start3A_711 = tpu.memref_squeeze %dma_start3A_710 : memref<1x128xi32, #tpu.memory_space<vmem>> -> memref<128xi32, #tpu.memory_space<vmem>>
    %dma_start3A_712 = tpu.memref_slice %arg6[%mul3A_666] : memref<500000xi32, #tpu.memory_space<hbm>> -> memref<128xi32, #tpu.memory_space<hbm>>
    %dma_start3A_713 = tpu.memref_slice %arg17[%dma_start3A_708] : memref<6x!tpu.dma_semaphore, #tpu.memory_space<semaphore_mem>> -> memref<1x!tpu.dma_semaphore, #tpu.memory_space<semaphore_mem>>
    %dma_start3A_714 = tpu.memref_squeeze %dma_start3A_713 : memref<1x!tpu.dma_semaphore, #tpu.memory_space<semaphore_mem>> -> memref<!tpu.dma_semaphore, #tpu.memory_space<semaphore_mem>>
    %dma_start3A_715 = tpu.memref_slice %arg6[%mul3A_666] : memref<500000xi32, #tpu.memory_space<hbm>> -> memref<128xi32, #tpu.memory_space<hbm>>
    %dma_start3A_716 = arith.constant 0 : i32
    %dma_start3A_717 = tpu.memref_slice %arg10[%dma_start3A_707, %dma_start3A_716] : memref<6x128xi32, #tpu.memory_space<vmem>> -> memref<1x128xi32, #tpu.memory_space<vmem>>
    %dma_start3A_718 = tpu.memref_squeeze %dma_start3A_717 : memref<1x128xi32, #tpu.memory_space<vmem>> -> memref<128xi32, #tpu.memory_space<vmem>>
    tpu.enqueue_dma source(%dma_start3A_718 : memref<128xi32, #tpu.memory_space<vmem>>) target(%dma_start3A_715 : memref<128xi32, #tpu.memory_space<hbm>>) target_semaphore(%dma_start3A_714 : memref<!tpu.dma_semaphore, #tpu.memory_space<semaphore_mem>>)
    %dma_wait3A_719 = arith.constant 0 : i32
    %dma_wait3A_720 = arith.constant 0 : i32
    %dma_wait3A_721 = arith.constant 0 : i32
    %dma_wait3A_722 = arith.constant 0 : i32
    %dma_wait3A_723 = tpu.memref_slice %arg9[%dma_wait3A_719, %dma_wait3A_721, %dma_wait3A_722] : memref<6x128x128xf32, #tpu.memory_space<vmem>> -> memref<1x128x128xf32, #tpu.memory_space<vmem>>
    %dma_wait3A_724 = tpu.memref_squeeze %dma_wait3A_723 : memref<1x128x128xf32, #tpu.memory_space<vmem>> -> memref<128x128xf32, #tpu.memory_space<vmem>>
    %dma_wait3A_725 = arith.constant 0 : i32
    %dma_wait3A_726 = arith.constant 0 : i32
    %dma_wait3A_727 = tpu.memref_slice %arg5[%dma_wait3A_725, %dma_wait3A_726] : memref<500000x128xf32, #tpu.memory_space<hbm>> -> memref<128x128xf32, #tpu.memory_space<hbm>>
    %dma_wait3A_728 = tpu.memref_slice %arg16[%dma_wait3A_720] : memref<6x!tpu.dma_semaphore, #tpu.memory_space<semaphore_mem>> -> memref<1x!tpu.dma_semaphore, #tpu.memory_space<semaphore_mem>>
    %dma_wait3A_729 = tpu.memref_squeeze %dma_wait3A_728 : memref<1x!tpu.dma_semaphore, #tpu.memory_space<semaphore_mem>> -> memref<!tpu.dma_semaphore, #tpu.memory_space<semaphore_mem>>
    %dma_wait3A_730 = arith.constant 0 : i32
    %dma_wait3A_731 = arith.constant 0 : i32
    %dma_wait3A_732 = tpu.memref_slice %arg5[%dma_wait3A_730, %dma_wait3A_731] : memref<500000x128xf32, #tpu.memory_space<hbm>> -> memref<128x128xf32, #tpu.memory_space<hbm>>
    %dma_wait3A_733 = arith.constant 0 : i32
    %dma_wait3A_734 = arith.constant 0 : i32
    %dma_wait3A_735 = tpu.memref_slice %arg9[%dma_wait3A_719, %dma_wait3A_733, %dma_wait3A_734] : memref<6x128x128xf32, #tpu.memory_space<vmem>> -> memref<1x128x128xf32, #tpu.memory_space<vmem>>
    %dma_wait3A_736 = tpu.memref_squeeze %dma_wait3A_735 : memref<1x128x128xf32, #tpu.memory_space<vmem>> -> memref<128x128xf32, #tpu.memory_space<vmem>>
    tpu.wait_dma2 semaphore(%dma_wait3A_729 : memref<!tpu.dma_semaphore, #tpu.memory_space<semaphore_mem>>) src(%dma_wait3A_736 : memref<128x128xf32, #tpu.memory_space<vmem>>) dst(%dma_wait3A_732 : memref<128x128xf32, #tpu.memory_space<hbm>>)
    %dma_wait3A_737 = arith.constant 0 : i32
    %dma_wait3A_738 = arith.constant 0 : i32
    %dma_wait3A_739 = arith.constant 0 : i32
    %dma_wait3A_740 = tpu.memref_slice %arg10[%dma_wait3A_737, %dma_wait3A_739] : memref<6x128xi32, #tpu.memory_space<vmem>> -> memref<1x128xi32, #tpu.memory_space<vmem>>
    %dma_wait3A_741 = tpu.memref_squeeze %dma_wait3A_740 : memref<1x128xi32, #tpu.memory_space<vmem>> -> memref<128xi32, #tpu.memory_space<vmem>>
    %dma_wait3A_742 = arith.constant 0 : i32
    %dma_wait3A_743 = tpu.memref_slice %arg6[%dma_wait3A_742] : memref<500000xi32, #tpu.memory_space<hbm>> -> memref<128xi32, #tpu.memory_space<hbm>>
    %dma_wait3A_744 = tpu.memref_slice %arg17[%dma_wait3A_738] : memref<6x!tpu.dma_semaphore, #tpu.memory_space<semaphore_mem>> -> memref<1x!tpu.dma_semaphore, #tpu.memory_space<semaphore_mem>>
    %dma_wait3A_745 = tpu.memref_squeeze %dma_wait3A_744 : memref<1x!tpu.dma_semaphore, #tpu.memory_space<semaphore_mem>> -> memref<!tpu.dma_semaphore, #tpu.memory_space<semaphore_mem>>
    %dma_wait3A_746 = arith.constant 0 : i32
    %dma_wait3A_747 = tpu.memref_slice %arg6[%dma_wait3A_746] : memref<500000xi32, #tpu.memory_space<hbm>> -> memref<128xi32, #tpu.memory_space<hbm>>
    %dma_wait3A_748 = arith.constant 0 : i32
    %dma_wait3A_749 = tpu.memref_slice %arg10[%dma_wait3A_737, %dma_wait3A_748] : memref<6x128xi32, #tpu.memory_space<vmem>> -> memref<1x128xi32, #tpu.memory_space<vmem>>
    %dma_wait3A_750 = tpu.memref_squeeze %dma_wait3A_749 : memref<1x128xi32, #tpu.memory_space<vmem>> -> memref<128xi32, #tpu.memory_space<vmem>>
    tpu.wait_dma2 semaphore(%dma_wait3A_745 : memref<!tpu.dma_semaphore, #tpu.memory_space<semaphore_mem>>) src(%dma_wait3A_750 : memref<128xi32, #tpu.memory_space<vmem>>) dst(%dma_wait3A_747 : memref<128xi32, #tpu.memory_space<hbm>>)
    %dma_wait3A_751 = arith.constant 1 : i32
    %dma_wait3A_752 = arith.constant 1 : i32
    %dma_wait3A_753 = arith.constant 0 : i32
    %dma_wait3A_754 = arith.constant 0 : i32
    %dma_wait3A_755 = tpu.memref_slice %arg9[%dma_wait3A_751, %dma_wait3A_753, %dma_wait3A_754] : memref<6x128x128xf32, #tpu.memory_space<vmem>> -> memref<1x128x128xf32, #tpu.memory_space<vmem>>
    %dma_wait3A_756 = tpu.memref_squeeze %dma_wait3A_755 : memref<1x128x128xf32, #tpu.memory_space<vmem>> -> memref<128x128xf32, #tpu.memory_space<vmem>>
    %dma_wait3A_757 = arith.constant 0 : i32
    %dma_wait3A_758 = arith.constant 0 : i32
    %dma_wait3A_759 = tpu.memref_slice %arg5[%dma_wait3A_757, %dma_wait3A_758] : memref<500000x128xf32, #tpu.memory_space<hbm>> -> memref<128x128xf32, #tpu.memory_space<hbm>>
    %dma_wait3A_760 = tpu.memref_slice %arg16[%dma_wait3A_752] : memref<6x!tpu.dma_semaphore, #tpu.memory_space<semaphore_mem>> -> memref<1x!tpu.dma_semaphore, #tpu.memory_space<semaphore_mem>>
    %dma_wait3A_761 = tpu.memref_squeeze %dma_wait3A_760 : memref<1x!tpu.dma_semaphore, #tpu.memory_space<semaphore_mem>> -> memref<!tpu.dma_semaphore, #tpu.memory_space<semaphore_mem>>
    %dma_wait3A_762 = arith.constant 0 : i32
    %dma_wait3A_763 = arith.constant 0 : i32
    %dma_wait3A_764 = tpu.memref_slice %arg5[%dma_wait3A_762, %dma_wait3A_763] : memref<500000x128xf32, #tpu.memory_space<hbm>> -> memref<128x128xf32, #tpu.memory_space<hbm>>
    %dma_wait3A_765 = arith.constant 0 : i32
    %dma_wait3A_766 = arith.constant 0 : i32
    %dma_wait3A_767 = tpu.memref_slice %arg9[%dma_wait3A_751, %dma_wait3A_765, %dma_wait3A_766] : memref<6x128x128xf32, #tpu.memory_space<vmem>> -> memref<1x128x128xf32, #tpu.memory_space<vmem>>
    %dma_wait3A_768 = tpu.memref_squeeze %dma_wait3A_767 : memref<1x128x128xf32, #tpu.memory_space<vmem>> -> memref<128x128xf32, #tpu.memory_space<vmem>>
    tpu.wait_dma2 semaphore(%dma_wait3A_761 : memref<!tpu.dma_semaphore, #tpu.memory_space<semaphore_mem>>) src(%dma_wait3A_768 : memref<128x128xf32, #tpu.memory_space<vmem>>) dst(%dma_wait3A_764 : memref<128x128xf32, #tpu.memory_space<hbm>>)
    %dma_wait3A_769 = arith.constant 1 : i32
    %dma_wait3A_770 = arith.constant 1 : i32
    %dma_wait3A_771 = arith.constant 0 : i32
    %dma_wait3A_772 = tpu.memref_slice %arg10[%dma_wait3A_769, %dma_wait3A_771] : memref<6x128xi32, #tpu.memory_space<vmem>> -> memref<1x128xi32, #tpu.memory_space<vmem>>
    %dma_wait3A_773 = tpu.memref_squeeze %dma_wait3A_772 : memref<1x128xi32, #tpu.memory_space<vmem>> -> memref<128xi32, #tpu.memory_space<vmem>>
    %dma_wait3A_774 = arith.constant 0 : i32
    %dma_wait3A_775 = tpu.memref_slice %arg6[%dma_wait3A_774] : memref<500000xi32, #tpu.memory_space<hbm>> -> memref<128xi32, #tpu.memory_space<hbm>>
    %dma_wait3A_776 = tpu.memref_slice %arg17[%dma_wait3A_770] : memref<6x!tpu.dma_semaphore, #tpu.memory_space<semaphore_mem>> -> memref<1x!tpu.dma_semaphore, #tpu.memory_space<semaphore_mem>>
    %dma_wait3A_777 = tpu.memref_squeeze %dma_wait3A_776 : memref<1x!tpu.dma_semaphore, #tpu.memory_space<semaphore_mem>> -> memref<!tpu.dma_semaphore, #tpu.memory_space<semaphore_mem>>
    %dma_wait3A_778 = arith.constant 0 : i32
    %dma_wait3A_779 = tpu.memref_slice %arg6[%dma_wait3A_778] : memref<500000xi32, #tpu.memory_space<hbm>> -> memref<128xi32, #tpu.memory_space<hbm>>
    %dma_wait3A_780 = arith.constant 0 : i32
    %dma_wait3A_781 = tpu.memref_slice %arg10[%dma_wait3A_769, %dma_wait3A_780] : memref<6x128xi32, #tpu.memory_space<vmem>> -> memref<1x128xi32, #tpu.memory_space<vmem>>
    %dma_wait3A_782 = tpu.memref_squeeze %dma_wait3A_781 : memref<1x128xi32, #tpu.memory_space<vmem>> -> memref<128xi32, #tpu.memory_space<vmem>>
    tpu.wait_dma2 semaphore(%dma_wait3A_777 : memref<!tpu.dma_semaphore, #tpu.memory_space<semaphore_mem>>) src(%dma_wait3A_782 : memref<128xi32, #tpu.memory_space<vmem>>) dst(%dma_wait3A_779 : memref<128xi32, #tpu.memory_space<hbm>>)
    %dma_wait3A_783 = arith.constant 2 : i32
    %dma_wait3A_784 = arith.constant 2 : i32
    %dma_wait3A_785 = arith.constant 0 : i32
    %dma_wait3A_786 = arith.constant 0 : i32
    %dma_wait3A_787 = tpu.memref_slice %arg9[%dma_wait3A_783, %dma_wait3A_785, %dma_wait3A_786] : memref<6x128x128xf32, #tpu.memory_space<vmem>> -> memref<1x128x128xf32, #tpu.memory_space<vmem>>
    %dma_wait3A_788 = tpu.memref_squeeze %dma_wait3A_787 : memref<1x128x128xf32, #tpu.memory_space<vmem>> -> memref<128x128xf32, #tpu.memory_space<vmem>>
    %dma_wait3A_789 = arith.constant 0 : i32
    %dma_wait3A_790 = arith.constant 0 : i32
    %dma_wait3A_791 = tpu.memref_slice %arg5[%dma_wait3A_789, %dma_wait3A_790] : memref<500000x128xf32, #tpu.memory_space<hbm>> -> memref<128x128xf32, #tpu.memory_space<hbm>>
    %dma_wait3A_792 = tpu.memref_slice %arg16[%dma_wait3A_784] : memref<6x!tpu.dma_semaphore, #tpu.memory_space<semaphore_mem>> -> memref<1x!tpu.dma_semaphore, #tpu.memory_space<semaphore_mem>>
    %dma_wait3A_793 = tpu.memref_squeeze %dma_wait3A_792 : memref<1x!tpu.dma_semaphore, #tpu.memory_space<semaphore_mem>> -> memref<!tpu.dma_semaphore, #tpu.memory_space<semaphore_mem>>
    %dma_wait3A_794 = arith.constant 0 : i32
    %dma_wait3A_795 = arith.constant 0 : i32
    %dma_wait3A_796 = tpu.memref_slice %arg5[%dma_wait3A_794, %dma_wait3A_795] : memref<500000x128xf32, #tpu.memory_space<hbm>> -> memref<128x128xf32, #tpu.memory_space<hbm>>
    %dma_wait3A_797 = arith.constant 0 : i32
    %dma_wait3A_798 = arith.constant 0 : i32
    %dma_wait3A_799 = tpu.memref_slice %arg9[%dma_wait3A_783, %dma_wait3A_797, %dma_wait3A_798] : memref<6x128x128xf32, #tpu.memory_space<vmem>> -> memref<1x128x128xf32, #tpu.memory_space<vmem>>
    %dma_wait3A_800 = tpu.memref_squeeze %dma_wait3A_799 : memref<1x128x128xf32, #tpu.memory_space<vmem>> -> memref<128x128xf32, #tpu.memory_space<vmem>>
    tpu.wait_dma2 semaphore(%dma_wait3A_793 : memref<!tpu.dma_semaphore, #tpu.memory_space<semaphore_mem>>) src(%dma_wait3A_800 : memref<128x128xf32, #tpu.memory_space<vmem>>) dst(%dma_wait3A_796 : memref<128x128xf32, #tpu.memory_space<hbm>>)
    %dma_wait3A_801 = arith.constant 2 : i32
    %dma_wait3A_802 = arith.constant 2 : i32
    %dma_wait3A_803 = arith.constant 0 : i32
    %dma_wait3A_804 = tpu.memref_slice %arg10[%dma_wait3A_801, %dma_wait3A_803] : memref<6x128xi32, #tpu.memory_space<vmem>> -> memref<1x128xi32, #tpu.memory_space<vmem>>
    %dma_wait3A_805 = tpu.memref_squeeze %dma_wait3A_804 : memref<1x128xi32, #tpu.memory_space<vmem>> -> memref<128xi32, #tpu.memory_space<vmem>>
    %dma_wait3A_806 = arith.constant 0 : i32
    %dma_wait3A_807 = tpu.memref_slice %arg6[%dma_wait3A_806] : memref<500000xi32, #tpu.memory_space<hbm>> -> memref<128xi32, #tpu.memory_space<hbm>>
    %dma_wait3A_808 = tpu.memref_slice %arg17[%dma_wait3A_802] : memref<6x!tpu.dma_semaphore, #tpu.memory_space<semaphore_mem>> -> memref<1x!tpu.dma_semaphore, #tpu.memory_space<semaphore_mem>>
    %dma_wait3A_809 = tpu.memref_squeeze %dma_wait3A_808 : memref<1x!tpu.dma_semaphore, #tpu.memory_space<semaphore_mem>> -> memref<!tpu.dma_semaphore, #tpu.memory_space<semaphore_mem>>
    %dma_wait3A_810 = arith.constant 0 : i32
    %dma_wait3A_811 = tpu.memref_slice %arg6[%dma_wait3A_810] : memref<500000xi32, #tpu.memory_space<hbm>> -> memref<128xi32, #tpu.memory_space<hbm>>
    %dma_wait3A_812 = arith.constant 0 : i32
    %dma_wait3A_813 = tpu.memref_slice %arg10[%dma_wait3A_801, %dma_wait3A_812] : memref<6x128xi32, #tpu.memory_space<vmem>> -> memref<1x128xi32, #tpu.memory_space<vmem>>
    %dma_wait3A_814 = tpu.memref_squeeze %dma_wait3A_813 : memref<1x128xi32, #tpu.memory_space<vmem>> -> memref<128xi32, #tpu.memory_space<vmem>>
    tpu.wait_dma2 semaphore(%dma_wait3A_809 : memref<!tpu.dma_semaphore, #tpu.memory_space<semaphore_mem>>) src(%dma_wait3A_814 : memref<128xi32, #tpu.memory_space<vmem>>) dst(%dma_wait3A_811 : memref<128xi32, #tpu.memory_space<hbm>>)
    %dma_wait3A_815 = arith.constant 3 : i32
    %dma_wait3A_816 = arith.constant 3 : i32
    %dma_wait3A_817 = arith.constant 0 : i32
    %dma_wait3A_818 = arith.constant 0 : i32
    %dma_wait3A_819 = tpu.memref_slice %arg9[%dma_wait3A_815, %dma_wait3A_817, %dma_wait3A_818] : memref<6x128x128xf32, #tpu.memory_space<vmem>> -> memref<1x128x128xf32, #tpu.memory_space<vmem>>
    %dma_wait3A_820 = tpu.memref_squeeze %dma_wait3A_819 : memref<1x128x128xf32, #tpu.memory_space<vmem>> -> memref<128x128xf32, #tpu.memory_space<vmem>>
    %dma_wait3A_821 = arith.constant 0 : i32
    %dma_wait3A_822 = arith.constant 0 : i32
    %dma_wait3A_823 = tpu.memref_slice %arg5[%dma_wait3A_821, %dma_wait3A_822] : memref<500000x128xf32, #tpu.memory_space<hbm>> -> memref<128x128xf32, #tpu.memory_space<hbm>>
    %dma_wait3A_824 = tpu.memref_slice %arg16[%dma_wait3A_816] : memref<6x!tpu.dma_semaphore, #tpu.memory_space<semaphore_mem>> -> memref<1x!tpu.dma_semaphore, #tpu.memory_space<semaphore_mem>>
    %dma_wait3A_825 = tpu.memref_squeeze %dma_wait3A_824 : memref<1x!tpu.dma_semaphore, #tpu.memory_space<semaphore_mem>> -> memref<!tpu.dma_semaphore, #tpu.memory_space<semaphore_mem>>
    %dma_wait3A_826 = arith.constant 0 : i32
    %dma_wait3A_827 = arith.constant 0 : i32
    %dma_wait3A_828 = tpu.memref_slice %arg5[%dma_wait3A_826, %dma_wait3A_827] : memref<500000x128xf32, #tpu.memory_space<hbm>> -> memref<128x128xf32, #tpu.memory_space<hbm>>
    %dma_wait3A_829 = arith.constant 0 : i32
    %dma_wait3A_830 = arith.constant 0 : i32
    %dma_wait3A_831 = tpu.memref_slice %arg9[%dma_wait3A_815, %dma_wait3A_829, %dma_wait3A_830] : memref<6x128x128xf32, #tpu.memory_space<vmem>> -> memref<1x128x128xf32, #tpu.memory_space<vmem>>
    %dma_wait3A_832 = tpu.memref_squeeze %dma_wait3A_831 : memref<1x128x128xf32, #tpu.memory_space<vmem>> -> memref<128x128xf32, #tpu.memory_space<vmem>>
    tpu.wait_dma2 semaphore(%dma_wait3A_825 : memref<!tpu.dma_semaphore, #tpu.memory_space<semaphore_mem>>) src(%dma_wait3A_832 : memref<128x128xf32, #tpu.memory_space<vmem>>) dst(%dma_wait3A_828 : memref<128x128xf32, #tpu.memory_space<hbm>>)
    %dma_wait3A_833 = arith.constant 3 : i32
    %dma_wait3A_834 = arith.constant 3 : i32
    %dma_wait3A_835 = arith.constant 0 : i32
    %dma_wait3A_836 = tpu.memref_slice %arg10[%dma_wait3A_833, %dma_wait3A_835] : memref<6x128xi32, #tpu.memory_space<vmem>> -> memref<1x128xi32, #tpu.memory_space<vmem>>
    %dma_wait3A_837 = tpu.memref_squeeze %dma_wait3A_836 : memref<1x128xi32, #tpu.memory_space<vmem>> -> memref<128xi32, #tpu.memory_space<vmem>>
    %dma_wait3A_838 = arith.constant 0 : i32
    %dma_wait3A_839 = tpu.memref_slice %arg6[%dma_wait3A_838] : memref<500000xi32, #tpu.memory_space<hbm>> -> memref<128xi32, #tpu.memory_space<hbm>>
    %dma_wait3A_840 = tpu.memref_slice %arg17[%dma_wait3A_834] : memref<6x!tpu.dma_semaphore, #tpu.memory_space<semaphore_mem>> -> memref<1x!tpu.dma_semaphore, #tpu.memory_space<semaphore_mem>>
    %dma_wait3A_841 = tpu.memref_squeeze %dma_wait3A_840 : memref<1x!tpu.dma_semaphore, #tpu.memory_space<semaphore_mem>> -> memref<!tpu.dma_semaphore, #tpu.memory_space<semaphore_mem>>
    %dma_wait3A_842 = arith.constant 0 : i32
    %dma_wait3A_843 = tpu.memref_slice %arg6[%dma_wait3A_842] : memref<500000xi32, #tpu.memory_space<hbm>> -> memref<128xi32, #tpu.memory_space<hbm>>
    %dma_wait3A_844 = arith.constant 0 : i32
    %dma_wait3A_845 = tpu.memref_slice %arg10[%dma_wait3A_833, %dma_wait3A_844] : memref<6x128xi32, #tpu.memory_space<vmem>> -> memref<1x128xi32, #tpu.memory_space<vmem>>
    %dma_wait3A_846 = tpu.memref_squeeze %dma_wait3A_845 : memref<1x128xi32, #tpu.memory_space<vmem>> -> memref<128xi32, #tpu.memory_space<vmem>>
    tpu.wait_dma2 semaphore(%dma_wait3A_841 : memref<!tpu.dma_semaphore, #tpu.memory_space<semaphore_mem>>) src(%dma_wait3A_846 : memref<128xi32, #tpu.memory_space<vmem>>) dst(%dma_wait3A_843 : memref<128xi32, #tpu.memory_space<hbm>>)
    %dma_wait3A_847 = arith.constant 4 : i32
    %dma_wait3A_848 = arith.constant 4 : i32
    %dma_wait3A_849 = arith.constant 0 : i32
    %dma_wait3A_850 = arith.constant 0 : i32
    %dma_wait3A_851 = tpu.memref_slice %arg9[%dma_wait3A_847, %dma_wait3A_849, %dma_wait3A_850] : memref<6x128x128xf32, #tpu.memory_space<vmem>> -> memref<1x128x128xf32, #tpu.memory_space<vmem>>
    %dma_wait3A_852 = tpu.memref_squeeze %dma_wait3A_851 : memref<1x128x128xf32, #tpu.memory_space<vmem>> -> memref<128x128xf32, #tpu.memory_space<vmem>>
    %dma_wait3A_853 = arith.constant 0 : i32
    %dma_wait3A_854 = arith.constant 0 : i32
    %dma_wait3A_855 = tpu.memref_slice %arg5[%dma_wait3A_853, %dma_wait3A_854] : memref<500000x128xf32, #tpu.memory_space<hbm>> -> memref<128x128xf32, #tpu.memory_space<hbm>>
    %dma_wait3A_856 = tpu.memref_slice %arg16[%dma_wait3A_848] : memref<6x!tpu.dma_semaphore, #tpu.memory_space<semaphore_mem>> -> memref<1x!tpu.dma_semaphore, #tpu.memory_space<semaphore_mem>>
    %dma_wait3A_857 = tpu.memref_squeeze %dma_wait3A_856 : memref<1x!tpu.dma_semaphore, #tpu.memory_space<semaphore_mem>> -> memref<!tpu.dma_semaphore, #tpu.memory_space<semaphore_mem>>
    %dma_wait3A_858 = arith.constant 0 : i32
    %dma_wait3A_859 = arith.constant 0 : i32
    %dma_wait3A_860 = tpu.memref_slice %arg5[%dma_wait3A_858, %dma_wait3A_859] : memref<500000x128xf32, #tpu.memory_space<hbm>> -> memref<128x128xf32, #tpu.memory_space<hbm>>
    %dma_wait3A_861 = arith.constant 0 : i32
    %dma_wait3A_862 = arith.constant 0 : i32
    %dma_wait3A_863 = tpu.memref_slice %arg9[%dma_wait3A_847, %dma_wait3A_861, %dma_wait3A_862] : memref<6x128x128xf32, #tpu.memory_space<vmem>> -> memref<1x128x128xf32, #tpu.memory_space<vmem>>
    %dma_wait3A_864 = tpu.memref_squeeze %dma_wait3A_863 : memref<1x128x128xf32, #tpu.memory_space<vmem>> -> memref<128x128xf32, #tpu.memory_space<vmem>>
    tpu.wait_dma2 semaphore(%dma_wait3A_857 : memref<!tpu.dma_semaphore, #tpu.memory_space<semaphore_mem>>) src(%dma_wait3A_864 : memref<128x128xf32, #tpu.memory_space<vmem>>) dst(%dma_wait3A_860 : memref<128x128xf32, #tpu.memory_space<hbm>>)
    %dma_wait3A_865 = arith.constant 4 : i32
    %dma_wait3A_866 = arith.constant 4 : i32
    %dma_wait3A_867 = arith.constant 0 : i32
    %dma_wait3A_868 = tpu.memref_slice %arg10[%dma_wait3A_865, %dma_wait3A_867] : memref<6x128xi32, #tpu.memory_space<vmem>> -> memref<1x128xi32, #tpu.memory_space<vmem>>
    %dma_wait3A_869 = tpu.memref_squeeze %dma_wait3A_868 : memref<1x128xi32, #tpu.memory_space<vmem>> -> memref<128xi32, #tpu.memory_space<vmem>>
    %dma_wait3A_870 = arith.constant 0 : i32
    %dma_wait3A_871 = tpu.memref_slice %arg6[%dma_wait3A_870] : memref<500000xi32, #tpu.memory_space<hbm>> -> memref<128xi32, #tpu.memory_space<hbm>>
    %dma_wait3A_872 = tpu.memref_slice %arg17[%dma_wait3A_866] : memref<6x!tpu.dma_semaphore, #tpu.memory_space<semaphore_mem>> -> memref<1x!tpu.dma_semaphore, #tpu.memory_space<semaphore_mem>>
    %dma_wait3A_873 = tpu.memref_squeeze %dma_wait3A_872 : memref<1x!tpu.dma_semaphore, #tpu.memory_space<semaphore_mem>> -> memref<!tpu.dma_semaphore, #tpu.memory_space<semaphore_mem>>
    %dma_wait3A_874 = arith.constant 0 : i32
    %dma_wait3A_875 = tpu.memref_slice %arg6[%dma_wait3A_874] : memref<500000xi32, #tpu.memory_space<hbm>> -> memref<128xi32, #tpu.memory_space<hbm>>
    %dma_wait3A_876 = arith.constant 0 : i32
    %dma_wait3A_877 = tpu.memref_slice %arg10[%dma_wait3A_865, %dma_wait3A_876] : memref<6x128xi32, #tpu.memory_space<vmem>> -> memref<1x128xi32, #tpu.memory_space<vmem>>
    %dma_wait3A_878 = tpu.memref_squeeze %dma_wait3A_877 : memref<1x128xi32, #tpu.memory_space<vmem>> -> memref<128xi32, #tpu.memory_space<vmem>>
    tpu.wait_dma2 semaphore(%dma_wait3A_873 : memref<!tpu.dma_semaphore, #tpu.memory_space<semaphore_mem>>) src(%dma_wait3A_878 : memref<128xi32, #tpu.memory_space<vmem>>) dst(%dma_wait3A_875 : memref<128xi32, #tpu.memory_space<hbm>>)
    %dma_wait3A_879 = arith.constant 5 : i32
    %dma_wait3A_880 = arith.constant 5 : i32
    %dma_wait3A_881 = arith.constant 0 : i32
    %dma_wait3A_882 = arith.constant 0 : i32
    %dma_wait3A_883 = tpu.memref_slice %arg9[%dma_wait3A_879, %dma_wait3A_881, %dma_wait3A_882] : memref<6x128x128xf32, #tpu.memory_space<vmem>> -> memref<1x128x128xf32, #tpu.memory_space<vmem>>
    %dma_wait3A_884 = tpu.memref_squeeze %dma_wait3A_883 : memref<1x128x128xf32, #tpu.memory_space<vmem>> -> memref<128x128xf32, #tpu.memory_space<vmem>>
    %dma_wait3A_885 = arith.constant 0 : i32
    %dma_wait3A_886 = arith.constant 0 : i32
    %dma_wait3A_887 = tpu.memref_slice %arg5[%dma_wait3A_885, %dma_wait3A_886] : memref<500000x128xf32, #tpu.memory_space<hbm>> -> memref<128x128xf32, #tpu.memory_space<hbm>>
    %dma_wait3A_888 = tpu.memref_slice %arg16[%dma_wait3A_880] : memref<6x!tpu.dma_semaphore, #tpu.memory_space<semaphore_mem>> -> memref<1x!tpu.dma_semaphore, #tpu.memory_space<semaphore_mem>>
    %dma_wait3A_889 = tpu.memref_squeeze %dma_wait3A_888 : memref<1x!tpu.dma_semaphore, #tpu.memory_space<semaphore_mem>> -> memref<!tpu.dma_semaphore, #tpu.memory_space<semaphore_mem>>
    %dma_wait3A_890 = arith.constant 0 : i32
    %dma_wait3A_891 = arith.constant 0 : i32
    %dma_wait3A_892 = tpu.memref_slice %arg5[%dma_wait3A_890, %dma_wait3A_891] : memref<500000x128xf32, #tpu.memory_space<hbm>> -> memref<128x128xf32, #tpu.memory_space<hbm>>
    %dma_wait3A_893 = arith.constant 0 : i32
    %dma_wait3A_894 = arith.constant 0 : i32
    %dma_wait3A_895 = tpu.memref_slice %arg9[%dma_wait3A_879, %dma_wait3A_893, %dma_wait3A_894] : memref<6x128x128xf32, #tpu.memory_space<vmem>> -> memref<1x128x128xf32, #tpu.memory_space<vmem>>
    %dma_wait3A_896 = tpu.memref_squeeze %dma_wait3A_895 : memref<1x128x128xf32, #tpu.memory_space<vmem>> -> memref<128x128xf32, #tpu.memory_space<vmem>>
    tpu.wait_dma2 semaphore(%dma_wait3A_889 : memref<!tpu.dma_semaphore, #tpu.memory_space<semaphore_mem>>) src(%dma_wait3A_896 : memref<128x128xf32, #tpu.memory_space<vmem>>) dst(%dma_wait3A_892 : memref<128x128xf32, #tpu.memory_space<hbm>>)
    %dma_wait3A_897 = arith.constant 5 : i32
    %dma_wait3A_898 = arith.constant 5 : i32
    %dma_wait3A_899 = arith.constant 0 : i32
    %dma_wait3A_900 = tpu.memref_slice %arg10[%dma_wait3A_897, %dma_wait3A_899] : memref<6x128xi32, #tpu.memory_space<vmem>> -> memref<1x128xi32, #tpu.memory_space<vmem>>
    %dma_wait3A_901 = tpu.memref_squeeze %dma_wait3A_900 : memref<1x128xi32, #tpu.memory_space<vmem>> -> memref<128xi32, #tpu.memory_space<vmem>>
    %dma_wait3A_902 = arith.constant 0 : i32
    %dma_wait3A_903 = tpu.memref_slice %arg6[%dma_wait3A_902] : memref<500000xi32, #tpu.memory_space<hbm>> -> memref<128xi32, #tpu.memory_space<hbm>>
    %dma_wait3A_904 = tpu.memref_slice %arg17[%dma_wait3A_898] : memref<6x!tpu.dma_semaphore, #tpu.memory_space<semaphore_mem>> -> memref<1x!tpu.dma_semaphore, #tpu.memory_space<semaphore_mem>>
    %dma_wait3A_905 = tpu.memref_squeeze %dma_wait3A_904 : memref<1x!tpu.dma_semaphore, #tpu.memory_space<semaphore_mem>> -> memref<!tpu.dma_semaphore, #tpu.memory_space<semaphore_mem>>
    %dma_wait3A_906 = arith.constant 0 : i32
    %dma_wait3A_907 = tpu.memref_slice %arg6[%dma_wait3A_906] : memref<500000xi32, #tpu.memory_space<hbm>> -> memref<128xi32, #tpu.memory_space<hbm>>
    %dma_wait3A_908 = arith.constant 0 : i32
    %dma_wait3A_909 = tpu.memref_slice %arg10[%dma_wait3A_897, %dma_wait3A_908] : memref<6x128xi32, #tpu.memory_space<vmem>> -> memref<1x128xi32, #tpu.memory_space<vmem>>
    %dma_wait3A_910 = tpu.memref_squeeze %dma_wait3A_909 : memref<1x128xi32, #tpu.memory_space<vmem>> -> memref<128xi32, #tpu.memory_space<vmem>>
    tpu.wait_dma2 semaphore(%dma_wait3A_905 : memref<!tpu.dma_semaphore, #tpu.memory_space<semaphore_mem>>) src(%dma_wait3A_910 : memref<128xi32, #tpu.memory_space<vmem>>) dst(%dma_wait3A_907 : memref<128xi32, #tpu.memory_space<hbm>>)
    %lt3A = arith.constant 2 : i32
    %lt3A_911 = arith.cmpi slt, %add3A, %lt3A : i32
    %convert_element_type3A_912 = arith.extui %lt3A_911 : i1 to i32
    %cond3A_913 = arith.constant 0 : i32
    %cond3A_914 = arith.cmpi ne, %convert_element_type3A_912, %cond3A_913 : i32
    scf.if %cond3A_914 {
      %add3A_920 = arith.constant 3904 : i32
      %add3A_921 = arith.addi %add3A_920, %add3A : i32
      %mul3A_922 = arith.constant 128 : i32
      %mul3A_923 = arith.muli %add3A_921, %mul3A_922 : i32
      "tpu.region"() ({
        %run_scoped3A_975 = tpu.sem_alloc : memref<!tpu.dma_semaphore, #tpu.memory_space<semaphore_mem>>
        %dma_start3A_976 = arith.constant 0 : i32
        %dma_start3A_977 = tpu.memref_slice %arg8[%dma_start3A_976] : memref<15616xi32, #tpu.memory_space<vmem>> -> memref<128xi32, #tpu.memory_space<vmem>>
        %dma_start3A_978 = tpu.memref_slice %arg4[%mul3A_923] : memref<500000xi32, #tpu.memory_space<hbm>> -> memref<128xi32, #tpu.memory_space<hbm>>
        %dma_start3A_979 = arith.constant 0 : i32
        %dma_start3A_980 = tpu.memref_slice %arg8[%dma_start3A_979] : memref<15616xi32, #tpu.memory_space<vmem>> -> memref<128xi32, #tpu.memory_space<vmem>>
        %dma_start3A_981 = tpu.memref_slice %arg4[%mul3A_923] : memref<500000xi32, #tpu.memory_space<hbm>> -> memref<128xi32, #tpu.memory_space<hbm>>
        tpu.enqueue_dma source(%dma_start3A_981 : memref<128xi32, #tpu.memory_space<hbm>>) target(%dma_start3A_980 : memref<128xi32, #tpu.memory_space<vmem>>) target_semaphore(%run_scoped3A_975 : memref<!tpu.dma_semaphore, #tpu.memory_space<semaphore_mem>>)
        %dma_wait3A_982 = arith.constant 0 : i32
        %dma_wait3A_983 = tpu.memref_slice %arg8[%dma_wait3A_982] : memref<15616xi32, #tpu.memory_space<vmem>> -> memref<128xi32, #tpu.memory_space<vmem>>
        %dma_wait3A_984 = tpu.memref_slice %arg4[%mul3A_923] : memref<500000xi32, #tpu.memory_space<hbm>> -> memref<128xi32, #tpu.memory_space<hbm>>
        %dma_wait3A_985 = arith.constant 0 : i32
        %dma_wait3A_986 = tpu.memref_slice %arg8[%dma_wait3A_985] : memref<15616xi32, #tpu.memory_space<vmem>> -> memref<128xi32, #tpu.memory_space<vmem>>
        %dma_wait3A_987 = tpu.memref_slice %arg4[%mul3A_923] : memref<500000xi32, #tpu.memory_space<hbm>> -> memref<128xi32, #tpu.memory_space<hbm>>
        tpu.wait_dma2 semaphore(%run_scoped3A_975 : memref<!tpu.dma_semaphore, #tpu.memory_space<semaphore_mem>>) src(%dma_wait3A_987 : memref<128xi32, #tpu.memory_space<hbm>>) dst(%dma_wait3A_986 : memref<128xi32, #tpu.memory_space<vmem>>)
        tpu.yield
      }) : () -> ()
      %dma_start3A_924 = arith.constant 0 : i32
      %dma_start3A_925 = arith.constant 0 : i32
      %dma_start3A_926 = arith.constant 0 : i32
      %dma_start3A_927 = arith.constant 0 : i32
      %dma_start3A_928 = tpu.memref_slice %arg9[%dma_start3A_924, %dma_start3A_926, %dma_start3A_927] : memref<6x128x128xf32, #tpu.memory_space<vmem>> -> memref<1x128x128xf32, #tpu.memory_space<vmem>>
      %dma_start3A_929 = tpu.memref_squeeze %dma_start3A_928 : memref<1x128x128xf32, #tpu.memory_space<vmem>> -> memref<128x128xf32, #tpu.memory_space<vmem>>
      %dma_start3A_930 = arith.constant 0 : i32
      %dma_start3A_931 = tpu.memref_slice %arg8[%dma_start3A_930] : memref<15616xi32, #tpu.memory_space<vmem>> -> memref<128xi32, #tpu.memory_space<vmem>>
      %dma_start3A_932 = arith.constant 0 : i32
      %dma_start3A_933 = arith.constant 0 : i32
      %dma_start3A_934 = tpu.memref_slice %arg2[%dma_start3A_932, %dma_start3A_933] : memref<100000x128xf32, #tpu.memory_space<hbm>> -> memref<100000x128xf32, #tpu.memory_space<hbm>>
      %dma_start3A_935 = tpu.memref_slice %arg14[%dma_start3A_925] : memref<6x!tpu.dma_semaphore, #tpu.memory_space<semaphore_mem>> -> memref<1x!tpu.dma_semaphore, #tpu.memory_space<semaphore_mem>>
      %dma_start3A_936 = tpu.memref_squeeze %dma_start3A_935 : memref<1x!tpu.dma_semaphore, #tpu.memory_space<semaphore_mem>> -> memref<!tpu.dma_semaphore, #tpu.memory_space<semaphore_mem>>
      tpu.enqueue_indirect_dma source(%dma_start3A_934 : memref<100000x128xf32, #tpu.memory_space<hbm>>) target(%dma_start3A_929 : memref<128x128xf32, #tpu.memory_space<vmem>>) offsets(%dma_start3A_931 : memref<128xi32, #tpu.memory_space<vmem>>) semaphore(%dma_start3A_936 : memref<!tpu.dma_semaphore, #tpu.memory_space<semaphore_mem>>)
      %dma_start3A_937 = arith.constant 0 : i32
      %dma_start3A_938 = arith.constant 0 : i32
      %dma_start3A_939 = arith.constant 0 : i32
      %dma_start3A_940 = tpu.memref_slice %arg10[%dma_start3A_937, %dma_start3A_939] : memref<6x128xi32, #tpu.memory_space<vmem>> -> memref<1x128xi32, #tpu.memory_space<vmem>>
      %dma_start3A_941 = tpu.memref_squeeze %dma_start3A_940 : memref<1x128xi32, #tpu.memory_space<vmem>> -> memref<128xi32, #tpu.memory_space<vmem>>
      %dma_start3A_942 = arith.constant 0 : i32
      %dma_start3A_943 = tpu.memref_slice %arg8[%dma_start3A_942] : memref<15616xi32, #tpu.memory_space<vmem>> -> memref<128xi32, #tpu.memory_space<vmem>>
      %dma_start3A_944 = arith.constant 0 : i32
      %dma_start3A_945 = tpu.memref_slice %arg7[%dma_start3A_944] : memref<100000xi32, #tpu.memory_space<vmem_shared>> -> memref<100000xi32, #tpu.memory_space<vmem_shared>>
      %dma_start3A_946 = tpu.memref_slice %arg15[%dma_start3A_938] : memref<6x!tpu.dma_semaphore, #tpu.memory_space<semaphore_mem>> -> memref<1x!tpu.dma_semaphore, #tpu.memory_space<semaphore_mem>>
      %dma_start3A_947 = tpu.memref_squeeze %dma_start3A_946 : memref<1x!tpu.dma_semaphore, #tpu.memory_space<semaphore_mem>> -> memref<!tpu.dma_semaphore, #tpu.memory_space<semaphore_mem>>
      tpu.enqueue_indirect_dma source(%dma_start3A_945 : memref<100000xi32, #tpu.memory_space<vmem_shared>>) target(%dma_start3A_941 : memref<128xi32, #tpu.memory_space<vmem>>) offsets(%dma_start3A_943 : memref<128xi32, #tpu.memory_space<vmem>>) semaphore(%dma_start3A_947 : memref<!tpu.dma_semaphore, #tpu.memory_space<semaphore_mem>>)
      %dma_wait3A_948 = arith.constant 0 : i32
      %dma_wait3A_949 = arith.constant 0 : i32
      %dma_wait3A_950 = arith.constant 0 : i32
      %dma_wait3A_951 = arith.constant 0 : i32
      %dma_wait3A_952 = tpu.memref_slice %arg9[%dma_wait3A_948, %dma_wait3A_950, %dma_wait3A_951] : memref<6x128x128xf32, #tpu.memory_space<vmem>> -> memref<1x128x128xf32, #tpu.memory_space<vmem>>
      %dma_wait3A_953 = tpu.memref_squeeze %dma_wait3A_952 : memref<1x128x128xf32, #tpu.memory_space<vmem>> -> memref<128x128xf32, #tpu.memory_space<vmem>>
      %dma_wait3A_954 = arith.constant 0 : i32
      %dma_wait3A_955 = tpu.memref_slice %arg8[%dma_wait3A_954] : memref<15616xi32, #tpu.memory_space<vmem>> -> memref<128xi32, #tpu.memory_space<vmem>>
      %dma_wait3A_956 = arith.constant 0 : i32
      %dma_wait3A_957 = arith.constant 0 : i32
      %dma_wait3A_958 = tpu.memref_slice %arg2[%dma_wait3A_956, %dma_wait3A_957] : memref<100000x128xf32, #tpu.memory_space<hbm>> -> memref<100000x128xf32, #tpu.memory_space<hbm>>
      %dma_wait3A_959 = tpu.memref_slice %arg14[%dma_wait3A_949] : memref<6x!tpu.dma_semaphore, #tpu.memory_space<semaphore_mem>> -> memref<1x!tpu.dma_semaphore, #tpu.memory_space<semaphore_mem>>
      %dma_wait3A_960 = tpu.memref_squeeze %dma_wait3A_959 : memref<1x!tpu.dma_semaphore, #tpu.memory_space<semaphore_mem>> -> memref<!tpu.dma_semaphore, #tpu.memory_space<semaphore_mem>>
      tpu.wait_indirect_dma semaphore(%dma_wait3A_960 : memref<!tpu.dma_semaphore, #tpu.memory_space<semaphore_mem>>) src(%dma_wait3A_958 : memref<100000x128xf32, #tpu.memory_space<hbm>>) dst(%dma_wait3A_953 : memref<128x128xf32, #tpu.memory_space<vmem>>)
      %dma_wait3A_961 = arith.constant 0 : i32
      %dma_wait3A_962 = arith.constant 0 : i32
      %dma_wait3A_963 = arith.constant 0 : i32
      %dma_wait3A_964 = tpu.memref_slice %arg10[%dma_wait3A_961, %dma_wait3A_963] : memref<6x128xi32, #tpu.memory_space<vmem>> -> memref<1x128xi32, #tpu.memory_space<vmem>>
      %dma_wait3A_965 = tpu.memref_squeeze %dma_wait3A_964 : memref<1x128xi32, #tpu.memory_space<vmem>> -> memref<128xi32, #tpu.memory_space<vmem>>
      %dma_wait3A_966 = arith.constant 0 : i32
      %dma_wait3A_967 = tpu.memref_slice %arg8[%dma_wait3A_966] : memref<15616xi32, #tpu.memory_space<vmem>> -> memref<128xi32, #tpu.memory_space<vmem>>
      %dma_wait3A_968 = arith.constant 0 : i32
      %dma_wait3A_969 = tpu.memref_slice %arg7[%dma_wait3A_968] : memref<100000xi32, #tpu.memory_space<vmem_shared>> -> memref<100000xi32, #tpu.memory_space<vmem_shared>>
      %dma_wait3A_970 = tpu.memref_slice %arg15[%dma_wait3A_962] : memref<6x!tpu.dma_semaphore, #tpu.memory_space<semaphore_mem>> -> memref<1x!tpu.dma_semaphore, #tpu.memory_space<semaphore_mem>>
      %dma_wait3A_971 = tpu.memref_squeeze %dma_wait3A_970 : memref<1x!tpu.dma_semaphore, #tpu.memory_space<semaphore_mem>> -> memref<!tpu.dma_semaphore, #tpu.memory_space<semaphore_mem>>
      tpu.wait_indirect_dma semaphore(%dma_wait3A_971 : memref<!tpu.dma_semaphore, #tpu.memory_space<semaphore_mem>>) src(%dma_wait3A_969 : memref<100000xi32, #tpu.memory_space<vmem_shared>>) dst(%dma_wait3A_965 : memref<128xi32, #tpu.memory_space<vmem>>)
      %mul3A_972 = arith.constant 128 : i32
      %mul3A_973 = arith.muli %add3A_921, %mul3A_972 : i32
      %run_scoped3A = arith.constant 0 : i32
      "tpu.region"() ({
        %run_scoped3A_975 = tpu.sem_alloc : memref<!tpu.dma_semaphore, #tpu.memory_space<semaphore_mem>>
        %dma_start3A_976 = arith.constant 0 : i32
        %dma_start3A_977 = arith.constant 0 : i32
        %dma_start3A_978 = tpu.memref_slice %arg9[%run_scoped3A, %dma_start3A_976, %dma_start3A_977] : memref<6x128x128xf32, #tpu.memory_space<vmem>> -> memref<1x128x128xf32, #tpu.memory_space<vmem>>
        %dma_start3A_979 = tpu.memref_squeeze %dma_start3A_978 : memref<1x128x128xf32, #tpu.memory_space<vmem>> -> memref<128x128xf32, #tpu.memory_space<vmem>>
        %dma_start3A_980 = arith.constant 0 : i32
        %dma_start3A_981 = tpu.memref_slice %arg5[%mul3A_973, %dma_start3A_980] : memref<500000x128xf32, #tpu.memory_space<hbm>> -> memref<128x128xf32, #tpu.memory_space<hbm>>
        %dma_start3A_982 = arith.constant 0 : i32
        %dma_start3A_983 = tpu.memref_slice %arg5[%mul3A_973, %dma_start3A_982] : memref<500000x128xf32, #tpu.memory_space<hbm>> -> memref<128x128xf32, #tpu.memory_space<hbm>>
        %dma_start3A_984 = arith.constant 0 : i32
        %dma_start3A_985 = arith.constant 0 : i32
        %dma_start3A_986 = tpu.memref_slice %arg9[%run_scoped3A, %dma_start3A_984, %dma_start3A_985] : memref<6x128x128xf32, #tpu.memory_space<vmem>> -> memref<1x128x128xf32, #tpu.memory_space<vmem>>
        %dma_start3A_987 = tpu.memref_squeeze %dma_start3A_986 : memref<1x128x128xf32, #tpu.memory_space<vmem>> -> memref<128x128xf32, #tpu.memory_space<vmem>>
        tpu.enqueue_dma source(%dma_start3A_987 : memref<128x128xf32, #tpu.memory_space<vmem>>) target(%dma_start3A_983 : memref<128x128xf32, #tpu.memory_space<hbm>>) target_semaphore(%run_scoped3A_975 : memref<!tpu.dma_semaphore, #tpu.memory_space<semaphore_mem>>)
        %dma_wait3A_988 = arith.constant 0 : i32
        %dma_wait3A_989 = arith.constant 0 : i32
        %dma_wait3A_990 = tpu.memref_slice %arg9[%run_scoped3A, %dma_wait3A_988, %dma_wait3A_989] : memref<6x128x128xf32, #tpu.memory_space<vmem>> -> memref<1x128x128xf32, #tpu.memory_space<vmem>>
        %dma_wait3A_991 = tpu.memref_squeeze %dma_wait3A_990 : memref<1x128x128xf32, #tpu.memory_space<vmem>> -> memref<128x128xf32, #tpu.memory_space<vmem>>
        %dma_wait3A_992 = arith.constant 0 : i32
        %dma_wait3A_993 = tpu.memref_slice %arg5[%mul3A_973, %dma_wait3A_992] : memref<500000x128xf32, #tpu.memory_space<hbm>> -> memref<128x128xf32, #tpu.memory_space<hbm>>
        %dma_wait3A_994 = arith.constant 0 : i32
        %dma_wait3A_995 = tpu.memref_slice %arg5[%mul3A_973, %dma_wait3A_994] : memref<500000x128xf32, #tpu.memory_space<hbm>> -> memref<128x128xf32, #tpu.memory_space<hbm>>
        %dma_wait3A_996 = arith.constant 0 : i32
        %dma_wait3A_997 = arith.constant 0 : i32
        %dma_wait3A_998 = tpu.memref_slice %arg9[%run_scoped3A, %dma_wait3A_996, %dma_wait3A_997] : memref<6x128x128xf32, #tpu.memory_space<vmem>> -> memref<1x128x128xf32, #tpu.memory_space<vmem>>
        %dma_wait3A_999 = tpu.memref_squeeze %dma_wait3A_998 : memref<1x128x128xf32, #tpu.memory_space<vmem>> -> memref<128x128xf32, #tpu.memory_space<vmem>>
        tpu.wait_dma2 semaphore(%run_scoped3A_975 : memref<!tpu.dma_semaphore, #tpu.memory_space<semaphore_mem>>) src(%dma_wait3A_999 : memref<128x128xf32, #tpu.memory_space<vmem>>) dst(%dma_wait3A_995 : memref<128x128xf32, #tpu.memory_space<hbm>>)
        tpu.yield
      }) : () -> ()
      %run_scoped3A_974 = arith.constant 0 : i32
      "tpu.region"() ({
        %run_scoped3A_975 = tpu.sem_alloc : memref<!tpu.dma_semaphore, #tpu.memory_space<semaphore_mem>>
        %dma_start3A_976 = arith.constant 0 : i32
        %dma_start3A_977 = tpu.memref_slice %arg10[%run_scoped3A_974, %dma_start3A_976] : memref<6x128xi32, #tpu.memory_space<vmem>> -> memref<1x128xi32, #tpu.memory_space<vmem>>
        %dma_start3A_978 = tpu.memref_squeeze %dma_start3A_977 : memref<1x128xi32, #tpu.memory_space<vmem>> -> memref<128xi32, #tpu.memory_space<vmem>>
        %dma_start3A_979 = tpu.memref_slice %arg6[%mul3A_973] : memref<500000xi32, #tpu.memory_space<hbm>> -> memref<128xi32, #tpu.memory_space<hbm>>
        %dma_start3A_980 = tpu.memref_slice %arg6[%mul3A_973] : memref<500000xi32, #tpu.memory_space<hbm>> -> memref<128xi32, #tpu.memory_space<hbm>>
        %dma_start3A_981 = arith.constant 0 : i32
        %dma_start3A_982 = tpu.memref_slice %arg10[%run_scoped3A_974, %dma_start3A_981] : memref<6x128xi32, #tpu.memory_space<vmem>> -> memref<1x128xi32, #tpu.memory_space<vmem>>
        %dma_start3A_983 = tpu.memref_squeeze %dma_start3A_982 : memref<1x128xi32, #tpu.memory_space<vmem>> -> memref<128xi32, #tpu.memory_space<vmem>>
        tpu.enqueue_dma source(%dma_start3A_983 : memref<128xi32, #tpu.memory_space<vmem>>) target(%dma_start3A_980 : memref<128xi32, #tpu.memory_space<hbm>>) target_semaphore(%run_scoped3A_975 : memref<!tpu.dma_semaphore, #tpu.memory_space<semaphore_mem>>)
        %dma_wait3A_984 = arith.constant 0 : i32
        %dma_wait3A_985 = tpu.memref_slice %arg10[%run_scoped3A_974, %dma_wait3A_984] : memref<6x128xi32, #tpu.memory_space<vmem>> -> memref<1x128xi32, #tpu.memory_space<vmem>>
        %dma_wait3A_986 = tpu.memref_squeeze %dma_wait3A_985 : memref<1x128xi32, #tpu.memory_space<vmem>> -> memref<128xi32, #tpu.memory_space<vmem>>
        %dma_wait3A_987 = tpu.memref_slice %arg6[%mul3A_973] : memref<500000xi32, #tpu.memory_space<hbm>> -> memref<128xi32, #tpu.memory_space<hbm>>
        %dma_wait3A_988 = tpu.memref_slice %arg6[%mul3A_973] : memref<500000xi32, #tpu.memory_space<hbm>> -> memref<128xi32, #tpu.memory_space<hbm>>
        %dma_wait3A_989 = arith.constant 0 : i32
        %dma_wait3A_990 = tpu.memref_slice %arg10[%run_scoped3A_974, %dma_wait3A_989] : memref<6x128xi32, #tpu.memory_space<vmem>> -> memref<1x128xi32, #tpu.memory_space<vmem>>
        %dma_wait3A_991 = tpu.memref_squeeze %dma_wait3A_990 : memref<1x128xi32, #tpu.memory_space<vmem>> -> memref<128xi32, #tpu.memory_space<vmem>>
        tpu.wait_dma2 semaphore(%run_scoped3A_975 : memref<!tpu.dma_semaphore, #tpu.memory_space<semaphore_mem>>) src(%dma_wait3A_991 : memref<128xi32, #tpu.memory_space<vmem>>) dst(%dma_wait3A_988 : memref<128xi32, #tpu.memory_space<hbm>>)
        tpu.yield
      }) : () -> ()
    } else {
    }
    %eq3A_915 = arith.constant 2 : i32
    %eq3A_916 = arith.cmpi eq, %add3A, %eq3A_915 : i32
    %convert_element_type3A_917 = arith.extui %eq3A_916 : i1 to i32
    %cond3A_918 = arith.constant 0 : i32
    %cond3A_919 = arith.cmpi ne, %convert_element_type3A_917, %cond3A_918 : i32
    scf.if %cond3A_919 {
      "tpu.region"() ({
        %run_scoped3A = tpu.sem_alloc : memref<!tpu.dma_semaphore, #tpu.memory_space<semaphore_mem>>
        %dma_start3A_930 = arith.constant 499968 : i32
        %dma_start3A_931 = tpu.memref_slice %arg4[%dma_start3A_930] : memref<500000xi32, #tpu.memory_space<hbm>> -> memref<32xi32, #tpu.memory_space<hbm>>
        %dma_start3A_932 = arith.constant 499968 : i32
        %dma_start3A_933 = tpu.memref_slice %arg4[%dma_start3A_932] : memref<500000xi32, #tpu.memory_space<hbm>> -> memref<32xi32, #tpu.memory_space<hbm>>
        tpu.enqueue_dma source(%dma_start3A_933 : memref<32xi32, #tpu.memory_space<hbm>>) target(%arg11 : memref<32xi32, #tpu.memory_space<vmem>>) target_semaphore(%run_scoped3A : memref<!tpu.dma_semaphore, #tpu.memory_space<semaphore_mem>>)
        %dma_wait3A_934 = arith.constant 499968 : i32
        %dma_wait3A_935 = tpu.memref_slice %arg4[%dma_wait3A_934] : memref<500000xi32, #tpu.memory_space<hbm>> -> memref<32xi32, #tpu.memory_space<hbm>>
        %dma_wait3A_936 = arith.constant 499968 : i32
        %dma_wait3A_937 = tpu.memref_slice %arg4[%dma_wait3A_936] : memref<500000xi32, #tpu.memory_space<hbm>> -> memref<32xi32, #tpu.memory_space<hbm>>
        tpu.wait_dma2 semaphore(%run_scoped3A : memref<!tpu.dma_semaphore, #tpu.memory_space<semaphore_mem>>) src(%dma_wait3A_937 : memref<32xi32, #tpu.memory_space<hbm>>) dst(%arg11 : memref<32xi32, #tpu.memory_space<vmem>>)
        tpu.yield
      }) : () -> ()
      %dma_start3A_920 = arith.constant 0 : i32
      %dma_start3A_921 = arith.constant 0 : i32
      %dma_start3A_922 = tpu.memref_slice %arg2[%dma_start3A_920, %dma_start3A_921] : memref<100000x128xf32, #tpu.memory_space<hbm>> -> memref<100000x128xf32, #tpu.memory_space<hbm>>
      tpu.enqueue_indirect_dma source(%dma_start3A_922 : memref<100000x128xf32, #tpu.memory_space<hbm>>) target(%arg12 : memref<32x128xf32, #tpu.memory_space<vmem>>) offsets(%arg11 : memref<32xi32, #tpu.memory_space<vmem>>) semaphore(%arg18 : memref<!tpu.dma_semaphore, #tpu.memory_space<semaphore_mem>>)
      %dma_start3A_923 = arith.constant 0 : i32
      %dma_start3A_924 = tpu.memref_slice %arg7[%dma_start3A_923] : memref<100000xi32, #tpu.memory_space<vmem_shared>> -> memref<100000xi32, #tpu.memory_space<vmem_shared>>
      tpu.enqueue_indirect_dma source(%dma_start3A_924 : memref<100000xi32, #tpu.memory_space<vmem_shared>>) target(%arg13 : memref<32xi32, #tpu.memory_space<vmem>>) offsets(%arg11 : memref<32xi32, #tpu.memory_space<vmem>>) semaphore(%arg19 : memref<!tpu.dma_semaphore, #tpu.memory_space<semaphore_mem>>)
      %dma_wait3A_925 = arith.constant 0 : i32
      %dma_wait3A_926 = arith.constant 0 : i32
      %dma_wait3A_927 = tpu.memref_slice %arg2[%dma_wait3A_925, %dma_wait3A_926] : memref<100000x128xf32, #tpu.memory_space<hbm>> -> memref<100000x128xf32, #tpu.memory_space<hbm>>
      tpu.wait_indirect_dma semaphore(%arg18 : memref<!tpu.dma_semaphore, #tpu.memory_space<semaphore_mem>>) src(%dma_wait3A_927 : memref<100000x128xf32, #tpu.memory_space<hbm>>) dst(%arg12 : memref<32x128xf32, #tpu.memory_space<vmem>>)
      %dma_wait3A_928 = arith.constant 0 : i32
      %dma_wait3A_929 = tpu.memref_slice %arg7[%dma_wait3A_928] : memref<100000xi32, #tpu.memory_space<vmem_shared>> -> memref<100000xi32, #tpu.memory_space<vmem_shared>>
      tpu.wait_indirect_dma semaphore(%arg19 : memref<!tpu.dma_semaphore, #tpu.memory_space<semaphore_mem>>) src(%dma_wait3A_929 : memref<100000xi32, #tpu.memory_space<vmem_shared>>) dst(%arg13 : memref<32xi32, #tpu.memory_space<vmem>>)
      "tpu.region"() ({
        %run_scoped3A = tpu.sem_alloc : memref<!tpu.dma_semaphore, #tpu.memory_space<semaphore_mem>>
        %dma_start3A_930 = arith.constant 499968 : i32
        %dma_start3A_931 = arith.constant 0 : i32
        %dma_start3A_932 = tpu.memref_slice %arg5[%dma_start3A_930, %dma_start3A_931] : memref<500000x128xf32, #tpu.memory_space<hbm>> -> memref<32x128xf32, #tpu.memory_space<hbm>>
        %dma_start3A_933 = arith.constant 499968 : i32
        %dma_start3A_934 = arith.constant 0 : i32
        %dma_start3A_935 = tpu.memref_slice %arg5[%dma_start3A_933, %dma_start3A_934] : memref<500000x128xf32, #tpu.memory_space<hbm>> -> memref<32x128xf32, #tpu.memory_space<hbm>>
        tpu.enqueue_dma source(%arg12 : memref<32x128xf32, #tpu.memory_space<vmem>>) target(%dma_start3A_935 : memref<32x128xf32, #tpu.memory_space<hbm>>) target_semaphore(%run_scoped3A : memref<!tpu.dma_semaphore, #tpu.memory_space<semaphore_mem>>)
        %dma_wait3A_936 = arith.constant 499968 : i32
        %dma_wait3A_937 = arith.constant 0 : i32
        %dma_wait3A_938 = tpu.memref_slice %arg5[%dma_wait3A_936, %dma_wait3A_937] : memref<500000x128xf32, #tpu.memory_space<hbm>> -> memref<32x128xf32, #tpu.memory_space<hbm>>
        %dma_wait3A_939 = arith.constant 499968 : i32
        %dma_wait3A_940 = arith.constant 0 : i32
        %dma_wait3A_941 = tpu.memref_slice %arg5[%dma_wait3A_939, %dma_wait3A_940] : memref<500000x128xf32, #tpu.memory_space<hbm>> -> memref<32x128xf32, #tpu.memory_space<hbm>>
        tpu.wait_dma2 semaphore(%run_scoped3A : memref<!tpu.dma_semaphore, #tpu.memory_space<semaphore_mem>>) src(%arg12 : memref<32x128xf32, #tpu.memory_space<vmem>>) dst(%dma_wait3A_941 : memref<32x128xf32, #tpu.memory_space<hbm>>)
        tpu.yield
      }) : () -> ()
      "tpu.region"() ({
        %run_scoped3A = tpu.sem_alloc : memref<!tpu.dma_semaphore, #tpu.memory_space<semaphore_mem>>
        %dma_start3A_930 = arith.constant 499968 : i32
        %dma_start3A_931 = tpu.memref_slice %arg6[%dma_start3A_930] : memref<500000xi32, #tpu.memory_space<hbm>> -> memref<32xi32, #tpu.memory_space<hbm>>
        %dma_start3A_932 = arith.constant 499968 : i32
        %dma_start3A_933 = tpu.memref_slice %arg6[%dma_start3A_932] : memref<500000xi32, #tpu.memory_space<hbm>> -> memref<32xi32, #tpu.memory_space<hbm>>
        tpu.enqueue_dma source(%arg13 : memref<32xi32, #tpu.memory_space<vmem>>) target(%dma_start3A_933 : memref<32xi32, #tpu.memory_space<hbm>>) target_semaphore(%run_scoped3A : memref<!tpu.dma_semaphore, #tpu.memory_space<semaphore_mem>>)
        %dma_wait3A_934 = arith.constant 499968 : i32
        %dma_wait3A_935 = tpu.memref_slice %arg6[%dma_wait3A_934] : memref<500000xi32, #tpu.memory_space<hbm>> -> memref<32xi32, #tpu.memory_space<hbm>>
        %dma_wait3A_936 = arith.constant 499968 : i32
        %dma_wait3A_937 = tpu.memref_slice %arg6[%dma_wait3A_936] : memref<500000xi32, #tpu.memory_space<hbm>> -> memref<32xi32, #tpu.memory_space<hbm>>
        tpu.wait_dma2 semaphore(%run_scoped3A : memref<!tpu.dma_semaphore, #tpu.memory_space<semaphore_mem>>) src(%arg13 : memref<32xi32, #tpu.memory_space<vmem>>) dst(%dma_wait3A_937 : memref<32xi32, #tpu.memory_space<hbm>>)
        tpu.yield
      }) : () -> ()
    } else {
    }
    return
  }
}

</mosaic_0001>

<sc_bundles>
// kernel: kernel.3.cloned.1.call-start
scs
__scs_entry_jumppad:
0x0: {  	(pc) =	sbr.rel $0x88, $3  }
0x1: {  	(tag) =	ssettag $0x0;
	lr =	simm.s32 $0x1  }
0x2: {  	[smem:$0x3F9E] =	sst lr;
	_ =	strace $0xD0000000  }
0x3: {  	_ = 	snop  }
0x4: {  	_ = 	snop  }
0x5: {  	_ = 	snop  }
0x6: {  	_ = 	snop  }
0x7: {  	_ = 	snop  }
__scs_overlays_trampoline_lowered:
0x8: {  	[smem:$0x3FAD] =	sst s0  }
0x9: {  	[smem:$0x3FAE] =	sst s1  }
0xa: {  	[smem:$0x3FAF] =	sst s2  }
0xb: {  	[smem:$0x3FB0] =	sst s3  }
0xc: {  	[smem:$0x3FB1] =	sst s4  }
0xd: {  	[smem:$0x3FB2] =	sst s5  }
0xe: {  	[smem:$0x3FB3] =	sst s6  }
0xf: {  	[smem:$0x3FB4] =	sst s7  }
0x10: {  	[smem:$0x3FB5] =	sst s8  }
0x11: {  	[smem:$0x3FB6] =	sst s9;
	s0 =	simm.s32 @!p0 $0x0  }
0x12: {  	s1 =	sld [smem:$0x3F9C];
	s0 =	simm.s32 @p0 $0x1  }
0x13: {  	[smem:$0x3FB7] =	sst s0;
	s0 =	simm.s32 @!p1 $0x0  }
0x14: {  	s2 =	sld [smem:$0x3F9B];
	s0 =	simm.s32 @p1 $0x1  }
0x15: {  	[smem:$0x3FB8] =	sst s0;
	s0 =	simm.s32 @!p2 $0x0  }
0x16: {  	s3 =	sld [smem:$0x3FDB];
	s0 =	simm.s32 @p2 $0x1  }
0x17: {  	s4 =	simm.s32 $0x1BF5;
	[smem:$0x3FBA] =	sst s0  }
0x18: {  	s0 =	sld [smem:$0x3F9D];
	_ =	swait.ge [sflag:s4], $0x0  }
0x19: {  	s7 =	sld [smem:$0x3F9E]  }
0x1a: {  	s8 =	sadd.s32 $0xFFFFE003, lr  }
0x1b: {  	s9 =	sadd.s32 $0xFFFFFEF7, lr;
	s5 =	simm.s32 $0xFFFFFFFF;
	p2 =	slt.u32 s8, $0xFFFFF086  }
0x1c: {  	p1 =	slt.u32 s9, $0xF7A;
	s5 =	simm.s32 @!p2 $0x0  }
0x1d: {  	s5 =	simm.s32 @p1 $0x1;
	p0 =	seq.s32 s7, s2  }
0x1e: {  	s7 =	smul.u32 @!p0 $0xF7A, s2;
	p2 =	seq.s32 @!p0 s5, $0x0  }
0x1f: {  	s9 =	smul.u32 $0xF7A, s1;
	s8 =	simm.s32 @!p0 $0x1BF5;
	p2 =	por !p2, p0  }
0x20: {  	[sflag:s8] =	ssyncset.s32 @!p0 $0xFFFFF086;
	s6 =	sadd.s32 @!p0 s3, s7;
	s7 =	simm.s32 @!p0 $0x108  }
0x21: {  	s3 =	sadd.s32 s3, s9;
	s6 =	sadd.s32 @!p0 $0x88, s6;
	s7 =	simm.s32 @p2 $0x1082  }
0x22: {  	[simem:s7], [sflag:s8] =	dma.local @!p0 [hbm:s6], $0xF7A  }
0x23: {  	s9 =	sor.u32 $0xD0000000, s2;
	s6 =	simm.s32 $0x108;
	_ =	swait.ge @!p0 [sflag:s8], $0x0  }
0x24: {  	s3 =	sadd.s32 $0x88, s3;
	s6 =	simm.s32 @!p1 $0x1082;
	[sflag:s4] =	ssyncset.s32 $0xFFFFF086  }
0x25: {  	[simem:s6], [sflag:s4] =	dma.local [hbm:s3], $0xF7A  }
0x26: {  	[smem:$0x3F9E] =	sst s1;
	(tag) =	ssettag s2;
	_ =	strace s9  }
0x27: {  	s1 =	sld [smem:$0x3FAE]  }
0x28: {  	s2 =	sld [smem:$0x3FAF]  }
0x29: {  	s4 =	sld [smem:$0x3FB1]  }
0x2a: {  	p0 =	seq.s32 s5, $0x0;
	s5 =	sld [smem:$0x3FB2]  }
0x2b: {  	s6 =	sld [smem:$0x3FB3]  }
0x2c: {  	s7 =	sld [smem:$0x3FB4]  }
0x2d: {  	s3 =	simm.s32 $0x108;
	s8 =	sld [smem:$0x3FB5]  }
0x2e: {  	s3 =	simm.s32 @!p0 $0x1082;
	s9 =	sld [smem:$0x3FB6]  }
0x2f: {  	lr =	sadd.s32 s0, s3;
	s0 =	sld [smem:$0x3FAD]  }
0x30: {  	s3 =	sld [smem:$0x3FB0]  }
0x31: {  	[smem:$0x3FB9] =	sst s10  }
0x32: {  	s10 =	sld [smem:$0x3FB7];
	_ =	sdelay $0x3  }
0x33: {  	p0 =	seq.s32 s10, $0x1;
	s10 =	sld [smem:$0x3FB9];
	_ =	sdelay $0x3  }
0x34: {  	[smem:$0x3FB9] =	sst s10  }
0x35: {  	s10 =	sld [smem:$0x3FB8];
	_ =	sdelay $0x3  }
0x36: {  	p1 =	seq.s32 s10, $0x1;
	s10 =	sld [smem:$0x3FB9];
	_ =	sdelay $0x3  }
0x37: {  	[smem:$0x3FB9] =	sst s10  }
0x38: {  	s10 =	sld [smem:$0x3FBA]  }
0x39: {  	_ = 	snop;
	(pc) =	sbr.ind lr, $3  }
0x3a: {  	_ = 	snop  }
0x3b: {  	_ = 	snop  }
0x3c: {  	p2 =	seq.s32 s10, $0x1;
	s10 =	sld [smem:$0x3FB9]  }
0x3d: {  	_ =	shalt  }
0x3e: {  	_ =	shalt  }
0x3f: {  	_ =	shalt  }
0x40: {  	_ =	shalt  }
0x41: {  	_ =	shalt  }
0x42: {  	_ =	shalt  }
0x43: {  	_ =	shalt  }
0x44: {  	_ =	shalt  }
0x45: {  	_ =	shalt  }
0x46: {  	_ =	shalt  }
0x47: {  	_ =	shalt  }
0x48: {  	_ =	shalt  }
0x49: {  	_ =	shalt  }
0x4a: {  	_ =	shalt  }
0x4b: {  	_ =	shalt  }
0x4c: {  	_ =	shalt  }
0x4d: {  	_ =	shalt  }
0x4e: {  	_ =	shalt  }
0x4f: {  	_ =	shalt  }
0x50: {  	_ =	shalt  }
0x51: {  	_ =	shalt  }
0x52: {  	_ =	shalt  }
0x53: {  	_ =	shalt  }
0x54: {  	_ =	shalt  }
0x55: {  	_ =	shalt  }
0x56: {  	_ =	shalt  }
0x57: {  	_ =	shalt  }
0x58: {  	_ =	shalt  }
0x59: {  	_ =	shalt  }
0x5a: {  	_ =	shalt  }
0x5b: {  	_ =	shalt  }
0x5c: {  	_ =	shalt  }
0x5d: {  	_ =	shalt  }
0x5e: {  	_ =	shalt  }
0x5f: {  	_ =	shalt  }
0x60: {  	_ =	shalt  }
0x61: {  	_ =	shalt  }
0x62: {  	_ =	shalt  }
0x63: {  	_ =	shalt  }
0x64: {  	_ =	shalt  }
0x65: {  	_ =	shalt  }
0x66: {  	_ =	shalt  }
0x67: {  	_ =	shalt  }
0x68: {  	_ =	shalt  }
0x69: {  	_ =	shalt  }
0x6a: {  	_ =	shalt  }
0x6b: {  	_ =	shalt  }
0x6c: {  	_ =	shalt  }
0x6d: {  	_ =	shalt  }
0x6e: {  	_ =	shalt  }
0x6f: {  	_ =	shalt  }
0x70: {  	_ =	shalt  }
0x71: {  	_ =	shalt  }
0x72: {  	_ =	shalt  }
0x73: {  	_ =	shalt  }
0x74: {  	_ =	shalt  }
0x75: {  	_ =	shalt  }
0x76: {  	_ =	shalt  }
0x77: {  	_ =	shalt  }
0x78: {  	_ =	shalt  }
0x79: {  	_ =	shalt  }
0x7a: {  	_ =	shalt  }
0x7b: {  	_ =	shalt  }
0x7c: {  	_ =	shalt  }
0x7d: {  	_ =	shalt  }
0x7e: {  	_ =	shalt  }
0x7f: {  	_ =	shalt  }
0x80: {  	_ =	shalt  }
0x81: {  	_ =	shalt  }
0x82: {  	_ =	shalt  }
0x83: {  	_ =	shalt  }
0x84: {  	_ =	shalt  }
0x85: {  	_ =	shalt  }
0x86: {  	_ =	shalt  }
0x87: {  	_ =	shalt  }
.Lfunc_end0:
.L_simem_size_0:
called_computation_lowered:
.L_overlay_start_0:
0x88: {  	s2 =	sld [smem:$0x3FD9]  }
0x89: {  	s3 =	sld [smem:$0x3FFE];
	_ =	sdelay $0x1  }
0x8a: {  	s1 =	srdreg.scid  }
0x8b: {  	s0 =	sand.u32 $0x1, s1  }
0x8c: {  	s15 =	sshll.u32 s0, $0xA;
	s2 =	sadd.s32 s3, s2  }
0x8d: {  	s2 =	sadd.s32 s2, s15  }
0x8e: {  	[smem:$0x3FC5] =	sst s2  }
0x8f: {  	_ = 	snop  }
0x90: {  	s2 =	sld [smem:$0x3FD0]  }
0x91: {  	s16 =	sld [smem:$0x3FC9]  }
0x92: {  	s4 =	sld [smem:$0x3FC8]  }
0x93: {  	s6 =	simm.s32 $0xA;
	s7 =	simm.s32 $0x10;
	s5 =	sld [smem:$0x3FC7]  }
0x94: {  	[smem:s7], [sflag:s6] =	dma.local [hbm:s2], $0x1  }
0x95: {  	_ =	swait.eq [sflag:s6], $0x1  }
0x96: {  	[sflag:s6] =	ssyncset.done $0x0  }
0x97: {  	s17 =	sld [smem:$0x10];
	[sflag:s6] =	ssyncadd.s32 $0xFFFFFFFF  }
0x98: {  	s18 =	sld [smem:$0x11];
	(tm) =	ssettm $0x1  }
0x99: {  	s19 =	sld [smem:$0x3FFB];
	_ =	sdelay $0x3  }
0x9a: {  	_ =	strace s19  }
0x9b: {  	s7 =	sld [smem:$0x3FFC];
	_ =	sdelay $0x3  }
0x9c: {  	_ =	strace s7  }
0x9d: {  	s7 =	sld [smem:$0x3FFD];
	_ =	sdelay $0x3  }
0x9e: {  	_ =	strace s7  }
0x9f: {  	_ =	strace $0x8FFFFFFF  }
0xa0: {  	s20 =	sld [smem:$0x3FDB];
	_ =	sdelay $0x1  }
0xa1: {  	s8 =	simm.s32 $_scs_section_size  }
0xa2: {  	s9 =	simm.s32 $_size__tile_overlayer_lowered;
	s10 =	simm.s32 $_tile_overlayer_lowered  }
0xa3: {  	s23 =	simm.s32 $0x1BFF;
	s22 =	sshll.u32 s10, $0x1;
	s7 =	sadd.s32 s8, s20  }
0xa4: {  	s11 =	simm.s32 $0x0;
	s21 =	sshll.u32 s9, $0x1;
	s9 =	sadd.s32 s22, s7  }
0xa5: {  	[timem:s11], [sflag:s23] =	dma.local [hbm:s9], s21  }
0xa6: {  	_ =	swait.ge [sflag:s23], s21  }
0xa7: {  	s8 =	ssub.s32 $0x0, s21;
	[sflag:s23] =	ssyncset.done $0x0  }
0xa8: {  	[sflag:s23] =	ssyncadd.s32 s8;
	_ =	sdelay $0x1  }
0xa9: {  	s24 =	simm.s32 $0x1B8B  }
0xaa: {  	_ =	swait.ge [sflag:s24], $0x1  }
0xab: {  	[sflag:s24] =	ssyncset.done $0x0  }
0xac: {  	s25 =	simm.s32 $0x1B8E;
	[sflag:s24] =	ssyncadd.s32 $0xFFFFFFFF  }
0xad: {  	s26 =	simm.s32 $execute0_lowered;
	[smem:$0x3FD2] =	sst s25  }
0xae: {  	s8 =	sshll.u32 s26, $0x1;
	_ =	strace $0x80000046;
	[dreg:$0x1] =	wrdreg $0xFFFFFFFF  }
0xaf: {  	s28 =	simm.s32 $_size_execute0_lowered;
	s7 =	sadd.s32 s7, s8;
	[dreg:$0x0] =	wrdreg $0x0  }
0xb0: {  	s8 =	sshll.u32 s28, $0x1;
	[dreg:$0x2] =	wrdreg s7  }
0xb1: {  	[dreg:$0x3] =	wrdreg s8  }
0xb2: {  	[dreg:$0x4] =	wrdreg $0xC0  }
0xb3: {  	_ =	task [dreg:s11], $0x5FFFF  }
0xb4: {  	[dreg:$0x1] =	wrdreg $0xFFFFFFFF  }
0xb5: {  	[dreg:$0x0] =	wrdreg $0x60  }
0xb6: {  	[dreg:$0x2] =	wrdreg s16  }
0xb7: {  	[dreg:$0x3] =	wrdreg s4  }
0xb8: {  	[dreg:$0x4] =	wrdreg s5  }
0xb9: {  	[dreg:$0x5] =	wrdreg s17  }
0xba: {  	[dreg:$0x6] =	wrdreg s18  }
0xbb: {  	[dreg:$0x7] =	wrdreg $0x0  }
0xbc: {  	[dreg:$0x8] =	wrdreg $0x9  }
0xbd: {  	_ =	task.clear_ibuf [dreg:s11], $0x9FFFF;
	_ =	strace $0x90000046  }
0xbe: {  	s29 =	simm.s32 $0x9;
	_ =	strace $0x80000048  }
0xbf: {  	_ =	swait.ge [sflag:s29], $0x1  }
0xc0: {  	[sflag:s29] =	ssyncadd.s32 $0xFFFFFFFF  }
0xc1: {  	_ =	strace $0x90000048  }
0xc2: {  	_ =	sfence  }
0xc3: {  	s30 =	sld [smem:$0x0];
	_ =	sdelay $0x2  }
0xc4: {  	s31 =	sshll.u32 s1, $0xD;
	s1 =	sshrl.u32 s1, $0x2  }
0xc5: {  	s3 =	sand.u32 $0x4000, s31;
	s1 =	sadd.s32 s1, s30  }
0xc6: {  	s0 =	sor.u32 s3, s0;
	s1 =	sshll.u32 s1, $0x11  }
0xc7: {  	s0 =	sor.u32 s1, s0  }
0xc8: {  	s0 =	sadd.s32 $0x8F2B, s0  }
0xc9: {  	[sflag:s0] =	ssyncadd.remote.s32 $0x1  }
0xca: {  	_ =	sfence.sel $0xFFFF  }
0xcb: {  	[dreg:$0x0] =	wrdreg $0xFFFFFFFF;
	(pc) =	sbr.abs _section_cstart, $3  }
0xcc: {  	[dreg:$0x1] =	wrdreg $0xFFFFFFFF  }
0xcd: {  	_ =	task.clear_ibuf [dreg:s11], $0x2FFFF;
	_ =	strace $0x9FFFFFFF  }
0xce: {  	(tm) =	ssettm $0x7FFFFFFF  }
0xcf: {  	_ =	shalt  }
tec
execute0_lowered:
.L_overlay_start_1:
0x0: {  	(tag) =	ssettag $0x1  }
0x1: {  	s0 =	rddreg [dreg:$0x0]  }
0x2: {  	s1 =	rddreg [dreg:$0x2]  }
0x3: {  	s15 =	rddreg [dreg:$0x3]  }
0x4: {  	s2 =	srdreg.scid;
	s16 =	rddreg [dreg:$0x4]  }
0x5: {  	s4 =	stileid.u32;
	s5 =	rddreg [dreg:$0x5]  }
0x6: {  	s6 =	simm.s32 $0x0;
	s28 =	simm.s32 $0xD570;
	s30 =	smul.u32 $0xF4, s4  }
0x7: {  	s2 =	sand.u32 $0x1, s2;
	s3 =	sshll.u32 s4, $0x1;
	s18 =	smul.u32 $0x7A000, s4  }
0x8: {  	[smem:$0x7FF] =	sst s6;
	s7 =	sor.u32 s2, s3;
	s12 =	smul.u32 $0x7A, s2  }
0x9: {  	p0 =	sne.s32 s4, $0x0;
	s25 =	ssub.s32 $0x2, s2;
	s9 =	smul.u32 $0x7A0, s7  }
0xa: {  	_ =	strace $0x80000047;
	s10 =	smul.u32 $0x3D000, s7;
	s11 =	sshrl.u32 s25, $0x1  }
0xb: {  	s8 =	smul.u32 $0x3D00, s7;
	p1 =	sne.s32 s7, $0x2;
	s3 =	ssub.s32 s25, s11  }
0xc: {  	s11 =	sadd.s32 s12, s30;
	s26 =	sadd.s32 s1, s9;
	s10 =	sadd.s32 s15, s10  }
0xd: {  	s29 =	sor.u32 $0x80, s8;
	s9 =	sadd.s32 s16, s9;
	s13 =	sadd.s32 $0x100, s8  }
0xe: {  	s17 =	sshll.u32 s11, $0x4;
	s19 =	sadd.s32 $0x3A80, s8;
	[dreg:$0x11] =	wrdreg s26  }
0xf: {  	s24 =	sadd.s32 $0x6, s11;
	s11 =	sadd.s32 $0x8, s11;
	[dreg:$0x12] =	wrdreg s10  }
0x10: {  	[dreg:$0x13] =	wrdreg s9;
	s31 =	sshll.u32 s29, $0x4;
	s10 =	sshrl.u32 s29, $0x3  }
0x11: {  	s14 =	sshll.u32 s13, $0x4;
	s20 =	sshll.u32 s19, $0x4;
	s23 =	sadd.s32 $0x30, s17  }
0x12: {  	s21 =	sadd.s32 $0x20000040, s17;
	s9 =	sadd.s32 s15, s31;
	[dreg:$0xa] =	wrdreg s23  }
0x13: {  	s25 =	sshll.u32 s24, $0xB;
	s22 =	sand.u32 $0x3FFE0, s21;
	[dreg:$0x14] =	wrdreg s9  }
0x14: {  	s26 =	sadd.s32 $0x3B00, s8;
	s9 =	sadd.s32 s16, s10;
	[dreg:$0x9] =	wrdreg s22  }
0x15: {  	s10 =	sshrl.u32 s13, $0x3;
	s13 =	sadd.s32 $0x50, s17;
	[dreg:$0x15] =	wrdreg s9  }
0x16: {  	s11 =	sshrl.u32 s11, $0x1;
	s9 =	sadd.s32 s15, s14;
	[dreg:$0x7] =	wrdreg s13  }
0x17: {  	s31 =	sshll.u32 s26, $0x4;
	s10 =	sadd.s32 s16, s10;
	[dreg:$0x16] =	wrdreg s9  }
0x18: {  	s21 =	sadd.s32 $0x3C80, s8;
	s13 =	sadd.s32 s15, s20;
	[dreg:$0x17] =	wrdreg s10  }
0x19: {  	s22 =	sshll.u32 s21, $0x4;
	[dreg:$0x18] =	wrdreg s13;
	s9 =	sadd.s32 $0x70, s17  }
0x1a: {  	s14 =	smul.u32 $0x3D000, s2;
	s13 =	sshll.u32 s11, $0x5;
	[dreg:$0xb] =	wrdreg s9  }
0x1b: {  	s2 =	sshll.u32 s2, $0x7;
	s11 =	sshll.u32 s11, $0xC;
	[dreg:$0xf] =	wrdreg s13  }
0x1c: {  	s10 =	sshrl.u32 s19, $0x3;
	s12 =	sadd.s32 s14, s18;
	[dreg:$0x10] =	wrdreg s11  }
0x1d: {  	s19 =	sadd.s32 $0x3C00, s8;
	s10 =	sadd.s32 s16, s10;
	[dreg:$0x8] =	wrdreg s12  }
0x1e: {  	s9 =	sor.u32 $0x800, s25;
	s20 =	sshll.u32 s19, $0x4;
	[dreg:$0x19] =	wrdreg s10  }
0x1f: {  	s4 =	sshrl.u32 s19, $0x3;
	[dreg:$0xc] =	wrdreg s9;
	s7 =	sadd.s32 s15, s20  }
0x20: {  	s12 =	sshrl.u32 s24, $0x1;
	s4 =	sadd.s32 s16, s4;
	[dreg:$0x1e] =	wrdreg s7  }
0x21: {  	s2 =	sor.u32 $0x7A000, s2;
	s29 =	sshll.u32 s12, $0x5;
	[dreg:$0x1f] =	wrdreg s4  }
0x22: {  	s14 =	sadd.s32 $0x3B80, s8;
	s30 =	sshll.u32 s12, $0xC;
	[dreg:$0xd] =	wrdreg s29  }
0x23: {  	s10 =	sshrl.u32 s26, $0x3;
	s12 =	sadd.s32 s15, s31;
	[dreg:$0xe] =	wrdreg s30  }
0x24: {  	s17 =	sshll.u32 s14, $0x4;
	s10 =	sadd.s32 s16, s10;
	[dreg:$0x1a] =	wrdreg s12  }
0x25: {  	s9 =	sshrl.u32 s14, $0x3;
	s18 =	sadd.s32 s15, s17;
	[dreg:$0x1b] =	wrdreg s10  }
0x26: {  	s24 =	sshrl.u32 s2, $0x3;
	s9 =	sadd.s32 s16, s9;
	[dreg:$0x1c] =	wrdreg s18  }
0x27: {  	s2 =	sshll.u32 s2, $0x4;
	s4 =	sadd.s32 s15, s22;
	[dreg:$0x1d] =	wrdreg s9  }
0x28: {  	s23 =	sshrl.u32 s21, $0x3;
	s2 =	sadd.s32 s15, s2;
	[smem:$0x7F5] =	sst s4  }
0x29: {  	s14 =	simm.s32 $0x10;
	s25 =	sadd.s32 s1, s24;
	[smem:$0x7F7] =	sst s2  }
0x2a: {  	s26 =	sadd.s32 s16, s24;
	s1 =	sadd.s32 $0xF420, s1;
	[smem:$0x7F8] =	sst s25  }
0x2b: {  	s31 =	sadd.s32 $0xF420, s16;
	s7 =	simm.s32 $0x80;
	[smem:$0x7F9] =	sst s26  }
0x2c: {  	s17 =	simm.s32 $0x17;
	s22 =	simm.s32 $0x18;
	[smem:$0x7FA] =	sst s1  }
0x2d: {  	s4 =	sadd.s32 s16, s23;
	s29 =	smax.u32 s3, $0x1;
	[smem:$0x7FD] =	sst s31  }
0x2e: {  	s30 =	sadd.s32 $0x7A1000, s15;
	s10 =	simm.s32 $0x3;
	[smem:$0x7F6] =	sst s4  }
0x2f: {  	s15 =	simm.s32 $0x16;
	s16 =	simm.s32 $0x11;
	[smem:$0x7FB] =	sst s29  }
0x30: {  	s18 =	simm.s32 $0x12;
	s1 =	simm.s32 $0x0;
	[smem:$0x7FC] =	sst s30  }
.LBB2_1:
0x31: {  	[smem:$0x7F4] =	sst s1  }
0x32: {  	s19 =	sshrl.u32 @!p0 s5, $0x3;
	s20 =	simm.s32 @!p0 $0x1C19;
	s23 =	rddreg [dreg:$0x1]  }
0x33: {  	[spmem:s19], [sflag:s20] =	dma.local @!p0 [hbm:s23], $0x30E0  }
0x34: {  	s9 =	simm.s32 $0x1870;
	s11 =	simm.s32 $0x1B;
	s19 =	rddreg [dreg:$0x11]  }
0x35: {  	[tilespmem:s9], [sflag:$0x1B] =	stream.linear.gather [hbm4b:s19+s6], $0x3D00, $0x38;
	[tilespmem:$0x1EA70] =	vst v63  }
0x36: {  	_ =	swait.ge [sflag:s11], $0x3D00  }
0x37: {  	[sflag:s11] =	ssyncset.done $0x0  }
0x38: {  	[sflag:s11] =	ssyncadd.s32 $0xFFFFC300;
	s11 =	simm.s32 $0x5570  }
0x39: {  	[tilespmem:s11], [sflag:$0x1] =	stream.indirect.gather [hbm4b:s0+s7], $0x80, s9, s7, $0xb8;
	[tilespmem:$0x1EA70] =	vst v63  }
0x3a: {  	s12 =	simm.s32 $0x18F0;
	s26 =	simm.s32 $0x9570  }
0x3b: {  	[tilespmem:s26], [sflag:$0x2] =	stream.indirect.gather [hbm4b:s0+s7], $0x80, s12, s7, $0xb8;
	[tilespmem:$0x1EA70] =	vst v63  }
0x3c: {  	s24 =	simm.s32 $0x1970  }
0x3d: {  	[tilespmem:s28], [sflag:$0x3] =	stream.indirect.gather [hbm4b:s0+s7], $0x80, s24, s7, $0xb8;
	[tilespmem:$0x1EA70] =	vst v63  }
0x3e: {  	s25 =	simm.s32 $0x19F0;
	s29 =	simm.s32 $0x11570;
	s19 =	simm.s32 @!p0 $0x19  }
0x3f: {  	[tilespmem:s29], [sflag:$0x4] =	stream.indirect.gather [hbm4b:s0+s7], $0x80, s25, s7, $0xb8;
	[tilespmem:$0x1EA70] =	vst v63  }
0x40: {  	_ =	swait.ge @!p0 [sflag:s19], $0x30E0  }
0x41: {  	[sflag:s19] =	ssyncset.done @!p0 $0x0  }
0x42: {  	[sflag:s19] =	ssyncadd.s32 @!p0 $0xFFFFCF20  }
0x43: {  	s13 =	simm.s32 $0x1D570;
	[bflag:$0x0] =	sbarrier.arrive $0xFFFF  }
0x44: {  	[tilespmem:s13], [sflag:$0x7] =	stream.indirect.gather [spmem:s5], $0x1, s9, s7, $0xb8;
	[tilespmem:$0x1EA70] =	vst v63  }
0x45: {  	s21 =	simm.s32 $0x1D5F0  }
0x46: {  	[tilespmem:s21], [sflag:$0x8] =	stream.indirect.gather [spmem:s5], $0x1, s12, s7, $0xb8;
	[tilespmem:$0x1EA70] =	vst v63  }
0x47: {  	s3 =	simm.s32 $0x1D670  }
0x48: {  	[tilespmem:s3], [sflag:$0x9] =	stream.indirect.gather [spmem:s5], $0x1, s24, s7, $0xb8;
	[tilespmem:$0x1EA70] =	vst v63  }
0x49: {  	s1 =	simm.s32 $0x1;
	s9 =	simm.s32 $0x1D6F0  }
0x4a: {  	[tilespmem:s9], [sflag:$0xA] =	stream.indirect.gather [spmem:s5], $0x1, s25, s7, $0xb8;
	[tilespmem:$0x1EA70] =	vst v63  }
0x4b: {  	_ =	swait.ge [sflag:s1], $0x4000  }
0x4c: {  	[sflag:s1] =	ssyncset.done $0x0  }
0x4d: {  	s30 =	simm.s32 $0x7;
	[sflag:s1] =	ssyncadd.s32 $0xFFFFC000  }
0x4e: {  	_ =	swait.ge [sflag:s30], $0x80  }
0x4f: {  	[sflag:s30] =	ssyncset.done $0x0  }
0x50: {  	s31 =	rddreg [dreg:$0x12];
	[sflag:s30] =	ssyncadd.s32 $0xFFFFFF80  }
0x51: {  	[hbm4b:s31+s6] =	stream.linear.scatter [tilespmem:s11], [sflag:$0xD], $0x4000, $0x38;
	[tilespmem:$0x1EA70] =	vst v63  }
0x52: {  	s2 =	rddreg [dreg:$0x13]  }
0x53: {  	[hbm4b:s2+s6] =	stream.linear.scatter [tilespmem:s13], [sflag:$0x13], $0x80, $0x38;
	[tilespmem:$0x1EA70] =	vst v63  }
0x54: {  	s4 =	simm.s32 $0x1A70;
	s31 =	simm.s32 $0x15570  }
0x55: {  	[tilespmem:s31], [sflag:$0x5] =	stream.indirect.gather [hbm4b:s0+s7], $0x80, s4, s7, $0xb8;
	[tilespmem:$0x1EA70] =	vst v63  }
0x56: {  	s2 =	simm.s32 $0x1D770  }
0x57: {  	[tilespmem:s2], [sflag:$0xB] =	stream.indirect.gather [spmem:s5], $0x1, s4, s7, $0xb8;
	[tilespmem:$0x1EA70] =	vst v63  }
0x58: {  	s4 =	simm.s32 $0x2  }
0x59: {  	_ =	swait.ge [sflag:s4], $0x4000  }
0x5a: {  	[sflag:s4] =	ssyncset.done $0x0  }
0x5b: {  	s2 =	simm.s32 $0x8;
	[sflag:s4] =	ssyncadd.s32 $0xFFFFC000  }
0x5c: {  	_ =	swait.ge [sflag:s2], $0x80  }
0x5d: {  	[sflag:s2] =	ssyncset.done $0x0  }
0x5e: {  	s8 =	rddreg [dreg:$0x14];
	[sflag:s2] =	ssyncadd.s32 $0xFFFFFF80  }
0x5f: {  	[hbm4b:s8+s6] =	stream.linear.scatter [tilespmem:s26], [sflag:$0xE], $0x4000, $0x38;
	[tilespmem:$0x1EA70] =	vst v63  }
0x60: {  	s12 =	rddreg [dreg:$0x15]  }
0x61: {  	[hbm4b:s12+s6] =	stream.linear.scatter [tilespmem:s21], [sflag:$0x14], $0x80, $0x38;
	[tilespmem:$0x1EA70] =	vst v63  }
0x62: {  	s20 =	simm.s32 $0x1AF0;
	s8 =	simm.s32 $0x19570  }
0x63: {  	[tilespmem:s8], [sflag:$0x6] =	stream.indirect.gather [hbm4b:s0+s7], $0x80, s20, s7, $0xb8;
	[tilespmem:$0x1EA70] =	vst v63  }
0x64: {  	s8 =	simm.s32 $0x1D7F0  }
0x65: {  	[tilespmem:s8], [sflag:$0xC] =	stream.indirect.gather [spmem:s5], $0x1, s20, s7, $0xb8;
	[tilespmem:$0x1EA70] =	vst v63  }
0x66: {  	_ =	swait.ge [sflag:s10], $0x4000  }
0x67: {  	[sflag:s10] =	ssyncset.done $0x0  }
0x68: {  	s12 =	simm.s32 $0x9;
	[sflag:s10] =	ssyncadd.s32 $0xFFFFC000  }
0x69: {  	_ =	swait.ge [sflag:s12], $0x80  }
0x6a: {  	[sflag:s12] =	ssyncset.done $0x0  }
0x6b: {  	s23 =	rddreg [dreg:$0x16];
	[sflag:s12] =	ssyncadd.s32 $0xFFFFFF80  }
0x6c: {  	[hbm4b:s23+s6] =	stream.linear.scatter [tilespmem:s28], [sflag:$0xF], $0x4000, $0x38;
	[tilespmem:$0x1EA70] =	vst v63  }
0x6d: {  	s25 =	simm.s32 $0xD;
	s24 =	rddreg [dreg:$0x17]  }
0x6e: {  	[hbm4b:s24+s6] =	stream.linear.scatter [tilespmem:s3], [sflag:$0x15], $0x80, $0x38;
	[tilespmem:$0x1EA70] =	vst v63  }
0x6f: {  	_ =	swait.ge [sflag:s25], $0x4000  }
0x70: {  	[sflag:s25] =	ssyncset.done $0x0  }
0x71: {  	s20 =	simm.s32 $0x13;
	[sflag:s25] =	ssyncadd.s32 $0xFFFFC000  }
0x72: {  	_ =	swait.ge [sflag:s20], $0x80  }
0x73: {  	[sflag:s20] =	ssyncset.done $0x0  }
0x74: {  	s23 =	simm.s32 $0x1B70;
	[sflag:s20] =	ssyncadd.s32 $0xFFFFFF80  }
0x75: {  	[tilespmem:s11], [sflag:$0x1] =	stream.indirect.gather [hbm4b:s0+s7], $0x80, s23, s7, $0xb8;
	[tilespmem:$0x1EA70] =	vst v63  }
0x76: {  	s24 =	simm.s32 $0x4  }
0x77: {  	[tilespmem:s13], [sflag:$0x7] =	stream.indirect.gather [spmem:s5], $0x1, s23, s7, $0xb8;
	[tilespmem:$0x1EA70] =	vst v63  }
0x78: {  	_ =	swait.ge [sflag:s24], $0x4000  }
0x79: {  	[sflag:s24] =	ssyncset.done $0x0  }
0x7a: {  	s25 =	simm.s32 $0xA;
	[sflag:s24] =	ssyncadd.s32 $0xFFFFC000  }
0x7b: {  	_ =	swait.ge [sflag:s25], $0x80  }
0x7c: {  	s20 =	rddreg [dreg:$0x8];
	[sflag:s25] =	ssyncset.done $0x0  }
0x7d: {  	s24 =	rddreg [dreg:$0x3]  }
0x7e: {  	s19 =	sadd.s32 s24, s20  }
0x7f: {  	[sflag:s25] =	ssyncadd.s32 $0xFFFFFF80;
	s20 =	rddreg [dreg:$0xa];
	s25 =	sadd.s32 $0x1800, s19  }
0x80: {  	[hbm4b:s25+s6] =	stream.linear.scatter [tilespmem:s29], [sflag:$0x10], $0x4000, $0x38;
	[tilespmem:$0x1EA70] =	vst v63  }
0x81: {  	s25 =	rddreg [dreg:$0x4]  }
0x82: {  	s23 =	simm.s32 $0xE;
	s20 =	sadd.s32 s25, s20  }
0x83: {  	[hbm4b:s20+s6] =	stream.linear.scatter [tilespmem:s9], [sflag:$0x16], $0x80, $0x38;
	[tilespmem:$0x1EA70] =	vst v63  }
0x84: {  	_ =	swait.ge [sflag:s23], $0x4000  }
0x85: {  	[sflag:s23] =	ssyncset.done $0x0  }
0x86: {  	[sflag:s23] =	ssyncadd.s32 $0xFFFFC000;
	s23 =	simm.s32 $0x14  }
0x87: {  	_ =	swait.ge [sflag:s23], $0x80  }
0x88: {  	[sflag:s23] =	ssyncset.done $0x0  }
0x89: {  	[sflag:s23] =	ssyncadd.s32 $0xFFFFFF80;
	s23 =	simm.s32 $0x1BF0  }
0x8a: {  	[tilespmem:s26], [sflag:$0x2] =	stream.indirect.gather [hbm4b:s0+s7], $0x80, s23, s7, $0xb8;
	[tilespmem:$0x1EA70] =	vst v63  }
0x8b: {  	_ = 	snop  }
0x8c: {  	[tilespmem:s21], [sflag:$0x8] =	stream.indirect.gather [spmem:s5], $0x1, s23, s7, $0xb8;
	[tilespmem:$0x1EA70] =	vst v63  }
0x8d: {  	s23 =	simm.s32 $0x5  }
0x8e: {  	_ =	swait.ge [sflag:s23], $0x4000  }
0x8f: {  	[sflag:s23] =	ssyncset.done $0x0  }
0x90: {  	[sflag:s23] =	ssyncadd.s32 $0xFFFFC000;
	s23 =	simm.s32 $0xB  }
0x91: {  	_ =	swait.ge [sflag:s23], $0x80  }
0x92: {  	[sflag:s23] =	ssyncset.done $0x0  }
0x93: {  	s20 =	rddreg [dreg:$0x9];
	[sflag:s23] =	ssyncadd.s32 $0xFFFFFF80;
	s23 =	sadd.s32 $0x2000, s19  }
0x94: {  	[hbm4b:s23+s6] =	stream.linear.scatter [tilespmem:s31], [sflag:$0x11], $0x4000, $0x38;
	[tilespmem:$0x1EA70] =	vst v63  }
0x95: {  	s20 =	sadd.s32 s25, s20;
	s23 =	simm.s32 $0x1D770  }
0x96: {  	[hbm4b:s20+s6] =	stream.linear.scatter [tilespmem:s23], [sflag:$0x17], $0x80, $0x38;
	[tilespmem:$0x1EA70] =	vst v63  }
0x97: {  	s20 =	simm.s32 $0xF  }
0x98: {  	_ =	swait.ge [sflag:s20], $0x4000  }
0x99: {  	[sflag:s20] =	ssyncset.done $0x0  }
0x9a: {  	[sflag:s20] =	ssyncadd.s32 $0xFFFFC000;
	s20 =	simm.s32 $0x15  }
0x9b: {  	_ =	swait.ge [sflag:s20], $0x80  }
0x9c: {  	[sflag:s20] =	ssyncset.done $0x0  }
0x9d: {  	[sflag:s20] =	ssyncadd.s32 $0xFFFFFF80;
	s20 =	simm.s32 $0x1C70  }
0x9e: {  	[tilespmem:s28], [sflag:$0x3] =	stream.indirect.gather [hbm4b:s0+s7], $0x80, s20, s7, $0xb8;
	[tilespmem:$0x1EA70] =	vst v63  }
0x9f: {  	_ = 	snop  }
0xa0: {  	[tilespmem:s3], [sflag:$0x9] =	stream.indirect.gather [spmem:s5], $0x1, s20, s7, $0xb8;
	[tilespmem:$0x1EA70] =	vst v63  }
0xa1: {  	s20 =	simm.s32 $0x6  }
0xa2: {  	_ =	swait.ge [sflag:s20], $0x4000  }
0xa3: {  	[sflag:s20] =	ssyncset.done $0x0  }
0xa4: {  	s3 =	simm.s32 $0xC;
	[sflag:s20] =	ssyncadd.s32 $0xFFFFC000  }
0xa5: {  	_ =	swait.ge [sflag:s3], $0x80  }
0xa6: {  	s19 =	sadd.s32 $0x2800, s19;
	[sflag:s3] =	ssyncset.done $0x0  }
0xa7: {  	s20 =	rddreg [dreg:$0x7];
	[sflag:s3] =	ssyncadd.s32 $0xFFFFFF80;
	s3 =	simm.s32 $0x19570  }
0xa8: {  	[hbm4b:s19+s6] =	stream.linear.scatter [tilespmem:s3], [sflag:$0x12], $0x4000, $0x38;
	[tilespmem:$0x1EA70] =	vst v63  }
0xa9: {  	s20 =	sadd.s32 s25, s20  }
0xaa: {  	[hbm4b:s20+s6] =	stream.linear.scatter [tilespmem:s8], [sflag:$0x18], $0x80, $0x38;
	[tilespmem:$0x1EA70] =	vst v63  }
0xab: {  	_ =	swait.ge [sflag:s14], $0x4000  }
0xac: {  	[sflag:s14] =	ssyncset.done $0x0  }
0xad: {  	[sflag:s14] =	ssyncadd.s32 $0xFFFFC000  }
0xae: {  	_ =	swait.ge [sflag:s15], $0x80  }
0xaf: {  	[sflag:s15] =	ssyncset.done $0x0  }
0xb0: {  	s20 =	simm.s32 $0x1CF0;
	[sflag:s15] =	ssyncadd.s32 $0xFFFFFF80  }
0xb1: {  	[tilespmem:s29], [sflag:$0x4] =	stream.indirect.gather [hbm4b:s0+s7], $0x80, s20, s7, $0xb8;
	[tilespmem:$0x1EA70] =	vst v63  }
0xb2: {  	_ = 	snop  }
0xb3: {  	[tilespmem:s9], [sflag:$0xA] =	stream.indirect.gather [spmem:s5], $0x1, s20, s7, $0xb8;
	[tilespmem:$0x1EA70] =	vst v63  }
0xb4: {  	_ =	swait.ge [sflag:s1], $0x4000  }
0xb5: {  	[sflag:s1] =	ssyncset.done $0x0  }
0xb6: {  	[sflag:s1] =	ssyncadd.s32 $0xFFFFC000  }
0xb7: {  	_ =	swait.ge [sflag:s30], $0x80  }
0xb8: {  	s20 =	rddreg [dreg:$0xe];
	[sflag:s30] =	ssyncset.done $0x0  }
0xb9: {  	s29 =	rddreg [dreg:$0xd];
	[sflag:s30] =	ssyncadd.s32 $0xFFFFFF80;
	s19 =	sadd.s32 s24, s20  }
0xba: {  	[hbm4b:s19+s6] =	stream.linear.scatter [tilespmem:s11], [sflag:$0xD], $0x4000, $0x38;
	[tilespmem:$0x1EA70] =	vst v63  }
0xbb: {  	s1 =	sadd.s32 s25, s29  }
0xbc: {  	[hbm4b:s1+s6] =	stream.linear.scatter [tilespmem:s13], [sflag:$0x13], $0x80, $0x38;
	[tilespmem:$0x1EA70] =	vst v63  }
0xbd: {  	_ =	swait.ge [sflag:s16], $0x4000  }
0xbe: {  	[sflag:s16] =	ssyncset.done $0x0  }
0xbf: {  	[sflag:s16] =	ssyncadd.s32 $0xFFFFC000  }
0xc0: {  	_ =	swait.ge [sflag:s17], $0x80  }
0xc1: {  	[sflag:s17] =	ssyncset.done $0x0  }
0xc2: {  	s9 =	simm.s32 $0x1D70;
	[sflag:s17] =	ssyncadd.s32 $0xFFFFFF80  }
0xc3: {  	[tilespmem:s31], [sflag:$0x5] =	stream.indirect.gather [hbm4b:s0+s7], $0x80, s9, s7, $0xb8;
	[tilespmem:$0x1EA70] =	vst v63  }
0xc4: {  	_ = 	snop  }
0xc5: {  	[tilespmem:s23], [sflag:$0xB] =	stream.indirect.gather [spmem:s5], $0x1, s9, s7, $0xb8;
	[tilespmem:$0x1EA70] =	vst v63  }
0xc6: {  	_ =	swait.ge [sflag:s4], $0x4000  }
0xc7: {  	[sflag:s4] =	ssyncset.done $0x0  }
0xc8: {  	[sflag:s4] =	ssyncadd.s32 $0xFFFFC000  }
0xc9: {  	_ =	swait.ge [sflag:s2], $0x80  }
0xca: {  	s11 =	rddreg [dreg:$0xc];
	[sflag:s2] =	ssyncset.done $0x0  }
0xcb: {  	s13 =	rddreg [dreg:$0xb];
	[sflag:s2] =	ssyncadd.s32 $0xFFFFFF80;
	s19 =	sadd.s32 s24, s11  }
0xcc: {  	[hbm4b:s19+s6] =	stream.linear.scatter [tilespmem:s26], [sflag:$0xE], $0x4000, $0x38;
	[tilespmem:$0x1EA70] =	vst v63  }
0xcd: {  	s23 =	sadd.s32 s25, s13  }
0xce: {  	[hbm4b:s23+s6] =	stream.linear.scatter [tilespmem:s21], [sflag:$0x14], $0x80, $0x38;
	[tilespmem:$0x1EA70] =	vst v63  }
0xcf: {  	_ =	swait.ge [sflag:s18], $0x4000  }
0xd0: {  	[sflag:s18] =	ssyncset.done $0x0  }
0xd1: {  	[sflag:s18] =	ssyncadd.s32 $0xFFFFC000  }
0xd2: {  	_ =	swait.ge [sflag:s22], $0x80  }
0xd3: {  	[sflag:s22] =	ssyncset.done $0x0  }
0xd4: {  	s26 =	simm.s32 $0x1DF0;
	[sflag:s22] =	ssyncadd.s32 $0xFFFFFF80  }
0xd5: {  	[tilespmem:s3], [sflag:$0x6] =	stream.indirect.gather [hbm4b:s0+s7], $0x80, s26, s7, $0xb8;
	[tilespmem:$0x1EA70] =	vst v63  }
0xd6: {  	_ = 	snop  }
0xd7: {  	[tilespmem:s8], [sflag:$0xC] =	stream.indirect.gather [spmem:s5], $0x1, s26, s7, $0xb8;
	[tilespmem:$0x1EA70] =	vst v63  }
0xd8: {  	_ =	swait.ge [sflag:s10], $0x4000  }
0xd9: {  	[sflag:s10] =	ssyncset.done $0x0  }
0xda: {  	[sflag:s10] =	ssyncadd.s32 $0xFFFFC000  }
0xdb: {  	s30 =	simm.s32 $0xD570;
	_ =	swait.ge [sflag:s12], $0x80  }
0xdc: {  	s23 =	simm.s32 $0xC00;
	s29 =	rddreg [dreg:$0x10];
	[sflag:s12] =	ssyncset.done $0x0  }
0xdd: {  	s31 =	rddreg [dreg:$0xf];
	[sflag:s12] =	ssyncadd.s32 $0xFFFFFF80;
	s19 =	sadd.s32 s24, s29  }
0xde: {  	[hbm4b:s19+s6] =	stream.linear.scatter [tilespmem:s28], [sflag:$0xF], $0x4000, $0x38;
	[tilespmem:$0x1EA70] =	vst v63  }
0xdf: {  	s26 =	sadd.s32 $0x60, s25;
	s19 =	sadd.s32 s25, s31;
	s28 =	sadd.s32 $0x3000, s24  }
.LBB2_2:
0xe0: {  	s3 =	simm.s32 $0x1D670;
	s1 =	simm.s32 $0xD  }
0xe1: {  	[hbm4b:s19+s6] =	stream.linear.scatter [tilespmem:s3], [sflag:$0x15], $0x80, $0x38;
	[tilespmem:$0x1EA70] =	vst v63  }
0xe2: {  	_ =	swait.ge [sflag:s1], $0x4000  }
0xe3: {  	[sflag:s1] =	ssyncset.done $0x0  }
0xe4: {  	s13 =	simm.s32 $0x13;
	[sflag:s1] =	ssyncadd.s32 $0xFFFFC000  }
0xe5: {  	s11 =	smov.u32 s23;
	_ =	swait.ge [sflag:s13], $0x80  }
0xe6: {  	s19 =	sshra.s32 s11, $0x2;
	[sflag:s13] =	ssyncset.done $0x0  }
0xe7: {  	s11 =	simm.s32 $0x5570;
	s20 =	sadd.s32 $0x1B70, s19;
	[sflag:s13] =	ssyncadd.s32 $0xFFFFFF80  }
0xe8: {  	[tilespmem:s11], [sflag:$0x1] =	stream.indirect.gather [hbm4b:s0+s7], $0x80, s20, s7, $0xb8;
	[tilespmem:$0x1EA70] =	vst v63  }
0xe9: {  	s31 =	simm.s32 $0x1D570  }
0xea: {  	[tilespmem:s31], [sflag:$0x7] =	stream.indirect.gather [spmem:s5], $0x1, s20, s7, $0xb8;
	[tilespmem:$0x1EA70] =	vst v63  }
0xeb: {  	s20 =	simm.s32 $0x4  }
0xec: {  	_ =	swait.ge [sflag:s20], $0x4000  }
0xed: {  	[sflag:s20] =	ssyncset.done $0x0  }
0xee: {  	s21 =	simm.s32 $0xA;
	[sflag:s20] =	ssyncadd.s32 $0xFFFFC000  }
0xef: {  	_ =	swait.ge [sflag:s21], $0x80  }
0xf0: {  	s25 =	rddreg [dreg:$0x8]  }
0xf1: {  	s13 =	simm.s32 $0x11570;
	[sflag:s21] =	ssyncset.done $0x0;
	s20 =	sadd.s32 s28, s25  }
0xf2: {  	s24 =	rddreg [dreg:$0xa];
	[sflag:s21] =	ssyncadd.s32 $0xFFFFFF80;
	s25 =	sadd.s32 $0x1800, s20  }
0xf3: {  	[hbm4b:s25+s6] =	stream.linear.scatter [tilespmem:s13], [sflag:$0x10], $0x4000, $0x38;
	[tilespmem:$0x1EA70] =	vst v63  }
0xf4: {  	s2 =	simm.s32 $0xE;
	s1 =	simm.s32 $0x1D6F0;
	s24 =	sadd.s32 s26, s24  }
0xf5: {  	[hbm4b:s24+s6] =	stream.linear.scatter [tilespmem:s1], [sflag:$0x16], $0x80, $0x38;
	[tilespmem:$0x1EA70] =	vst v63  }
0xf6: {  	_ =	swait.ge [sflag:s2], $0x4000  }
0xf7: {  	[sflag:s2] =	ssyncset.done $0x0  }
0xf8: {  	s29 =	simm.s32 $0x14;
	[sflag:s2] =	ssyncadd.s32 $0xFFFFC000  }
0xf9: {  	_ =	swait.ge [sflag:s29], $0x80  }
0xfa: {  	[sflag:s29] =	ssyncset.done $0x0  }
0xfb: {  	s2 =	sadd.s32 $0x1BF0, s19;
	[sflag:s29] =	ssyncadd.s32 $0xFFFFFF80;
	s29 =	simm.s32 $0x9570  }
0xfc: {  	[tilespmem:s29], [sflag:$0x2] =	stream.indirect.gather [hbm4b:s0+s7], $0x80, s2, s7, $0xb8;
	[tilespmem:$0x1EA70] =	vst v63  }
0xfd: {  	s4 =	simm.s32 $0x5;
	s21 =	simm.s32 $0x1D5F0  }
0xfe: {  	[tilespmem:s21], [sflag:$0x8] =	stream.indirect.gather [spmem:s5], $0x1, s2, s7, $0xb8;
	[tilespmem:$0x1EA70] =	vst v63  }
0xff: {  	_ =	swait.ge [sflag:s4], $0x4000  }
0x100: {  	[sflag:s4] =	ssyncset.done $0x0  }
0x101: {  	s8 =	simm.s32 $0xB;
	[sflag:s4] =	ssyncadd.s32 $0xFFFFC000  }
0x102: {  	_ =	swait.ge [sflag:s8], $0x80  }
0x103: {  	s10 =	sadd.s32 $0x2000, s20;
	[sflag:s8] =	ssyncset.done $0x0  }
0x104: {  	s2 =	simm.s32 $0x15570;
	s9 =	rddreg [dreg:$0x9];
	[sflag:s8] =	ssyncadd.s32 $0xFFFFFF80  }
0x105: {  	[hbm4b:s10+s6] =	stream.linear.scatter [tilespmem:s2], [sflag:$0x11], $0x4000, $0x38;
	[tilespmem:$0x1EA70] =	vst v63  }
0x106: {  	s4 =	simm.s32 $0x1D770;
	s24 =	sadd.s32 s26, s9;
	s8 =	simm.s32 $0xF  }
0x107: {  	[hbm4b:s24+s6] =	stream.linear.scatter [tilespmem:s4], [sflag:$0x17], $0x80, $0x38;
	[tilespmem:$0x1EA70] =	vst v63  }
0x108: {  	_ =	swait.ge [sflag:s8], $0x4000  }
0x109: {  	[sflag:s8] =	ssyncset.done $0x0  }
0x10a: {  	s25 =	simm.s32 $0x15;
	[sflag:s8] =	ssyncadd.s32 $0xFFFFC000  }
0x10b: {  	_ =	swait.ge [sflag:s25], $0x80  }
0x10c: {  	[sflag:s25] =	ssyncset.done $0x0  }
0x10d: {  	s8 =	sadd.s32 $0x1C70, s19;
	[sflag:s25] =	ssyncadd.s32 $0xFFFFFF80  }
0x10e: {  	[tilespmem:s30], [sflag:$0x3] =	stream.indirect.gather [hbm4b:s0+s7], $0x80, s8, s7, $0xb8;
	[tilespmem:$0x1EA70] =	vst v63  }
0x10f: {  	s10 =	simm.s32 $0x6  }
0x110: {  	[tilespmem:s3], [sflag:$0x9] =	stream.indirect.gather [spmem:s5], $0x1, s8, s7, $0xb8;
	[tilespmem:$0x1EA70] =	vst v63  }
0x111: {  	_ =	swait.ge [sflag:s10], $0x4000  }
0x112: {  	[sflag:s10] =	ssyncset.done $0x0  }
0x113: {  	s24 =	simm.s32 $0xC;
	[sflag:s10] =	ssyncadd.s32 $0xFFFFC000  }
0x114: {  	_ =	swait.ge [sflag:s24], $0x80  }
0x115: {  	s20 =	sadd.s32 $0x2800, s20;
	[sflag:s24] =	ssyncset.done $0x0  }
0x116: {  	s8 =	simm.s32 $0x19570;
	s25 =	rddreg [dreg:$0x7];
	[sflag:s24] =	ssyncadd.s32 $0xFFFFFF80  }
0x117: {  	[hbm4b:s20+s6] =	stream.linear.scatter [tilespmem:s8], [sflag:$0x12], $0x4000, $0x38;
	[tilespmem:$0x1EA70] =	vst v63  }
0x118: {  	s10 =	simm.s32 $0x1D7F0;
	s3 =	sadd.s32 s26, s25  }
0x119: {  	[hbm4b:s3+s6] =	stream.linear.scatter [tilespmem:s10], [sflag:$0x18], $0x80, $0x38;
	[tilespmem:$0x1EA70] =	vst v63  }
0x11a: {  	_ =	swait.ge [sflag:s14], $0x4000  }
0x11b: {  	[sflag:s14] =	ssyncset.done $0x0  }
0x11c: {  	[sflag:s14] =	ssyncadd.s32 $0xFFFFC000  }
0x11d: {  	_ =	swait.ge [sflag:s15], $0x80  }
0x11e: {  	[sflag:s15] =	ssyncset.done $0x0  }
0x11f: {  	s24 =	sadd.s32 $0x1CF0, s19;
	[sflag:s15] =	ssyncadd.s32 $0xFFFFFF80  }
0x120: {  	[tilespmem:s13], [sflag:$0x4] =	stream.indirect.gather [hbm4b:s0+s7], $0x80, s24, s7, $0xb8;
	[tilespmem:$0x1EA70] =	vst v63  }
0x121: {  	s13 =	simm.s32 $0x1  }
0x122: {  	[tilespmem:s1], [sflag:$0xA] =	stream.indirect.gather [spmem:s5], $0x1, s24, s7, $0xb8;
	[tilespmem:$0x1EA70] =	vst v63  }
0x123: {  	_ =	swait.ge [sflag:s13], $0x4000  }
0x124: {  	[sflag:s13] =	ssyncset.done $0x0  }
0x125: {  	s20 =	simm.s32 $0x7;
	[sflag:s13] =	ssyncadd.s32 $0xFFFFC000  }
0x126: {  	_ =	swait.ge [sflag:s20], $0x80  }
0x127: {  	s24 =	rddreg [dreg:$0xe];
	[sflag:s20] =	ssyncset.done $0x0  }
0x128: {  	s13 =	rddreg [dreg:$0xd];
	[sflag:s20] =	ssyncadd.s32 $0xFFFFFF80;
	s20 =	sadd.s32 s28, s24  }
0x129: {  	[hbm4b:s20+s6] =	stream.linear.scatter [tilespmem:s11], [sflag:$0xD], $0x4000, $0x38;
	[tilespmem:$0x1EA70] =	vst v63  }
0x12a: {  	s11 =	sadd.s32 s26, s13  }
0x12b: {  	[hbm4b:s11+s6] =	stream.linear.scatter [tilespmem:s31], [sflag:$0x13], $0x80, $0x38;
	[tilespmem:$0x1EA70] =	vst v63  }
0x12c: {  	_ =	swait.ge [sflag:s16], $0x4000  }
0x12d: {  	[sflag:s16] =	ssyncset.done $0x0  }
0x12e: {  	[sflag:s16] =	ssyncadd.s32 $0xFFFFC000  }
0x12f: {  	_ =	swait.ge [sflag:s17], $0x80  }
0x130: {  	[sflag:s17] =	ssyncset.done $0x0  }
0x131: {  	s13 =	sadd.s32 $0x1D70, s19;
	[sflag:s17] =	ssyncadd.s32 $0xFFFFFF80  }
0x132: {  	[tilespmem:s2], [sflag:$0x5] =	stream.indirect.gather [hbm4b:s0+s7], $0x80, s13, s7, $0xb8;
	[tilespmem:$0x1EA70] =	vst v63  }
0x133: {  	s24 =	simm.s32 $0x2  }
0x134: {  	[tilespmem:s4], [sflag:$0xB] =	stream.indirect.gather [spmem:s5], $0x1, s13, s7, $0xb8;
	[tilespmem:$0x1EA70] =	vst v63  }
0x135: {  	_ =	swait.ge [sflag:s24], $0x4000  }
0x136: {  	[sflag:s24] =	ssyncset.done $0x0  }
0x137: {  	s31 =	simm.s32 $0x8;
	[sflag:s24] =	ssyncadd.s32 $0xFFFFC000  }
0x138: {  	_ =	swait.ge [sflag:s31], $0x80  }
0x139: {  	s11 =	rddreg [dreg:$0xc];
	[sflag:s31] =	ssyncset.done $0x0  }
0x13a: {  	s13 =	rddreg [dreg:$0xb];
	[sflag:s31] =	ssyncadd.s32 $0xFFFFFF80;
	s20 =	sadd.s32 s28, s11  }
0x13b: {  	[hbm4b:s20+s6] =	stream.linear.scatter [tilespmem:s29], [sflag:$0xE], $0x4000, $0x38;
	[tilespmem:$0x1EA70] =	vst v63  }
0x13c: {  	s24 =	sadd.s32 s26, s13  }
0x13d: {  	[hbm4b:s24+s6] =	stream.linear.scatter [tilespmem:s21], [sflag:$0x14], $0x80, $0x38;
	[tilespmem:$0x1EA70] =	vst v63  }
0x13e: {  	_ =	swait.ge [sflag:s18], $0x4000  }
0x13f: {  	[sflag:s18] =	ssyncset.done $0x0  }
0x140: {  	[sflag:s18] =	ssyncadd.s32 $0xFFFFC000  }
0x141: {  	_ =	swait.ge [sflag:s22], $0x80  }
0x142: {  	[sflag:s22] =	ssyncset.done $0x0  }
0x143: {  	s19 =	sadd.s32 $0x1DF0, s19;
	[sflag:s22] =	ssyncadd.s32 $0xFFFFFF80  }
0x144: {  	[tilespmem:s8], [sflag:$0x6] =	stream.indirect.gather [hbm4b:s0+s7], $0x80, s19, s7, $0xb8;
	[tilespmem:$0x1EA70] =	vst v63  }
0x145: {  	_ = 	snop  }
0x146: {  	[tilespmem:s10], [sflag:$0xC] =	stream.indirect.gather [spmem:s5], $0x1, s19, s7, $0xb8;
	[tilespmem:$0x1EA70] =	vst v63  }
0x147: {  	p2 =	sne.s32 s23, $0xD800;
	s10 =	simm.s32 $0x3  }
0x148: {  	s23 =	sadd.s32 $0xC00, s23;
	s9 =	simm.s32 $0x1D670;
	_ =	swait.ge [sflag:s10], $0x4000  }
0x149: {  	s25 =	simm.s32 $0x11570;
	s3 =	simm.s32 $0x1D6F0;
	[sflag:s10] =	ssyncset.done $0x0  }
0x14a: {  	s1 =	simm.s32 $0x15570;
	s2 =	simm.s32 $0x1D770;
	[sflag:s10] =	ssyncadd.s32 $0xFFFFC000  }
.Ltmp0:
0x14b: {  	s4 =	simm.s32 $0x19570;
	_ =	swait.ge [sflag:s12], $0x80;
	(pc) =	sbr.rel @p2 .LBB2_2-.Ltmp0, $4  }
0x14c: {  	s8 =	simm.s32 $0x1D7F0;
	s29 =	rddreg [dreg:$0x10];
	[sflag:s12] =	ssyncset.done $0x0  }
0x14d: {  	s31 =	rddreg [dreg:$0xf];
	[sflag:s12] =	ssyncadd.s32 $0xFFFFFF80;
	s19 =	sadd.s32 s28, s29  }
0x14e: {  	[hbm4b:s19+s6] =	stream.linear.scatter [tilespmem:s30], [sflag:$0xF], $0x4000, $0x38;
	[tilespmem:$0x1EA70] =	vst v63  }
0x14f: {  	s28 =	sadd.s32 $0x3000, s28;
	s19 =	sadd.s32 s26, s31;
	s26 =	sadd.s32 $0x60, s26  }
0x150: {  	[hbm4b:s19+s6] =	stream.linear.scatter [tilespmem:s9], [sflag:$0x15], $0x80, $0x38;
	[tilespmem:$0x1EA70] =	vst v63  }
0x151: {  	s9 =	simm.s32 $0xD  }
0x152: {  	_ =	swait.ge [sflag:s9], $0x4000  }
0x153: {  	[sflag:s9] =	ssyncset.done $0x0  }
0x154: {  	s12 =	simm.s32 $0x13;
	[sflag:s9] =	ssyncadd.s32 $0xFFFFC000  }
0x155: {  	_ =	swait.ge [sflag:s12], $0x80  }
0x156: {  	[sflag:s12] =	ssyncset.done $0x0  }
0x157: {  	s11 =	simm.s32 $0x5570;
	s21 =	simm.s32 $0x5470;
	[sflag:s12] =	ssyncadd.s32 $0xFFFFFF80  }
0x158: {  	[tilespmem:s11], [sflag:$0x1] =	stream.indirect.gather [hbm4b:s0+s7], $0x80, s21, s7, $0xb8;
	[tilespmem:$0x1EA70] =	vst v63  }
0x159: {  	s13 =	simm.s32 $0x1D570;
	s23 =	simm.s32 $0x4  }
0x15a: {  	[tilespmem:s13], [sflag:$0x7] =	stream.indirect.gather [spmem:s5], $0x1, s21, s7, $0xb8;
	[tilespmem:$0x1EA70] =	vst v63  }
0x15b: {  	_ =	swait.ge [sflag:s23], $0x4000  }
0x15c: {  	[sflag:s23] =	ssyncset.done $0x0  }
0x15d: {  	s24 =	simm.s32 $0xA;
	[sflag:s23] =	ssyncadd.s32 $0xFFFFC000  }
0x15e: {  	_ =	swait.ge [sflag:s24], $0x80  }
0x15f: {  	[sflag:s24] =	ssyncset.done $0x0  }
0x160: {  	s26 =	rddreg [dreg:$0x18];
	[sflag:s24] =	ssyncadd.s32 $0xFFFFFF80  }
0x161: {  	[hbm4b:s26+s6] =	stream.linear.scatter [tilespmem:s25], [sflag:$0x10], $0x4000, $0x38;
	[tilespmem:$0x1EA70] =	vst v63  }
0x162: {  	s29 =	rddreg [dreg:$0x19]  }
0x163: {  	[hbm4b:s29+s6] =	stream.linear.scatter [tilespmem:s3], [sflag:$0x16], $0x80, $0x38;
	[tilespmem:$0x1EA70] =	vst v63  }
0x164: {  	s3 =	simm.s32 $0xE  }
0x165: {  	_ =	swait.ge [sflag:s3], $0x4000  }
0x166: {  	[sflag:s3] =	ssyncset.done $0x0  }
0x167: {  	s23 =	simm.s32 $0x14;
	[sflag:s3] =	ssyncadd.s32 $0xFFFFC000  }
0x168: {  	_ =	swait.ge [sflag:s23], $0x80  }
0x169: {  	[sflag:s23] =	ssyncset.done $0x0  }
0x16a: {  	s20 =	simm.s32 $0x9570;
	s30 =	simm.s32 $0x54F0;
	[sflag:s23] =	ssyncadd.s32 $0xFFFFFF80  }
0x16b: {  	[tilespmem:s20], [sflag:$0x2] =	stream.indirect.gather [hbm4b:s0+s7], $0x80, s30, s7, $0xb8;
	[tilespmem:$0x1EA70] =	vst v63  }
0x16c: {  	s31 =	simm.s32 $0x5;
	s21 =	simm.s32 $0x1D5F0  }
0x16d: {  	[tilespmem:s21], [sflag:$0x8] =	stream.indirect.gather [spmem:s5], $0x1, s30, s7, $0xb8;
	[tilespmem:$0x1EA70] =	vst v63  }
0x16e: {  	_ =	swait.ge [sflag:s31], $0x4000  }
0x16f: {  	[sflag:s31] =	ssyncset.done $0x0  }
0x170: {  	s24 =	simm.s32 $0xB;
	[sflag:s31] =	ssyncadd.s32 $0xFFFFC000  }
0x171: {  	_ =	swait.ge [sflag:s24], $0x80  }
0x172: {  	[sflag:s24] =	ssyncset.done $0x0  }
0x173: {  	s25 =	rddreg [dreg:$0x1a];
	[sflag:s24] =	ssyncadd.s32 $0xFFFFFF80  }
0x174: {  	[hbm4b:s25+s6] =	stream.linear.scatter [tilespmem:s1], [sflag:$0x11], $0x4000, $0x38;
	[tilespmem:$0x1EA70] =	vst v63  }
0x175: {  	s29 =	simm.s32 $0x6;
	s26 =	rddreg [dreg:$0x1b]  }
0x176: {  	[hbm4b:s26+s6] =	stream.linear.scatter [tilespmem:s2], [sflag:$0x17], $0x80, $0x38;
	[tilespmem:$0x1EA70] =	vst v63  }
0x177: {  	_ =	swait.ge [sflag:s29], $0x4000  }
0x178: {  	[sflag:s29] =	ssyncset.done $0x0  }
0x179: {  	s30 =	simm.s32 $0xC;
	[sflag:s29] =	ssyncadd.s32 $0xFFFFC000  }
0x17a: {  	_ =	swait.ge [sflag:s30], $0x80  }
0x17b: {  	[sflag:s30] =	ssyncset.done $0x0  }
0x17c: {  	s31 =	rddreg [dreg:$0x1c];
	[sflag:s30] =	ssyncadd.s32 $0xFFFFFF80  }
0x17d: {  	[hbm4b:s31+s6] =	stream.linear.scatter [tilespmem:s4], [sflag:$0x12], $0x4000, $0x38;
	[tilespmem:$0x1EA70] =	vst v63  }
0x17e: {  	s2 =	simm.s32 $0x1;
	s1 =	rddreg [dreg:$0x1d]  }
0x17f: {  	[hbm4b:s1+s6] =	stream.linear.scatter [tilespmem:s8], [sflag:$0x18], $0x80, $0x38;
	[tilespmem:$0x1EA70] =	vst v63  }
0x180: {  	_ =	swait.ge [sflag:s2], $0x4000  }
0x181: {  	[sflag:s2] =	ssyncset.done $0x0  }
0x182: {  	s4 =	simm.s32 $0x7;
	[sflag:s2] =	ssyncadd.s32 $0xFFFFC000  }
0x183: {  	_ =	swait.ge [sflag:s4], $0x80  }
0x184: {  	[sflag:s4] =	ssyncset.done $0x0  }
0x185: {  	s8 =	rddreg [dreg:$0x1e];
	[sflag:s4] =	ssyncadd.s32 $0xFFFFFF80  }
0x186: {  	[hbm4b:s8+s6] =	stream.linear.scatter [tilespmem:s11], [sflag:$0xD], $0x4000, $0x38;
	[tilespmem:$0x1EA70] =	vst v63  }
0x187: {  	s11 =	rddreg [dreg:$0x1f]  }
0x188: {  	[hbm4b:s11+s6] =	stream.linear.scatter [tilespmem:s13], [sflag:$0x13], $0x80, $0x38;
	[tilespmem:$0x1EA70] =	vst v63  }
0x189: {  	s13 =	simm.s32 $0x2  }
0x18a: {  	_ =	swait.ge [sflag:s13], $0x4000  }
0x18b: {  	[sflag:s13] =	ssyncset.done $0x0  }
0x18c: {  	s19 =	simm.s32 $0x8;
	[sflag:s13] =	ssyncadd.s32 $0xFFFFC000  }
0x18d: {  	_ =	swait.ge [sflag:s19], $0x80  }
0x18e: {  	s24 =	sld [smem:$0x7F5]  }
0x18f: {  	[sflag:s19] =	ssyncset.done $0x0  }
0x190: {  	s25 =	sld [smem:$0x7F6];
	[sflag:s19] =	ssyncadd.s32 $0xFFFFFF80  }
0x191: {  	[hbm4b:s24+s6] =	stream.linear.scatter [tilespmem:s20], [sflag:$0xE], $0x4000, $0x38;
	[tilespmem:$0x1EA70] =	vst v63  }
0x192: {  	_ = 	snop  }
0x193: {  	[hbm4b:s25+s6] =	stream.linear.scatter [tilespmem:s21], [sflag:$0x14], $0x80, $0x38;
	[tilespmem:$0x1EA70] =	vst v63  }
0x194: {  	_ =	swait.ge [sflag:s9], $0x4000  }
0x195: {  	[sflag:s9] =	ssyncset.done $0x0  }
0x196: {  	[sflag:s9] =	ssyncadd.s32 $0xFFFFC000  }
0x197: {  	_ =	swait.ge [sflag:s12], $0x80  }
0x198: {  	[sflag:s12] =	ssyncset.done $0x0  }
0x199: {  	[sflag:s12] =	ssyncadd.s32 $0xFFFFFF80  }
0x19a: {  	_ =	swait.ge [sflag:s3], $0x4000  }
0x19b: {  	[sflag:s3] =	ssyncset.done $0x0  }
0x19c: {  	[sflag:s3] =	ssyncadd.s32 $0xFFFFC000  }
0x19d: {  	_ =	swait.ge [sflag:s23], $0x80  }
0x19e: {  	[sflag:s23] =	ssyncset.done $0x0  }
0x19f: {  	s26 =	simm.s32 $0xF;
	[sflag:s23] =	ssyncadd.s32 $0xFFFFFF80  }
0x1a0: {  	_ =	swait.ge [sflag:s26], $0x4000  }
0x1a1: {  	[sflag:s26] =	ssyncset.done $0x0  }
0x1a2: {  	s29 =	simm.s32 $0x15;
	[sflag:s26] =	ssyncadd.s32 $0xFFFFC000  }
0x1a3: {  	_ =	swait.ge [sflag:s29], $0x80  }
0x1a4: {  	[sflag:s29] =	ssyncset.done $0x0  }
0x1a5: {  	[sflag:s29] =	ssyncadd.s32 $0xFFFFFF80  }
0x1a6: {  	_ =	swait.ge [sflag:s14], $0x4000  }
0x1a7: {  	[sflag:s14] =	ssyncset.done $0x0  }
0x1a8: {  	[sflag:s14] =	ssyncadd.s32 $0xFFFFC000  }
0x1a9: {  	_ =	swait.ge [sflag:s15], $0x80  }
0x1aa: {  	[sflag:s15] =	ssyncset.done $0x0  }
0x1ab: {  	[sflag:s15] =	ssyncadd.s32 $0xFFFFFF80  }
0x1ac: {  	_ =	swait.ge [sflag:s16], $0x4000  }
0x1ad: {  	[sflag:s16] =	ssyncset.done $0x0  }
0x1ae: {  	[sflag:s16] =	ssyncadd.s32 $0xFFFFC000  }
0x1af: {  	_ =	swait.ge [sflag:s17], $0x80  }
0x1b0: {  	[sflag:s17] =	ssyncset.done $0x0  }
0x1b1: {  	[sflag:s17] =	ssyncadd.s32 $0xFFFFFF80  }
0x1b2: {  	_ =	swait.ge [sflag:s18], $0x4000  }
0x1b3: {  	[sflag:s18] =	ssyncset.done $0x0  }
0x1b4: {  	[sflag:s18] =	ssyncadd.s32 $0xFFFFC000  }
0x1b5: {  	_ =	swait.ge [sflag:s22], $0x80  }
0x1b6: {  	s23 =	sld [smem:$0x7F8]  }
0x1b7: {  	[sflag:s22] =	ssyncset.done $0x0  }
0x1b8: {  	s19 =	simm.s32 @!p0 $0x0;
	s20 =	simm.s32 @!p0 $0x1870;
	[sflag:s22] =	ssyncadd.s32 $0xFFFFFF80  }
0x1b9: {  	[tilespmem:s20], [sflag:$0x1B] =	stream.linear.gather @!p0 [hbm4b:s23+s19], $0x80, $0x38;
	[tilespmem:$0x1EA70] =	vst v63  }
0x1ba: {  	s23 =	simm.s32 @!p0 $0x1B  }
0x1bb: {  	_ =	swait.ge @!p0 [sflag:s23], $0x80  }
0x1bc: {  	[sflag:s23] =	ssyncset.done @!p0 $0x0  }
0x1bd: {  	s24 =	simm.s32 @!p0 $0x80;
	s25 =	simm.s32 @!p0 $0x5570;
	[sflag:s23] =	ssyncadd.s32 @!p0 $0xFFFFFF80  }
0x1be: {  	[tilespmem:s25], [sflag:$0x1] =	stream.indirect.gather @!p0 [hbm4b:s0+s24], $0x80, s20, s24, $0xb8;
	[tilespmem:$0x1EA70] =	vst v63  }
0x1bf: {  	s26 =	simm.s32 @!p0 $0x1D570  }
0x1c0: {  	[tilespmem:s26], [sflag:$0x7] =	stream.indirect.gather @!p0 [spmem:s5], $0x1, s20, s24, $0xb8;
	[tilespmem:$0x1EA70] =	vst v63  }
0x1c1: {  	s20 =	simm.s32 @!p0 $0x1  }
0x1c2: {  	_ =	swait.ge @!p0 [sflag:s20], $0x4000  }
0x1c3: {  	[sflag:s20] =	ssyncset.done @!p0 $0x0  }
0x1c4: {  	[sflag:s20] =	ssyncadd.s32 @!p0 $0xFFFFC000;
	s20 =	simm.s32 @!p0 $0x7  }
0x1c5: {  	_ =	swait.ge @!p0 [sflag:s20], $0x80  }
0x1c6: {  	[sflag:s20] =	ssyncset.done @!p0 $0x0  }
0x1c7: {  	[sflag:s20] =	ssyncadd.s32 @!p0 $0xFFFFFF80;
	s20 =	sld [smem:$0x7F7];
	_ =	sdelay $0x2  }
0x1c8: {  	[hbm4b:s20+s19] =	stream.linear.scatter @!p0 [tilespmem:s25], [sflag:$0x1B], $0x4000, $0x38;
	[tilespmem:$0x1EA70] =	vst v63  }
0x1c9: {  	_ =	swait.ge @!p0 [sflag:s23], $0x4000  }
0x1ca: {  	s20 =	sld [smem:$0x7F9]  }
0x1cb: {  	[sflag:s23] =	ssyncset.done @!p0 $0x0  }
0x1cc: {  	[sflag:s23] =	ssyncadd.s32 @!p0 $0xFFFFC000  }
0x1cd: {  	[hbm4b:s20+s19] =	stream.linear.scatter @!p0 [tilespmem:s26], [sflag:$0x1B], $0x80, $0x38;
	[tilespmem:$0x1EA70] =	vst v63  }
0x1ce: {  	_ =	swait.ge @!p0 [sflag:s23], $0x80  }
0x1cf: {  	[sflag:s23] =	ssyncset.done @!p0 $0x0  }
0x1d0: {  	[sflag:s23] =	ssyncadd.s32 @!p0 $0xFFFFFF80;
	s23 =	sld [smem:$0x7FA];
	_ =	sdelay $0x1  }
0x1d1: {  	s19 =	simm.s32 @!p1 $0x0;
	s20 =	simm.s32 @!p1 $0x1D970  }
0x1d2: {  	[tilespmem:s20], [sflag:$0x1B] =	stream.linear.gather @!p1 [hbm4b:s23+s19], $0x20, $0x38;
	[tilespmem:$0x1EA70] =	vst v63  }
0x1d3: {  	s23 =	simm.s32 @!p1 $0x1B  }
0x1d4: {  	_ =	swait.ge @!p1 [sflag:s23], $0x20  }
0x1d5: {  	[sflag:s23] =	ssyncset.done @!p1 $0x0  }
0x1d6: {  	s24 =	simm.s32 @!p1 $0x20;
	s25 =	simm.s32 @!p1 $0x1D9F0;
	[sflag:s23] =	ssyncadd.s32 @!p1 $0xFFFFFFE0  }
0x1d7: {  	[tilespmem:s25], [sflag:$0x19] =	stream.indirect.gather @!p1 [hbm4b:s0+s24], $0x80, s20, s24, $0xb8;
	[tilespmem:$0x1EA70] =	vst v63  }
0x1d8: {  	s26 =	simm.s32 @!p1 $0x1E9F0  }
0x1d9: {  	[tilespmem:s26], [sflag:$0x1A] =	stream.indirect.gather @!p1 [spmem:s5], $0x1, s20, s24, $0xb8;
	[tilespmem:$0x1EA70] =	vst v63  }
0x1da: {  	s20 =	simm.s32 @!p1 $0x19  }
0x1db: {  	_ =	swait.ge @!p1 [sflag:s20], $0x1000  }
0x1dc: {  	[sflag:s20] =	ssyncset.done @!p1 $0x0  }
0x1dd: {  	[sflag:s20] =	ssyncadd.s32 @!p1 $0xFFFFF000;
	s20 =	simm.s32 @!p1 $0x1A  }
0x1de: {  	_ =	swait.ge @!p1 [sflag:s20], $0x20  }
0x1df: {  	[sflag:s20] =	ssyncset.done @!p1 $0x0  }
0x1e0: {  	[sflag:s20] =	ssyncadd.s32 @!p1 $0xFFFFFFE0;
	s20 =	sld [smem:$0x7FC];
	_ =	sdelay $0x2  }
0x1e1: {  	[hbm4b:s20+s19] =	stream.linear.scatter @!p1 [tilespmem:s25], [sflag:$0x1B], $0x1000, $0x38;
	[tilespmem:$0x1EA70] =	vst v63  }
0x1e2: {  	_ =	swait.ge @!p1 [sflag:s23], $0x1000  }
0x1e3: {  	s20 =	sld [smem:$0x7FD]  }
0x1e4: {  	[sflag:s23] =	ssyncset.done @!p1 $0x0  }
0x1e5: {  	[sflag:s23] =	ssyncadd.s32 @!p1 $0xFFFFF000  }
0x1e6: {  	[hbm4b:s20+s19] =	stream.linear.scatter @!p1 [tilespmem:s26], [sflag:$0x1B], $0x20, $0x38;
	[tilespmem:$0x1EA70] =	vst v63  }
0x1e7: {  	_ =	swait.ge @!p1 [sflag:s23], $0x20  }
0x1e8: {  	s30 =	sld [smem:$0x7F4]  }
0x1e9: {  	s31 =	sld [smem:$0x7FB];
	_ =	sdelay $0x1  }
0x1ea: {  	s1 =	sadd.s32 $0x1, s30  }
0x1eb: {  	p2 =	sne.s32 s1, s31  }
.Ltmp1:
0x1ec: {  	_ = 	snop;
	(pc) =	sbr.rel @p2 .LBB2_1-.Ltmp1, $3  }
0x1ed: {  	_ =	sdelay $0x1  }
0x1ee: {  	[sflag:s23] =	ssyncset.done @!p1 $0x0  }
0x1ef: {  	s28 =	simm.s32 $0xD570;
	[sflag:s23] =	ssyncadd.s32 @!p1 $0xFFFFFFE0  }
0x1f0: {  	_ =	sfence.sel $0x180000  }
0x1f1: {  	[bflag:$0x0] =	sbarrier.arrive $0xFFFF  }
0x1f2: {  	_ =	strace $0x90000047  }
0x1f3: {  	[bflag:$0x2] =	sbarrier.arrive $0xFFFF  }
0x1f4: {  	s0 =	rddreg [dreg:$0x6]  }
0x1f5: {  	s0 =	sadd.s32 @!p0 $0x100000, s0  }
0x1f6: {  	[sflag:s0] =	ssyncadd.tile.s32 @!p0 $0x1;
	_ =	shalt  }
.Lfunc_end2:
_tile_overlayer_lowered:
.L_overlay_start_2:
0x1f7: {  	(tag) =	ssettag $0x2  }
0x1f8: {  	s0 =	rddreg [dreg:$0x0];
	s2 =	stileid.u32  }
0x1f9: {  	s1 =	rddreg [dreg:$0x1];
	p0 =	sne.s32 s2, $0x0  }
0x1fa: {  	s3 =	rddreg [dreg:$0x2];
	[bflag:$0x3] =	sbarrier.arrive $0xFFFF;
	s2 =	simm.s32 @!p0 $0x1C1B  }
0x1fb: {  	[timem:s3], [sflag:s2] =	dma.local @!p0 [hbm:s0], s1  }
0x1fc: {  	s0 =	simm.s32 @!p0 $0x1B  }
0x1fd: {  	_ =	swait.ge @!p0 [sflag:s0], s1  }
0x1fe: {  	s1 =	ssub.s32 @!p0 $0x0, s1;
	[sflag:s0] =	ssyncset.done @!p0 $0x0  }
0x1ff: {  	[sflag:s0] =	ssyncadd.s32 @!p0 s1  }
0x200: {  	[bflag:$0x3] =	sbarrier.arrive $0xFFFF  }
0x201: {  	_ =	shalt  }

</sc_bundles>
